<compile_context>
chip_gen: v7x
topology: tpu7x:2x2x1
jax: 0.10.2.dev20260603
libtpu: 0.0.44.dev20260713+nightly
codegen_flags: <defaults>
</compile_context>

<pallas_src>
import dataclasses
import functools

import jax
import jax.numpy as jnp
from jax import lax
from jax.experimental import pallas as pl
from jax.experimental.pallas import tpu as pltpu
from jax.experimental.pallas import tpu_sc as plsc

F32 = jnp.float32


def _sc_params():
    cp = pltpu.CompilerParams()
    if "needs_layout_passes" in pltpu.CompilerParams.__dataclass_fields__:
        cp = dataclasses.replace(cp, needs_layout_passes=False)
    return cp


def _leaky(x):
    return jnp.where(x > 0, x, 0.01 * x)



def _k1_body(nf, wr, wc, b1, p_ref, q_ref):
    x = nf[...]
    p_ref[...] = jnp.dot(x, wr[...], preferred_element_type=F32) + b1[...]
    q_ref[...] = jnp.dot(x, wc[...], preferred_element_type=F32)


def _node_precompute(node_feat, We1_r, We1_c, be1_2d, N, D, H, NB):
    return pl.pallas_call(
        _k1_body,
        grid=(N // NB,),
        in_specs=[
            pl.BlockSpec((NB, D), lambda i: (i, 0)),
            pl.BlockSpec((D, H), lambda i: (0, 0)),
            pl.BlockSpec((D, H), lambda i: (0, 0)),
            pl.BlockSpec((1, H), lambda i: (0, 0)),
        ],
        out_specs=[
            pl.BlockSpec((NB, H), lambda i: (i, 0)),
            pl.BlockSpec((NB, H), lambda i: (i, 0)),
        ],
        out_shape=[
            jax.ShapeDtypeStruct((N, H), F32),
            jax.ShapeDtypeStruct((N, H), F32),
        ],
    )(node_feat, We1_r, We1_c, be1_2d)



def _edge_gather(P, Q, cflat, row2d, col2d, N, E, H, W2):
    mesh = plsc.VectorSubcoreMesh(
        core_axis_name="core", subcore_axis_name="subcore",
        num_cores=2, num_subcores=16)

    @functools.partial(
        pl.kernel,
        out_type=(
            jax.ShapeDtypeStruct((E, H), F32),
            jax.ShapeDtypeStruct((E, 16), F32),
        ),
        mesh=mesh,
        scratch_types=[pltpu.VMEM((2 * N,), F32)],
        compiler_params=_sc_params(),
    )
    def k2a(p_hbm, c_hbm, row_hbm, col_hbm, g_hbm, geo_hbm, coords_v):
        pltpu.sync_copy(c_hbm.at[0], coords_v)
        zeros16 = jnp.zeros((16,), jnp.int32)
        ones16 = jnp.full((16,), 1, jnp.int32)
        twos16 = jnp.full((16,), 2, jnp.int32)

        def body(row_v, col_v, g_v, geo_v):
            pltpu.sync_copy(p_hbm.at[row_v.at[0]], g_v)

            @pl.loop(0, W2 // 16)
            def _(j):
                r16 = row_v[0, pl.ds(j * 16, 16)]
                c16 = col_v[0, pl.ds(j * 16, 16)]
                cxr = plsc.load_gather(coords_v, [r16 * 2])
                cyr = plsc.load_gather(coords_v, [r16 * 2 + 1])
                cxc = plsc.load_gather(coords_v, [c16 * 2])
                cyc = plsc.load_gather(coords_v, [c16 * 2 + 1])
                dx = cxr - cxc
                dy = cyr - cyc
                rad = dx * dx + dy * dy
                rows = j * 16 + lax.iota(jnp.int32, 16)
                plsc.store_scatter(geo_v, [rows, zeros16], dx)
                plsc.store_scatter(geo_v, [rows, ones16], dy)
                plsc.store_scatter(geo_v, [rows, twos16], rad)

        pltpu.emit_pipeline(
            body,
            grid=(E // W2,),
            in_specs=[
                pl.BlockSpec((1, W2), lambda i: (0, i)),
                pl.BlockSpec((1, W2), lambda i: (0, i)),
            ],
            out_specs=[
                pl.BlockSpec((W2, H), lambda i: (i, 0)),
                pl.BlockSpec((W2, 16), lambda i: (i, 0)),
            ],
            core_axis_name=("core", "subcore"),
            dimension_semantics=(pltpu.PARALLEL,),
        )(row_hbm, col_hbm, g_hbm, geo_hbm)

    @functools.partial(
        pl.kernel,
        out_type=jax.ShapeDtypeStruct((E, H), F32),
        mesh=mesh,
        compiler_params=_sc_params(),
    )
    def k2b(q_hbm, col_hbm, gq_hbm):
        def body(col_v, gq_v):
            pltpu.sync_copy(q_hbm.at[col_v.at[0]], gq_v)

        pltpu.emit_pipeline(
            body,
            grid=(E // W2,),
            in_specs=[pl.BlockSpec((1, W2), lambda i: (0, i))],
            out_specs=[pl.BlockSpec((W2, H), lambda i: (i, 0))],
            core_axis_name=("core", "subcore"),
            dimension_semantics=(pltpu.PARALLEL,),
        )(col_hbm, gq_hbm)

    GP, GEO = k2a(P, cflat, row2d, col2d)
    GQ = k2b(Q, col2d)
    return GP, GQ, GEO



def _k3_body(gp, gq, geo, ef, w1e, wrad, w2, b2, wc1, bc1, wc2, mx_ref):
    g = geo[...]
    radial = g[:, 2:3]
    pre1 = (gp[...] + gq[...] + radial * wrad[...]
            + jnp.dot(ef[...], w1e[...], preferred_element_type=F32))
    x1 = _leaky(pre1)
    m = _leaky(jnp.dot(x1, w2[...], preferred_element_type=F32) + b2[...])
    t = _leaky(jnp.dot(m, wc1[...], preferred_element_type=F32) + bc1[...])
    s = jnp.sum(t * wc2[...], axis=1, keepdims=True)
    inv = 1.0 / (jnp.sqrt(radial) + 1e-8)
    H = m.shape[1]
    mx_ref[:, 0:H] = m
    mx_ref[:, H:H + 16] = g * (s * inv)


def _edge_mlp(GP, GQ, GEO, edge_feat, W1e, wrad2d, We2, be2_2d,
              Wc1, bc1_2d, wc2_2d, E, DE, H, EB):
    full = lambda a, b: pl.BlockSpec((a, b), lambda i: (0, 0))
    blk = lambda b: pl.BlockSpec((EB, b), lambda i: (i, 0))
    return pl.pallas_call(
        _k3_body,
        grid=(E // EB,),
        in_specs=[
            blk(H), blk(H), blk(16), blk(DE),
            full(DE, H), full(1, H), full(H, H), full(1, H),
            full(H, H), full(1, H), full(1, H),
        ],
        out_specs=[blk(H + 128)],
        out_shape=[jax.ShapeDtypeStruct((E, H + 128), F32)],
    )(GP, GQ, GEO, edge_feat, W1e, wrad2d, We2, be2_2d, Wc1, bc1_2d,
      wc2_2d)[0]



def _k4_body(row_s, mxb, agg_ref, *, EB2):
    i = pl.program_id(0)

    @pl.when(i == 0)
    def _():
        agg_ref[...] = jnp.zeros_like(agg_ref)

    def step(e, carry):
        loc = row_s[0, 0, e]
        agg_ref[pl.ds(loc, 1), :] += mxb[pl.ds(e, 1), :]
        return carry

    lax.fori_loop(0, EB2, step, 0)


def _scatter_add(mx, row_flat, N, E, HX):
    NP = N + 16
    EB2 = 2000
    row3d = row_flat.reshape(E // EB2, 1, EB2)
    return pl.pallas_call(
        functools.partial(_k4_body, EB2=EB2),
        grid=(E // EB2,),
        in_specs=[
            pl.BlockSpec((1, 1, EB2), lambda i: (i, 0, 0),
                         memory_space=pltpu.SMEM),
            pl.BlockSpec((EB2, HX), lambda i: (i, 0)),
        ],
        out_specs=pl.BlockSpec((NP, HX), lambda i: (0, 0)),
        out_shape=jax.ShapeDtypeStruct((NP, HX), F32),
    )(row3d, mx)



def _k5_body(nf, agg, c16, aggc, wa, wb, b1, w2, b2, hp_ref, co_ref,
             sums_ref):
    i = pl.program_id(0)
    h1 = _leaky(jnp.dot(nf[...], wa[...], preferred_element_type=F32)
                + jnp.dot(agg[...], wb[...], preferred_element_type=F32)
                + b1[...])
    hp = jnp.dot(h1, w2[...], preferred_element_type=F32) + b2[...]
    co = c16[...] + aggc[...]
    hp_ref[...] = hp
    co_ref[...] = co

    @pl.when(i == 0)
    def _():
        sums_ref[...] = jnp.zeros_like(sums_ref)

    D = hp.shape[1]
    pad = ((0, 0), (0, D - co.shape[1]))
    sums_ref[0:1, :] += jnp.sum(hp, axis=0, keepdims=True)
    sums_ref[1:2, :] += jnp.sum(hp * hp, axis=0, keepdims=True)
    sums_ref[2:3, :] += jnp.pad(jnp.sum(co, axis=0, keepdims=True), pad)
    sums_ref[3:4, :] += jnp.pad(jnp.sum(co * co, axis=0, keepdims=True), pad)


def _node_mlp(node_feat, agg, C16, aggc, Wn1a, Wn1b, bn1_2d, Wn2, bn2_2d,
              N, D, H, NB):
    full = lambda a, b: pl.BlockSpec((a, b), lambda i: (0, 0))
    blk = lambda b: pl.BlockSpec((NB, b), lambda i: (i, 0))
    return pl.pallas_call(
        _k5_body,
        grid=(N // NB,),
        in_specs=[
            blk(D), blk(H), blk(16), blk(16),
            full(D, H), full(H, H), full(1, H), full(H, D), full(1, D),
        ],
        out_specs=[blk(D), blk(16), pl.BlockSpec((8, D), lambda i: (0, 0))],
        out_shape=[
            jax.ShapeDtypeStruct((N, D), F32),
            jax.ShapeDtypeStruct((N, 16), F32),
            jax.ShapeDtypeStruct((8, D), F32),
        ],
    )(node_feat, agg, C16, aggc, Wn1a, Wn1b, bn1_2d, Wn2, bn2_2d)



def _k6_body(n_inv_ref, hp, co, sums, g1, b1, g2, b2, h_ref, c_ref):
    n_inv = n_inv_ref[0]
    srow = sums[...]
    mean1 = srow[0:1, :] * n_inv
    var1 = srow[1:2, :] * n_inv - mean1 * mean1
    inv1 = lax.rsqrt(var1 + 1e-5)
    h = (hp[...] - mean1) * inv1 * g1[...] + b1[...]
    h_ref[...] = _leaky(h)
    mean2 = srow[2:3, 0:16] * n_inv
    var2 = srow[3:4, 0:16] * n_inv - mean2 * mean2
    inv2 = lax.rsqrt(var2 + 1e-5)
    c_ref[...] = (co[...] - mean2) * inv2 * g2[...] + b2[...]


def _bn_apply(hp, co16, sums, g1_2d, b1_2d, g2_16, b2_16, N, D, NB):
    full = lambda a, b: pl.BlockSpec((a, b), lambda i: (0, 0))
    blk = lambda b: pl.BlockSpec((NB, b), lambda i: (i, 0))
    n_inv = jnp.full((1,), 1.0 / N, F32)
    return pl.pallas_call(
        _k6_body,
        grid=(N // NB,),
        in_specs=[
            pl.BlockSpec(memory_space=pltpu.SMEM),
            blk(D), blk(16), full(8, D),
            full(1, D), full(1, D), full(1, 16), full(1, 16),
        ],
        out_specs=[blk(D), blk(16)],
        out_shape=[
            jax.ShapeDtypeStruct((N, D), F32),
            jax.ShapeDtypeStruct((N, 16), F32),
        ],
    )(n_inv, hp, co16, sums, g1_2d, b1_2d, g2_16, b2_16)



def kernel(coords, node_feat, edge_feat, edge_index, batch_index,
           num_sampled_nodes_per_hop, num_sampled_edges_per_hop,
           We1, be1, We2, be2, Wn1, bn1, Wn2, bn2,
           Wc1, bc1, Wc2, gamma1, beta1, gamma2, beta2):
    N, CD = coords.shape
    E, DE = edge_feat.shape
    D = node_feat.shape[1]
    H = We2.shape[0]

    We1_r = We1[:D]
    We1_c = We1[D:2 * D]
    wrad2d = We1[2 * D:2 * D + 1]
    W1e = We1[2 * D + 1:]

    C16 = jnp.pad(coords, ((0, 0), (0, 16 - CD)))
    cflat = coords.reshape(1, 2 * N)
    row2d = edge_index[0:1]
    col2d = edge_index[1:2]
    row_flat = edge_index[0]

    P, Q = _node_precompute(node_feat, We1_r, We1_c, be1.reshape(1, H),
                            N, D, H, NB=1000)
    GP, GQ, GEO = _edge_gather(P, Q, cflat, row2d, col2d, N, E, H, W2=128)
    mx = _edge_mlp(GP, GQ, GEO, edge_feat, W1e, wrad2d,
                   We2, be2.reshape(1, H), Wc1, bc1.reshape(1, H),
                   Wc2.reshape(1, H), E, DE, H, EB=640)
    agg_f = _scatter_add(mx, row_flat, N, E, H + 128)
    agg = agg_f[:N, 0:H]
    aggc = agg_f[:N, H:H + 16]
    hp, co16, sums = _node_mlp(node_feat, agg, C16, aggc,
                               Wn1[:D], Wn1[D:], bn1.reshape(1, H),
                               Wn2, bn2.reshape(1, D), N, D, H, NB=1000)
    g2_16 = jnp.pad(gamma2, (0, 16 - CD)).reshape(1, 16)
    b2_16 = jnp.pad(beta2, (0, 16 - CD)).reshape(1, 16)
    h, c16 = _bn_apply(hp, co16, sums, gamma1.reshape(1, D),
                       beta1.reshape(1, D), g2_16, b2_16, N, D, NB=1000)
    return (h, c16[:, :CD], edge_feat)

# --- scband reference (transcript-rebuilt; emitter-appended) ---
"""Pipeline reference for scband-egnnbasic-layer-27264452395626 (READ-ONLY COPY).

The authoritative reference and input builder live on the scoring server;
editing this copy changes nothing except your own understanding.
"""

import jax, jax.numpy as jnp
import numpy as np

N = 10000
E = 160000
D = 256
DE = 16
H = 256
CD = 2

def leaky(x):
    return jnp.where(x > 0, x, 0.01 * x)

def setup_inputs(seed: int = 0):
    key = jax.random.key(seed)
    ks = jax.random.split(key, 24)
    coords = jax.random.normal(ks[0], (N, CD), dtype=jnp.float32)
    node_feat = jax.random.normal(ks[1], (N, D), dtype=jnp.float32)
    edge_feat = jax.random.normal(ks[2], (E, DE), dtype=jnp.float32)
    edge_index = jax.random.randint(ks[3], (2, E), 0, N, dtype=jnp.int32)
    batch_index = jnp.sort(jax.random.randint(ks[4], (N,), 0, 16, dtype=jnp.int32))
    num_sampled_nodes_per_hop = jnp.ones((1,), dtype=jnp.int32)
    num_sampled_edges_per_hop = jnp.ones((1,), dtype=jnp.int32)
    in_edge = 2 * D + 1 + DE
    We1 = jax.random.normal(ks[5], (in_edge, H), dtype=jnp.float32) * 0.05
    be1 = jnp.zeros((H,), dtype=jnp.float32)
    We2 = jax.random.normal(ks[6], (H, H), dtype=jnp.float32) * 0.05
    be2 = jnp.zeros((H,), dtype=jnp.float32)
    Wn1 = jax.random.normal(ks[7], (D + H, H), dtype=jnp.float32) * 0.05
    bn1 = jnp.zeros((H,), dtype=jnp.float32)
    Wn2 = jax.random.normal(ks[8], (H, D), dtype=jnp.float32) * 0.05
    bn2 = jnp.zeros((D,), dtype=jnp.float32)
    Wc1 = jax.random.normal(ks[9], (H, H), dtype=jnp.float32) * 0.05
    bc1 = jnp.zeros((H,), dtype=jnp.float32)
    Wc2 = jax.random.normal(ks[10], (H, 1), dtype=jnp.float32) * 0.001
    gamma1 = jnp.ones((D,), dtype=jnp.float32)
    beta1 = jnp.zeros((D,), dtype=jnp.float32)
    gamma2 = jnp.ones((CD,), dtype=jnp.float32)
    beta2 = jnp.zeros((CD,), dtype=jnp.float32)
    return {"coords": coords, "node_feat": node_feat, "edge_feat": edge_feat,
            "edge_index": edge_index, "batch_index": batch_index,
            "num_sampled_nodes_per_hop": num_sampled_nodes_per_hop,
            "num_sampled_edges_per_hop": num_sampled_edges_per_hop,
            "We1": We1, "be1": be1, "We2": We2, "be2": be2,
            "Wn1": Wn1, "bn1": bn1, "Wn2": Wn2, "bn2": bn2,
            "Wc1": Wc1, "bc1": bc1, "Wc2": Wc2,
            "gamma1": gamma1, "beta1": beta1, "gamma2": gamma2, "beta2": beta2}

def reference(coords, node_feat, edge_feat, edge_index, batch_index,
              num_sampled_nodes_per_hop, num_sampled_edges_per_hop,
              We1, be1, We2, be2, Wn1, bn1, Wn2, bn2,
              Wc1, bc1, Wc2, gamma1, beta1, gamma2, beta2):
    row = edge_index[0]
    col = edge_index[1]
    # coord2radial (normalize=True)
    coord_diff = coords[row] - coords[col]
    radial = jnp.sum(coord_diff ** 2, axis=1, keepdims=True)
    nrm = jax.lax.stop_gradient(jnp.sqrt(radial)) + 1e-8
    coord_diff = coord_diff / nrm
    # edge model
    e_in = jnp.concatenate([node_feat[row], node_feat[col], radial, edge_feat], axis=1)
    m = leaky(e_in @ We1 + be1)
    m = leaky(m @ We2 + be2)
    # coord model (coords_agg='sum')
    t = leaky(m @ Wc1 + bc1)
    trans = coord_diff * (t @ Wc2)
    agg_c = jnp.zeros_like(coords).at[row].add(trans)
    coord_out = coords + agg_c
    # node model (segment-sum aggregation, residual=False)
    agg = jnp.zeros((coords.shape[0], m.shape[1]), dtype=m.dtype).at[row].add(m)
    n_in = jnp.concatenate([node_feat, agg], axis=1)
    h = leaky(n_in @ Wn1 + bn1)
    h = h @ Wn2 + bn2
    # batch norm (training mode, biased var) on node features
    mean1 = jnp.mean(h, axis=0)
    var1 = jnp.var(h, axis=0)
    h = (h - mean1) / jnp.sqrt(var1 + 1e-5) * gamma1 + beta1
    # batch norm on coords (num_features=2)
    mean2 = jnp.mean(coord_out, axis=0)
    var2 = jnp.var(coord_out, axis=0)
    c = (coord_out - mean2) / jnp.sqrt(var2 + 1e-5) * gamma2 + beta2
    # activation (leaky_relu); dropout p=0, residual=False, dense=False
    h = leaky(h)
    return (h, c, edge_feat)

if __name__ == "__main__":
    import jax
    _d = setup_inputs()
    print(jax.jit(kernel)(*tuple(_d.values())))

</pallas_src>

<mosaic_0001>
#map = affine_map<(d0, d1) -> (0, 0)>
module attributes {stable_mosaic.version = 14 : i64} {
  func.func @k2a(%arg0: i32, %arg1: i32, %arg2: memref<10000x256xf32, #tpu.memory_space<hbm>>, %arg3: memref<1x20000xf32, #tpu.memory_space<hbm>>, %arg4: memref<1x160000xi32, #tpu.memory_space<hbm>>, %arg5: memref<1x160000xi32, #tpu.memory_space<hbm>>, %arg6: memref<160000x256xf32, #tpu.memory_space<hbm>>, %arg7: memref<160000x16xf32, #tpu.memory_space<hbm>>, %arg8: memref<20000xf32, #tpu.memory_space<vmem>>) attributes {dimension_semantics = [#tpu.dimension_semantics<core_parallel>, #tpu.dimension_semantics<subcore_parallel>], iteration_bounds = array<i64: 2, 16>, scalar_prefetch = 0 : i64, scratch_operands = 1 : i64, tpu.core_type = #tpu.core_type<sc_vector_subcore>, window_params = [{transform_indices = #map}, {transform_indices = #map}, {transform_indices = #map}, {transform_indices = #map}, {transform_indices = #map}, {transform_indices = #map}]} {
    %run_scoped3A = arith.constant 0 : i32
    "tpu.region"() ({
      %run_scoped3A_22 = tpu.sem_alloc : memref<!tpu.dma_semaphore, #tpu.memory_space<semaphore_mem>>
      %dma_start3A = arith.constant 0 : i32
      %dma_start3A_23 = tpu.memref_slice %arg3[%run_scoped3A, %dma_start3A] : memref<1x20000xf32, #tpu.memory_space<hbm>> -> memref<1x20000xf32, #tpu.memory_space<hbm>>
      %dma_start3A_24 = tpu.memref_squeeze %dma_start3A_23 : memref<1x20000xf32, #tpu.memory_space<hbm>> -> memref<20000xf32, #tpu.memory_space<hbm>>
      %dma_start3A_25 = arith.constant 0 : i32
      %dma_start3A_26 = tpu.memref_slice %arg3[%run_scoped3A, %dma_start3A_25] : memref<1x20000xf32, #tpu.memory_space<hbm>> -> memref<1x20000xf32, #tpu.memory_space<hbm>>
      %dma_start3A_27 = tpu.memref_squeeze %dma_start3A_26 : memref<1x20000xf32, #tpu.memory_space<hbm>> -> memref<20000xf32, #tpu.memory_space<hbm>>
      tpu.enqueue_dma source(%dma_start3A_27 : memref<20000xf32, #tpu.memory_space<hbm>>) target(%arg8 : memref<20000xf32, #tpu.memory_space<vmem>>) target_semaphore(%run_scoped3A_22 : memref<!tpu.dma_semaphore, #tpu.memory_space<semaphore_mem>>)
      %dma_wait3A = arith.constant 0 : i32
      %dma_wait3A_28 = tpu.memref_slice %arg3[%run_scoped3A, %dma_wait3A] : memref<1x20000xf32, #tpu.memory_space<hbm>> -> memref<1x20000xf32, #tpu.memory_space<hbm>>
      %dma_wait3A_29 = tpu.memref_squeeze %dma_wait3A_28 : memref<1x20000xf32, #tpu.memory_space<hbm>> -> memref<20000xf32, #tpu.memory_space<hbm>>
      %dma_wait3A_30 = arith.constant 0 : i32
      %dma_wait3A_31 = tpu.memref_slice %arg3[%run_scoped3A, %dma_wait3A_30] : memref<1x20000xf32, #tpu.memory_space<hbm>> -> memref<1x20000xf32, #tpu.memory_space<hbm>>
      %dma_wait3A_32 = tpu.memref_squeeze %dma_wait3A_31 : memref<1x20000xf32, #tpu.memory_space<hbm>> -> memref<20000xf32, #tpu.memory_space<hbm>>
      tpu.wait_dma2 semaphore(%run_scoped3A_22 : memref<!tpu.dma_semaphore, #tpu.memory_space<semaphore_mem>>) src(%dma_wait3A_32 : memref<20000xf32, #tpu.memory_space<hbm>>) dst(%arg8 : memref<20000xf32, #tpu.memory_space<vmem>>)
      tpu.yield
    }) : () -> ()
    %broadcast_in_dim3A = arith.constant 0 : i32
    %broadcast_in_dim3A_0 = vector.broadcast %broadcast_in_dim3A : i32 to vector<16xi32>
    %broadcast_in_dim3A_1 = arith.constant 1 : i32
    %broadcast_in_dim3A_2 = vector.broadcast %broadcast_in_dim3A_1 : i32 to vector<16xi32>
    %broadcast_in_dim3A_3 = arith.constant 2 : i32
    %broadcast_in_dim3A_4 = vector.broadcast %broadcast_in_dim3A_3 : i32 to vector<16xi32>
    %mul3A = arith.constant 1 : i32
    %mul3A_5 = arith.muli %arg1, %mul3A : i32
    %add3A = arith.constant 0 : i32
    %add3A_6 = arith.addi %add3A, %mul3A_5 : i32
    %mul3A_7 = arith.constant 16 : i32
    %mul3A_8 = arith.muli %arg0, %mul3A_7 : i32
    %add3A_9 = arith.addi %add3A_6, %mul3A_8 : i32
    %lt3A = arith.constant 2 : i32
    %lt3A_10 = arith.cmpi slt, %add3A_9, %lt3A : i32
    %jit3A = arith.constant 40 : i32
    %jit3A_11 = arith.constant 39 : i32
    %select_n3A = arith.select %lt3A_10, %jit3A, %jit3A_11 : i32
    %lt3A_12 = arith.constant 2 : i32
    %lt3A_13 = arith.cmpi slt, %add3A_9, %lt3A_12 : i32
    %mul3A_14 = arith.muli %add3A_9, %select_n3A : i32
    %mul3A_15 = arith.constant 39 : i32
    %mul3A_16 = arith.muli %add3A_9, %mul3A_15 : i32
    %add3A_17 = arith.constant 2 : i32
    %add3A_18 = arith.addi %mul3A_16, %add3A_17 : i32
    %select_n3A_19 = arith.select %lt3A_13, %mul3A_14, %add3A_18 : i32
    %mul3A_20 = arith.constant 1 : i32
    %mul3A_21 = arith.muli %mul3A_20, %select_n3A : i32
    "tpu.region"() ({
      %run_scoped3A_22 = memref.alloca() : memref<2x1x128xi32, #tpu.memory_space<vmem>>
      %run_scoped3A_23 = tpu.sem_alloc : memref<2x!tpu.dma_semaphore, #tpu.memory_space<semaphore_mem>>
      %run_scoped3A_24 = memref.alloca() : memref<2x1x128xi32, #tpu.memory_space<vmem>>
      %run_scoped3A_25 = tpu.sem_alloc : memref<2x!tpu.dma_semaphore, #tpu.memory_space<semaphore_mem>>
      %run_scoped3A_26 = memref.alloca() : memref<2x128x256xf32, #tpu.memory_space<vmem>>
      %run_scoped3A_27 = tpu.sem_alloc : memref<2x!tpu.dma_semaphore, #tpu.memory_space<semaphore_mem>>
      %run_scoped3A_28 = memref.alloca() : memref<2x128x16xf32, #tpu.memory_space<vmem>>
      %run_scoped3A_29 = tpu.sem_alloc : memref<2x!tpu.dma_semaphore, #tpu.memory_space<semaphore_mem>>
      %gt3A = arith.constant 0 : i32
      %gt3A_30 = arith.cmpi sgt, %mul3A_21, %gt3A : i32
      %convert_element_type3A = arith.extui %gt3A_30 : i1 to i32
      %cond3A = arith.constant 0 : i32
      %cond3A_31 = arith.cmpi ne, %convert_element_type3A, %cond3A : i32
      scf.if %cond3A_31 {
        %mul3A_32 = arith.constant 1 : i32
        %mul3A_33 = arith.muli %mul3A_32, %select_n3A : i32
        %sub3A = arith.constant 1 : i32
        %sub3A_34 = arith.subi %mul3A_33, %sub3A : i32
        %eq3A = arith.constant 0 : i32
        %eq3A_35 = arith.cmpi eq, %sub3A_34, %eq3A : i32
        %add3A_36 = arith.constant 0 : i32
        %add3A_37 = arith.addi %add3A_36, %select_n3A_19 : i32
        %select_n3A_38 = arith.constant true
        %select_n3A_39 = arith.constant 0 : i32
        %select_n3A_40 = arith.constant -1 : i32
        %select_n3A_41 = arith.select %select_n3A_38, %select_n3A_40, %select_n3A_39 : i32
        %eq3A_42 = arith.constant -1 : i32
        %eq3A_43 = arith.cmpi eq, %select_n3A_41, %eq3A_42 : i32
        %sub3A_44 = arith.constant 1 : i32
        %sub3A_45 = arith.subi %select_n3A, %sub3A_44 : i32
        %select_n3A_46 = arith.select %eq3A_43, %sub3A_45, %select_n3A_41 : i32
        %add3A_47 = arith.addi %select_n3A_46, %select_n3A_19 : i32
        %select_n3A_48 = arith.constant true
        %select_n3A_49 = arith.constant 0 : i32
        %select_n3A_50 = arith.constant 1 : i32
        %select_n3A_51 = arith.select %select_n3A_48, %select_n3A_50, %select_n3A_49 : i32
        %eq3A_52 = arith.cmpi eq, %select_n3A_51, %select_n3A : i32
        %select_n3A_53 = arith.constant 0 : i32
        %select_n3A_54 = arith.select %eq3A_52, %select_n3A_53, %select_n3A_51 : i32
        %add3A_55 = arith.addi %select_n3A_54, %select_n3A_19 : i32
        %add3A_56 = arith.constant 1 : i32
        %add3A_57 = arith.addi %select_n3A_54, %add3A_56 : i32
        %select_n3A_58 = arith.constant true
        %select_n3A_59 = arith.select %select_n3A_58, %add3A_57, %select_n3A_54 : i32
        %eq3A_60 = arith.cmpi eq, %select_n3A_59, %select_n3A : i32
        %select_n3A_61 = arith.constant 0 : i32
        %select_n3A_62 = arith.select %eq3A_60, %select_n3A_61, %select_n3A_59 : i32
        %add3A_63 = arith.addi %select_n3A_62, %select_n3A_19 : i32
        "tpu.trace_start"() <{level = 10 : i32, message = "ep_initialize_0"}> : () -> ()
        %rem3A = arith.constant 0 : i32
        %rem3A_64 = arith.constant 2 : i32
        %rem3A_65 = arith.remui %rem3A, %rem3A_64 : i32
        %mul3A_66 = arith.constant 128 : i32
        %mul3A_67 = arith.muli %mul3A_66, %add3A_37 : i32
        %dma_start3A = arith.constant 0 : i32
        %dma_start3A_68 = arith.constant 0 : i32
        %dma_start3A_69 = tpu.memref_slice %run_scoped3A_22[%rem3A_65, %dma_start3A, %dma_start3A_68] : memref<2x1x128xi32, #tpu.memory_space<vmem>> -> memref<1x1x128xi32, #tpu.memory_space<vmem>>
        %dma_start3A_70 = tpu.memref_squeeze %dma_start3A_69 : memref<1x1x128xi32, #tpu.memory_space<vmem>> -> memref<1x128xi32, #tpu.memory_space<vmem>>
        %dma_start3A_71 = arith.constant 0 : i32
        %dma_start3A_72 = tpu.memref_slice %arg4[%dma_start3A_71, %mul3A_67] : memref<1x160000xi32, #tpu.memory_space<hbm>> -> memref<1x128xi32, #tpu.memory_space<hbm>>
        %dma_start3A_73 = tpu.memref_slice %run_scoped3A_23[%rem3A_65] : memref<2x!tpu.dma_semaphore, #tpu.memory_space<semaphore_mem>> -> memref<1x!tpu.dma_semaphore, #tpu.memory_space<semaphore_mem>>
        %dma_start3A_74 = tpu.memref_squeeze %dma_start3A_73 : memref<1x!tpu.dma_semaphore, #tpu.memory_space<semaphore_mem>> -> memref<!tpu.dma_semaphore, #tpu.memory_space<semaphore_mem>>
        %dma_start3A_75 = arith.constant 0 : i32
        %dma_start3A_76 = arith.constant 0 : i32
        %dma_start3A_77 = tpu.memref_slice %run_scoped3A_22[%rem3A_65, %dma_start3A_75, %dma_start3A_76] : memref<2x1x128xi32, #tpu.memory_space<vmem>> -> memref<1x1x128xi32, #tpu.memory_space<vmem>>
        %dma_start3A_78 = tpu.memref_squeeze %dma_start3A_77 : memref<1x1x128xi32, #tpu.memory_space<vmem>> -> memref<1x128xi32, #tpu.memory_space<vmem>>
        %dma_start3A_79 = arith.constant 0 : i32
        %dma_start3A_80 = tpu.memref_slice %arg4[%dma_start3A_79, %mul3A_67] : memref<1x160000xi32, #tpu.memory_space<hbm>> -> memref<1x128xi32, #tpu.memory_space<hbm>>
        tpu.enqueue_dma source(%dma_start3A_80 : memref<1x128xi32, #tpu.memory_space<hbm>>) target(%dma_start3A_78 : memref<1x128xi32, #tpu.memory_space<vmem>>) target_semaphore(%dma_start3A_74 : memref<!tpu.dma_semaphore, #tpu.memory_space<semaphore_mem>>)
        %add3A_81 = arith.constant 0 : i32
        %add3A_82 = arith.constant 1 : i32
        %add3A_83 = arith.addi %add3A_81, %add3A_82 : i32
        %select_n3A_84 = arith.constant true
        %select_n3A_85 = arith.constant 0 : i32
        %select_n3A_86 = arith.select %select_n3A_84, %add3A_83, %select_n3A_85 : i32
        %rem3A_87 = arith.constant 0 : i32
        %rem3A_88 = arith.constant 2 : i32
        %rem3A_89 = arith.remui %rem3A_87, %rem3A_88 : i32
        %mul3A_90 = arith.constant 128 : i32
        %mul3A_91 = arith.muli %mul3A_90, %add3A_37 : i32
        %dma_start3A_92 = arith.constant 0 : i32
        %dma_start3A_93 = arith.constant 0 : i32
        %dma_start3A_94 = tpu.memref_slice %run_scoped3A_24[%rem3A_89, %dma_start3A_92, %dma_start3A_93] : memref<2x1x128xi32, #tpu.memory_space<vmem>> -> memref<1x1x128xi32, #tpu.memory_space<vmem>>
        %dma_start3A_95 = tpu.memref_squeeze %dma_start3A_94 : memref<1x1x128xi32, #tpu.memory_space<vmem>> -> memref<1x128xi32, #tpu.memory_space<vmem>>
        %dma_start3A_96 = arith.constant 0 : i32
        %dma_start3A_97 = tpu.memref_slice %arg5[%dma_start3A_96, %mul3A_91] : memref<1x160000xi32, #tpu.memory_space<hbm>> -> memref<1x128xi32, #tpu.memory_space<hbm>>
        %dma_start3A_98 = tpu.memref_slice %run_scoped3A_25[%rem3A_89] : memref<2x!tpu.dma_semaphore, #tpu.memory_space<semaphore_mem>> -> memref<1x!tpu.dma_semaphore, #tpu.memory_space<semaphore_mem>>
        %dma_start3A_99 = tpu.memref_squeeze %dma_start3A_98 : memref<1x!tpu.dma_semaphore, #tpu.memory_space<semaphore_mem>> -> memref<!tpu.dma_semaphore, #tpu.memory_space<semaphore_mem>>
        %dma_start3A_100 = arith.constant 0 : i32
        %dma_start3A_101 = arith.constant 0 : i32
        %dma_start3A_102 = tpu.memref_slice %run_scoped3A_24[%rem3A_89, %dma_start3A_100, %dma_start3A_101] : memref<2x1x128xi32, #tpu.memory_space<vmem>> -> memref<1x1x128xi32, #tpu.memory_space<vmem>>
        %dma_start3A_103 = tpu.memref_squeeze %dma_start3A_102 : memref<1x1x128xi32, #tpu.memory_space<vmem>> -> memref<1x128xi32, #tpu.memory_space<vmem>>
        %dma_start3A_104 = arith.constant 0 : i32
        %dma_start3A_105 = tpu.memref_slice %arg5[%dma_start3A_104, %mul3A_91] : memref<1x160000xi32, #tpu.memory_space<hbm>> -> memref<1x128xi32, #tpu.memory_space<hbm>>
        tpu.enqueue_dma source(%dma_start3A_105 : memref<1x128xi32, #tpu.memory_space<hbm>>) target(%dma_start3A_103 : memref<1x128xi32, #tpu.memory_space<vmem>>) target_semaphore(%dma_start3A_99 : memref<!tpu.dma_semaphore, #tpu.memory_space<semaphore_mem>>)
        %add3A_106 = arith.constant 0 : i32
        %add3A_107 = arith.constant 1 : i32
        %add3A_108 = arith.addi %add3A_106, %add3A_107 : i32
        %select_n3A_109 = arith.constant true
        %select_n3A_110 = arith.constant 0 : i32
        %select_n3A_111 = arith.select %select_n3A_109, %add3A_108, %select_n3A_110 : i32
        %while3A = arith.constant 0 : i32
        %while3A_112 = arith.constant 0 : i32
        %while3A_113 = arith.constant 0 : i32
        %while3A_114 = arith.constant 0 : i32
        %while3A_115 = arith.constant 0 : i32
        %while3A_116 = arith.constant 0 : i32
        %while3A_117 = arith.constant 0 : i32
        %while3A_118 = arith.constant 0 : i32
        "tpu.trace_stop"() : () -> ()
        %while3A_119 = arith.subi %mul3A_21, %while3A : i32
        %while3A_120 = arith.addi %while3A, %while3A_119 : i32
        %while3A_121 = arith.constant 1 : i32
        %while3A_122 = arith.divsi %while3A_119, %while3A_121 : i32
        %while3A_123 = arith.muli %while3A_122, %while3A_121 : i32
        %while3A_124 = arith.addi %while3A, %while3A_123 : i32
        %while3A_125 = arith.constant 1 : i32
        %while3A_126:9 = scf.for %while3A_186 = %while3A to %while3A_124 step %while3A_125 iter_args(%while3A_187 = %select_n3A_86, %while3A_188 = %while3A_112, %while3A_189 = %select_n3A_111, %while3A_190 = %while3A_113, %while3A_191 = %while3A_114, %while3A_192 = %while3A_115, %while3A_193 = %while3A_116, %while3A_194 = %while3A_117, %while3A_195 = %while3A_118) -> (i32, i32, i32, i32, i32, i32, i32, i32, i32)  : i32 {
          %mul3A_196 = arith.constant 1 : i32
          %mul3A_197 = arith.muli %mul3A_196, %select_n3A : i32
          %eq3A_198 = arith.constant 0 : i32
          %eq3A_199 = arith.cmpi eq, %while3A_186, %eq3A_198 : i32
          %sub3A_200 = arith.constant 1 : i32
          %sub3A_201 = arith.subi %mul3A_197, %sub3A_200 : i32
          %eq3A_202 = arith.cmpi eq, %while3A_186, %sub3A_201 : i32
          %add3A_203 = arith.addi %while3A_195, %select_n3A_19 : i32
          %sub3A_204 = arith.constant 1 : i32
          %sub3A_205 = arith.subi %while3A_195, %sub3A_204 : i32
          %select_n3A_206 = arith.constant true
          %select_n3A_207 = arith.select %select_n3A_206, %sub3A_205, %while3A_195 : i32
          %eq3A_208 = arith.constant -1 : i32
          %eq3A_209 = arith.cmpi eq, %select_n3A_207, %eq3A_208 : i32
          %sub3A_210 = arith.constant 1 : i32
          %sub3A_211 = arith.subi %select_n3A, %sub3A_210 : i32
          %select_n3A_212 = arith.select %eq3A_209, %sub3A_211, %select_n3A_207 : i32
          %add3A_213 = arith.addi %select_n3A_212, %select_n3A_19 : i32
          %add3A_214 = arith.constant 1 : i32
          %add3A_215 = arith.addi %while3A_195, %add3A_214 : i32
          %select_n3A_216 = arith.constant true
          %select_n3A_217 = arith.select %select_n3A_216, %add3A_215, %while3A_195 : i32
          %eq3A_218 = arith.cmpi eq, %select_n3A_217, %select_n3A : i32
          %select_n3A_219 = arith.constant 0 : i32
          %select_n3A_220 = arith.select %eq3A_218, %select_n3A_219, %select_n3A_217 : i32
          %add3A_221 = arith.addi %select_n3A_220, %select_n3A_19 : i32
          %add3A_222 = arith.constant 1 : i32
          %add3A_223 = arith.addi %select_n3A_220, %add3A_222 : i32
          %select_n3A_224 = arith.constant true
          %select_n3A_225 = arith.select %select_n3A_224, %add3A_223, %select_n3A_220 : i32
          %eq3A_226 = arith.cmpi eq, %select_n3A_225, %select_n3A : i32
          %select_n3A_227 = arith.constant 0 : i32
          %select_n3A_228 = arith.select %eq3A_226, %select_n3A_227, %select_n3A_225 : i32
          %add3A_229 = arith.addi %select_n3A_228, %select_n3A_19 : i32
          %ne3A = arith.cmpi ne, %add3A_203, %add3A_221 : i32
          %or3A = arith.constant false
          %or3A_230 = arith.ori %or3A, %ne3A : i1
          %sub3A_231 = arith.constant 2 : i32
          %sub3A_232 = arith.subi %mul3A_197, %sub3A_231 : i32
          %add3A_233 = arith.constant 1 : i32
          %add3A_234 = arith.addi %sub3A_232, %add3A_233 : i32
          %ge3A = arith.cmpi sge, %while3A_186, %add3A_234 : i32
          %not3A = arith.constant true
          %not3A_235 = arith.xori %ge3A, %not3A : i1
          %and3A = arith.andi %or3A_230, %not3A_235 : i1
          %convert_element_type3A_236 = arith.extui %and3A : i1 to i32
          %cond3A_237 = arith.constant 0 : i32
          %cond3A_238 = arith.cmpi ne, %convert_element_type3A_236, %cond3A_237 : i32
          scf.if %cond3A_238 {
            "tpu.trace_start"() <{level = 10 : i32, message = "ep_copy_in"}> : () -> ()
            %rem3A_455 = arith.constant 2 : i32
            %rem3A_456 = arith.remui %while3A_187, %rem3A_455 : i32
            %mul3A_457 = arith.constant 128 : i32
            %mul3A_458 = arith.muli %mul3A_457, %add3A_221 : i32
            %dma_start3A_459 = arith.constant 0 : i32
            %dma_start3A_460 = arith.constant 0 : i32
            %dma_start3A_461 = tpu.memref_slice %run_scoped3A_22[%rem3A_456, %dma_start3A_459, %dma_start3A_460] : memref<2x1x128xi32, #tpu.memory_space<vmem>> -> memref<1x1x128xi32, #tpu.memory_space<vmem>>
            %dma_start3A_462 = tpu.memref_squeeze %dma_start3A_461 : memref<1x1x128xi32, #tpu.memory_space<vmem>> -> memref<1x128xi32, #tpu.memory_space<vmem>>
            %dma_start3A_463 = arith.constant 0 : i32
            %dma_start3A_464 = tpu.memref_slice %arg4[%dma_start3A_463, %mul3A_458] : memref<1x160000xi32, #tpu.memory_space<hbm>> -> memref<1x128xi32, #tpu.memory_space<hbm>>
            %dma_start3A_465 = tpu.memref_slice %run_scoped3A_23[%rem3A_456] : memref<2x!tpu.dma_semaphore, #tpu.memory_space<semaphore_mem>> -> memref<1x!tpu.dma_semaphore, #tpu.memory_space<semaphore_mem>>
            %dma_start3A_466 = tpu.memref_squeeze %dma_start3A_465 : memref<1x!tpu.dma_semaphore, #tpu.memory_space<semaphore_mem>> -> memref<!tpu.dma_semaphore, #tpu.memory_space<semaphore_mem>>
            %dma_start3A_467 = arith.constant 0 : i32
            %dma_start3A_468 = arith.constant 0 : i32
            %dma_start3A_469 = tpu.memref_slice %run_scoped3A_22[%rem3A_456, %dma_start3A_467, %dma_start3A_468] : memref<2x1x128xi32, #tpu.memory_space<vmem>> -> memref<1x1x128xi32, #tpu.memory_space<vmem>>
            %dma_start3A_470 = tpu.memref_squeeze %dma_start3A_469 : memref<1x1x128xi32, #tpu.memory_space<vmem>> -> memref<1x128xi32, #tpu.memory_space<vmem>>
            %dma_start3A_471 = arith.constant 0 : i32
            %dma_start3A_472 = tpu.memref_slice %arg4[%dma_start3A_471, %mul3A_458] : memref<1x160000xi32, #tpu.memory_space<hbm>> -> memref<1x128xi32, #tpu.memory_space<hbm>>
            tpu.enqueue_dma source(%dma_start3A_472 : memref<1x128xi32, #tpu.memory_space<hbm>>) target(%dma_start3A_470 : memref<1x128xi32, #tpu.memory_space<vmem>>) target_semaphore(%dma_start3A_466 : memref<!tpu.dma_semaphore, #tpu.memory_space<semaphore_mem>>)
            "tpu.trace_stop"() : () -> ()
          } else {
          }
          %and3A_239 = arith.constant true
          %and3A_240 = arith.andi %and3A, %and3A_239 : i1
          %add3A_241 = arith.constant 1 : i32
          %add3A_242 = arith.addi %while3A_187, %add3A_241 : i32
          %select_n3A_243 = arith.select %and3A_240, %add3A_242, %while3A_187 : i32
          %ne3A_244 = arith.cmpi ne, %add3A_203, %add3A_221 : i32
          %or3A_245 = arith.constant false
          %or3A_246 = arith.ori %or3A_245, %ne3A_244 : i1
          %sub3A_247 = arith.constant 2 : i32
          %sub3A_248 = arith.subi %mul3A_197, %sub3A_247 : i32
          %add3A_249 = arith.constant 1 : i32
          %add3A_250 = arith.addi %sub3A_248, %add3A_249 : i32
          %ge3A_251 = arith.cmpi sge, %while3A_186, %add3A_250 : i32
          %not3A_252 = arith.constant true
          %not3A_253 = arith.xori %ge3A_251, %not3A_252 : i1
          %and3A_254 = arith.andi %or3A_246, %not3A_253 : i1
          %convert_element_type3A_255 = arith.extui %and3A_254 : i1 to i32
          %cond3A_256 = arith.constant 0 : i32
          %cond3A_257 = arith.cmpi ne, %convert_element_type3A_255, %cond3A_256 : i32
          scf.if %cond3A_257 {
            "tpu.trace_start"() <{level = 10 : i32, message = "ep_copy_in"}> : () -> ()
            %rem3A_455 = arith.constant 2 : i32
            %rem3A_456 = arith.remui %while3A_189, %rem3A_455 : i32
            %mul3A_457 = arith.constant 128 : i32
            %mul3A_458 = arith.muli %mul3A_457, %add3A_221 : i32
            %dma_start3A_459 = arith.constant 0 : i32
            %dma_start3A_460 = arith.constant 0 : i32
            %dma_start3A_461 = tpu.memref_slice %run_scoped3A_24[%rem3A_456, %dma_start3A_459, %dma_start3A_460] : memref<2x1x128xi32, #tpu.memory_space<vmem>> -> memref<1x1x128xi32, #tpu.memory_space<vmem>>
            %dma_start3A_462 = tpu.memref_squeeze %dma_start3A_461 : memref<1x1x128xi32, #tpu.memory_space<vmem>> -> memref<1x128xi32, #tpu.memory_space<vmem>>
            %dma_start3A_463 = arith.constant 0 : i32
            %dma_start3A_464 = tpu.memref_slice %arg5[%dma_start3A_463, %mul3A_458] : memref<1x160000xi32, #tpu.memory_space<hbm>> -> memref<1x128xi32, #tpu.memory_space<hbm>>
            %dma_start3A_465 = tpu.memref_slice %run_scoped3A_25[%rem3A_456] : memref<2x!tpu.dma_semaphore, #tpu.memory_space<semaphore_mem>> -> memref<1x!tpu.dma_semaphore, #tpu.memory_space<semaphore_mem>>
            %dma_start3A_466 = tpu.memref_squeeze %dma_start3A_465 : memref<1x!tpu.dma_semaphore, #tpu.memory_space<semaphore_mem>> -> memref<!tpu.dma_semaphore, #tpu.memory_space<semaphore_mem>>
            %dma_start3A_467 = arith.constant 0 : i32
            %dma_start3A_468 = arith.constant 0 : i32
            %dma_start3A_469 = tpu.memref_slice %run_scoped3A_24[%rem3A_456, %dma_start3A_467, %dma_start3A_468] : memref<2x1x128xi32, #tpu.memory_space<vmem>> -> memref<1x1x128xi32, #tpu.memory_space<vmem>>
            %dma_start3A_470 = tpu.memref_squeeze %dma_start3A_469 : memref<1x1x128xi32, #tpu.memory_space<vmem>> -> memref<1x128xi32, #tpu.memory_space<vmem>>
            %dma_start3A_471 = arith.constant 0 : i32
            %dma_start3A_472 = tpu.memref_slice %arg5[%dma_start3A_471, %mul3A_458] : memref<1x160000xi32, #tpu.memory_space<hbm>> -> memref<1x128xi32, #tpu.memory_space<hbm>>
            tpu.enqueue_dma source(%dma_start3A_472 : memref<1x128xi32, #tpu.memory_space<hbm>>) target(%dma_start3A_470 : memref<1x128xi32, #tpu.memory_space<vmem>>) target_semaphore(%dma_start3A_466 : memref<!tpu.dma_semaphore, #tpu.memory_space<semaphore_mem>>)
            "tpu.trace_stop"() : () -> ()
          } else {
          }
          %and3A_258 = arith.constant true
          %and3A_259 = arith.andi %and3A_254, %and3A_258 : i1
          %add3A_260 = arith.constant 1 : i32
          %add3A_261 = arith.addi %while3A_189, %add3A_260 : i32
          %select_n3A_262 = arith.select %and3A_259, %add3A_261, %while3A_189 : i32
          %ne3A_263 = arith.cmpi ne, %add3A_203, %add3A_221 : i32
          %or3A_264 = arith.constant false
          %or3A_265 = arith.ori %or3A_264, %ne3A_263 : i1
          %or3A_266 = arith.constant false
          %or3A_267 = arith.ori %or3A_265, %or3A_266 : i1
          %sub3A_268 = arith.constant 2 : i32
          %sub3A_269 = arith.subi %mul3A_197, %sub3A_268 : i32
          %add3A_270 = arith.constant 1 : i32
          %add3A_271 = arith.addi %sub3A_269, %add3A_270 : i32
          %ge3A_272 = arith.cmpi sge, %while3A_186, %add3A_271 : i32
          %not3A_273 = arith.constant true
          %not3A_274 = arith.xori %ge3A_272, %not3A_273 : i1
          %and3A_275 = arith.andi %or3A_267, %not3A_274 : i1
          %ne3A_276 = arith.cmpi ne, %add3A_203, %add3A_221 : i32
          %or3A_277 = arith.constant false
          %or3A_278 = arith.ori %or3A_277, %ne3A_276 : i1
          %or3A_279 = arith.constant false
          %or3A_280 = arith.ori %or3A_278, %or3A_279 : i1
          %sub3A_281 = arith.constant 2 : i32
          %sub3A_282 = arith.subi %mul3A_197, %sub3A_281 : i32
          %add3A_283 = arith.constant 1 : i32
          %add3A_284 = arith.addi %sub3A_282, %add3A_283 : i32
          %ge3A_285 = arith.cmpi sge, %while3A_186, %add3A_284 : i32
          %not3A_286 = arith.constant true
          %not3A_287 = arith.xori %ge3A_285, %not3A_286 : i1
          %and3A_288 = arith.andi %or3A_280, %not3A_287 : i1
          %ne3A_289 = arith.cmpi ne, %add3A_203, %add3A_213 : i32
          %or3A_290 = arith.constant false
          %or3A_291 = arith.ori %or3A_290, %ne3A_289 : i1
          %or3A_292 = arith.ori %or3A_291, %eq3A_199 : i1
          %convert_element_type3A_293 = arith.extui %or3A_292 : i1 to i32
          %cond3A_294 = arith.constant 0 : i32
          %cond3A_295 = arith.cmpi ne, %convert_element_type3A_293, %cond3A_294 : i32
          scf.if %cond3A_295 {
            "tpu.trace_start"() <{level = 10 : i32, message = "ep_wait_in"}> : () -> ()
            %mul3A_455 = arith.constant 128 : i32
            %mul3A_456 = arith.muli %mul3A_455, %add3A_203 : i32
            %rem3A_457 = arith.constant 2 : i32
            %rem3A_458 = arith.remui %while3A_188, %rem3A_457 : i32
            %dma_wait3A = arith.constant 0 : i32
            %dma_wait3A_459 = arith.constant 0 : i32
            %dma_wait3A_460 = tpu.memref_slice %run_scoped3A_22[%rem3A_458, %dma_wait3A, %dma_wait3A_459] : memref<2x1x128xi32, #tpu.memory_space<vmem>> -> memref<1x1x128xi32, #tpu.memory_space<vmem>>
            %dma_wait3A_461 = tpu.memref_squeeze %dma_wait3A_460 : memref<1x1x128xi32, #tpu.memory_space<vmem>> -> memref<1x128xi32, #tpu.memory_space<vmem>>
            %dma_wait3A_462 = arith.constant 0 : i32
            %dma_wait3A_463 = tpu.memref_slice %arg4[%dma_wait3A_462, %mul3A_456] : memref<1x160000xi32, #tpu.memory_space<hbm>> -> memref<1x128xi32, #tpu.memory_space<hbm>>
            %dma_wait3A_464 = tpu.memref_slice %run_scoped3A_23[%rem3A_458] : memref<2x!tpu.dma_semaphore, #tpu.memory_space<semaphore_mem>> -> memref<1x!tpu.dma_semaphore, #tpu.memory_space<semaphore_mem>>
            %dma_wait3A_465 = tpu.memref_squeeze %dma_wait3A_464 : memref<1x!tpu.dma_semaphore, #tpu.memory_space<semaphore_mem>> -> memref<!tpu.dma_semaphore, #tpu.memory_space<semaphore_mem>>
            %dma_wait3A_466 = arith.constant 0 : i32
            %dma_wait3A_467 = arith.constant 0 : i32
            %dma_wait3A_468 = tpu.memref_slice %run_scoped3A_22[%rem3A_458, %dma_wait3A_466, %dma_wait3A_467] : memref<2x1x128xi32, #tpu.memory_space<vmem>> -> memref<1x1x128xi32, #tpu.memory_space<vmem>>
            %dma_wait3A_469 = tpu.memref_squeeze %dma_wait3A_468 : memref<1x1x128xi32, #tpu.memory_space<vmem>> -> memref<1x128xi32, #tpu.memory_space<vmem>>
            %dma_wait3A_470 = arith.constant 0 : i32
            %dma_wait3A_471 = tpu.memref_slice %arg4[%dma_wait3A_470, %mul3A_456] : memref<1x160000xi32, #tpu.memory_space<hbm>> -> memref<1x128xi32, #tpu.memory_space<hbm>>
            tpu.wait_dma2 semaphore(%dma_wait3A_465 : memref<!tpu.dma_semaphore, #tpu.memory_space<semaphore_mem>>) src(%dma_wait3A_471 : memref<1x128xi32, #tpu.memory_space<hbm>>) dst(%dma_wait3A_469 : memref<1x128xi32, #tpu.memory_space<vmem>>)
            "tpu.trace_stop"() : () -> ()
          } else {
          }
          %ne3A_296 = arith.cmpi ne, %add3A_203, %add3A_213 : i32
          %or3A_297 = arith.constant false
          %or3A_298 = arith.ori %or3A_297, %ne3A_296 : i1
          %or3A_299 = arith.ori %or3A_298, %eq3A_199 : i1
          %convert_element_type3A_300 = arith.extui %or3A_299 : i1 to i32
          %cond3A_301 = arith.constant 0 : i32
          %cond3A_302 = arith.cmpi ne, %convert_element_type3A_300, %cond3A_301 : i32
          scf.if %cond3A_302 {
            "tpu.trace_start"() <{level = 10 : i32, message = "ep_wait_in"}> : () -> ()
            %mul3A_455 = arith.constant 128 : i32
            %mul3A_456 = arith.muli %mul3A_455, %add3A_203 : i32
            %rem3A_457 = arith.constant 2 : i32
            %rem3A_458 = arith.remui %while3A_190, %rem3A_457 : i32
            %dma_wait3A = arith.constant 0 : i32
            %dma_wait3A_459 = arith.constant 0 : i32
            %dma_wait3A_460 = tpu.memref_slice %run_scoped3A_24[%rem3A_458, %dma_wait3A, %dma_wait3A_459] : memref<2x1x128xi32, #tpu.memory_space<vmem>> -> memref<1x1x128xi32, #tpu.memory_space<vmem>>
            %dma_wait3A_461 = tpu.memref_squeeze %dma_wait3A_460 : memref<1x1x128xi32, #tpu.memory_space<vmem>> -> memref<1x128xi32, #tpu.memory_space<vmem>>
            %dma_wait3A_462 = arith.constant 0 : i32
            %dma_wait3A_463 = tpu.memref_slice %arg5[%dma_wait3A_462, %mul3A_456] : memref<1x160000xi32, #tpu.memory_space<hbm>> -> memref<1x128xi32, #tpu.memory_space<hbm>>
            %dma_wait3A_464 = tpu.memref_slice %run_scoped3A_25[%rem3A_458] : memref<2x!tpu.dma_semaphore, #tpu.memory_space<semaphore_mem>> -> memref<1x!tpu.dma_semaphore, #tpu.memory_space<semaphore_mem>>
            %dma_wait3A_465 = tpu.memref_squeeze %dma_wait3A_464 : memref<1x!tpu.dma_semaphore, #tpu.memory_space<semaphore_mem>> -> memref<!tpu.dma_semaphore, #tpu.memory_space<semaphore_mem>>
            %dma_wait3A_466 = arith.constant 0 : i32
            %dma_wait3A_467 = arith.constant 0 : i32
            %dma_wait3A_468 = tpu.memref_slice %run_scoped3A_24[%rem3A_458, %dma_wait3A_466, %dma_wait3A_467] : memref<2x1x128xi32, #tpu.memory_space<vmem>> -> memref<1x1x128xi32, #tpu.memory_space<vmem>>
            %dma_wait3A_469 = tpu.memref_squeeze %dma_wait3A_468 : memref<1x1x128xi32, #tpu.memory_space<vmem>> -> memref<1x128xi32, #tpu.memory_space<vmem>>
            %dma_wait3A_470 = arith.constant 0 : i32
            %dma_wait3A_471 = tpu.memref_slice %arg5[%dma_wait3A_470, %mul3A_456] : memref<1x160000xi32, #tpu.memory_space<hbm>> -> memref<1x128xi32, #tpu.memory_space<hbm>>
            tpu.wait_dma2 semaphore(%dma_wait3A_465 : memref<!tpu.dma_semaphore, #tpu.memory_space<semaphore_mem>>) src(%dma_wait3A_471 : memref<1x128xi32, #tpu.memory_space<hbm>>) dst(%dma_wait3A_469 : memref<1x128xi32, #tpu.memory_space<vmem>>)
            "tpu.trace_stop"() : () -> ()
          } else {
          }
          %ne3A_303 = arith.cmpi ne, %add3A_203, %add3A_213 : i32
          %or3A_304 = arith.constant false
          %or3A_305 = arith.ori %or3A_304, %ne3A_303 : i1
          %or3A_306 = arith.constant false
          %or3A_307 = arith.ori %or3A_305, %or3A_306 : i1
          %or3A_308 = arith.ori %or3A_307, %eq3A_199 : i1
          %convert_element_type3A_309 = arith.extui %or3A_308 : i1 to i32
          %cond3A_310 = arith.constant 0 : i32
          %cond3A_311 = arith.cmpi ne, %convert_element_type3A_309, %cond3A_310 : i32
          scf.if %cond3A_311 {
          } else {
          }
          %ne3A_312 = arith.cmpi ne, %add3A_203, %add3A_213 : i32
          %or3A_313 = arith.constant false
          %or3A_314 = arith.ori %or3A_313, %ne3A_312 : i1
          %or3A_315 = arith.constant false
          %or3A_316 = arith.ori %or3A_314, %or3A_315 : i1
          %or3A_317 = arith.ori %or3A_316, %eq3A_199 : i1
          %convert_element_type3A_318 = arith.extui %or3A_317 : i1 to i32
          %cond3A_319 = arith.constant 0 : i32
          %cond3A_320 = arith.cmpi ne, %convert_element_type3A_318, %cond3A_319 : i32
          scf.if %cond3A_320 {
          } else {
          }
          %rem3A_321 = arith.constant 2 : i32
          %rem3A_322 = arith.remui %while3A_188, %rem3A_321 : i32
          %rem3A_323 = arith.constant 2 : i32
          %rem3A_324 = arith.remui %while3A_190, %rem3A_323 : i32
          %rem3A_325 = arith.constant 2 : i32
          %rem3A_326 = arith.remui %while3A_191, %rem3A_325 : i32
          %rem3A_327 = arith.constant 2 : i32
          %rem3A_328 = arith.remui %while3A_193, %rem3A_327 : i32
          %run_scoped3A_329 = arith.constant 0 : i32
          "tpu.trace_start"() <{level = 10 : i32, message = "ep_run_kernel"}> : () -> ()
          "tpu.region"() ({
            %run_scoped3A_455 = tpu.sem_alloc : memref<!tpu.dma_semaphore, #tpu.memory_space<semaphore_mem>>
            %dma_start3A_456 = arith.constant 0 : i32
            %dma_start3A_457 = arith.constant 0 : i32
            %dma_start3A_458 = tpu.memref_slice %run_scoped3A_26[%rem3A_326, %dma_start3A_456, %dma_start3A_457] : memref<2x128x256xf32, #tpu.memory_space<vmem>> -> memref<1x128x256xf32, #tpu.memory_space<vmem>>
            %dma_start3A_459 = tpu.memref_squeeze %dma_start3A_458 : memref<1x128x256xf32, #tpu.memory_space<vmem>> -> memref<128x256xf32, #tpu.memory_space<vmem>>
            %dma_start3A_460 = arith.constant 0 : i32
            %dma_start3A_461 = arith.constant 0 : i32
            %dma_start3A_462 = tpu.memref_slice %run_scoped3A_22[%rem3A_322, %dma_start3A_460, %dma_start3A_461] : memref<2x1x128xi32, #tpu.memory_space<vmem>> -> memref<1x1x128xi32, #tpu.memory_space<vmem>>
            %dma_start3A_463 = tpu.memref_squeeze %dma_start3A_462 : memref<1x1x128xi32, #tpu.memory_space<vmem>> -> memref<1x128xi32, #tpu.memory_space<vmem>>
            %dma_start3A_464 = arith.constant 0 : i32
            %dma_start3A_465 = tpu.memref_slice %dma_start3A_463[%run_scoped3A_329, %dma_start3A_464] : memref<1x128xi32, #tpu.memory_space<vmem>> -> memref<1x128xi32, #tpu.memory_space<vmem>>
            %dma_start3A_466 = tpu.memref_squeeze %dma_start3A_465 : memref<1x128xi32, #tpu.memory_space<vmem>> -> memref<128xi32, #tpu.memory_space<vmem>>
            %dma_start3A_467 = arith.constant 0 : i32
            %dma_start3A_468 = arith.constant 0 : i32
            %dma_start3A_469 = tpu.memref_slice %arg2[%dma_start3A_467, %dma_start3A_468] : memref<10000x256xf32, #tpu.memory_space<hbm>> -> memref<10000x256xf32, #tpu.memory_space<hbm>>
            tpu.enqueue_indirect_dma source(%dma_start3A_469 : memref<10000x256xf32, #tpu.memory_space<hbm>>) target(%dma_start3A_459 : memref<128x256xf32, #tpu.memory_space<vmem>>) offsets(%dma_start3A_466 : memref<128xi32, #tpu.memory_space<vmem>>) semaphore(%run_scoped3A_455 : memref<!tpu.dma_semaphore, #tpu.memory_space<semaphore_mem>>)
            %dma_wait3A = arith.constant 0 : i32
            %dma_wait3A_470 = arith.constant 0 : i32
            %dma_wait3A_471 = tpu.memref_slice %run_scoped3A_26[%rem3A_326, %dma_wait3A, %dma_wait3A_470] : memref<2x128x256xf32, #tpu.memory_space<vmem>> -> memref<1x128x256xf32, #tpu.memory_space<vmem>>
            %dma_wait3A_472 = tpu.memref_squeeze %dma_wait3A_471 : memref<1x128x256xf32, #tpu.memory_space<vmem>> -> memref<128x256xf32, #tpu.memory_space<vmem>>
            %dma_wait3A_473 = arith.constant 0 : i32
            %dma_wait3A_474 = arith.constant 0 : i32
            %dma_wait3A_475 = tpu.memref_slice %run_scoped3A_22[%rem3A_322, %dma_wait3A_473, %dma_wait3A_474] : memref<2x1x128xi32, #tpu.memory_space<vmem>> -> memref<1x1x128xi32, #tpu.memory_space<vmem>>
            %dma_wait3A_476 = tpu.memref_squeeze %dma_wait3A_475 : memref<1x1x128xi32, #tpu.memory_space<vmem>> -> memref<1x128xi32, #tpu.memory_space<vmem>>
            %dma_wait3A_477 = arith.constant 0 : i32
            %dma_wait3A_478 = tpu.memref_slice %dma_wait3A_476[%run_scoped3A_329, %dma_wait3A_477] : memref<1x128xi32, #tpu.memory_space<vmem>> -> memref<1x128xi32, #tpu.memory_space<vmem>>
            %dma_wait3A_479 = tpu.memref_squeeze %dma_wait3A_478 : memref<1x128xi32, #tpu.memory_space<vmem>> -> memref<128xi32, #tpu.memory_space<vmem>>
            %dma_wait3A_480 = arith.constant 0 : i32
            %dma_wait3A_481 = arith.constant 0 : i32
            %dma_wait3A_482 = tpu.memref_slice %arg2[%dma_wait3A_480, %dma_wait3A_481] : memref<10000x256xf32, #tpu.memory_space<hbm>> -> memref<10000x256xf32, #tpu.memory_space<hbm>>
            tpu.wait_indirect_dma semaphore(%run_scoped3A_455 : memref<!tpu.dma_semaphore, #tpu.memory_space<semaphore_mem>>) src(%dma_wait3A_482 : memref<10000x256xf32, #tpu.memory_space<hbm>>) dst(%dma_wait3A_472 : memref<128x256xf32, #tpu.memory_space<vmem>>)
            tpu.yield
          }) : () -> ()
          %scan3A = arith.constant 0 : i32
          %scan3A_330 = arith.constant 8 : i32
          %scan3A_331 = arith.addi %scan3A, %scan3A_330 : i32
          %scan3A_332 = arith.constant 1 : i32
          scf.for %scan3A_455 = %scan3A to %scan3A_331 step %scan3A_332  : i32 {
            %mul3A_456 = arith.constant 1 : i32
            %mul3A_457 = arith.muli %scan3A_455, %mul3A_456 : i32
            %add3A_458 = arith.constant 0 : i32
            %add3A_459 = arith.addi %add3A_458, %mul3A_457 : i32
            %mul3A_460 = arith.constant 16 : i32
            %mul3A_461 = arith.muli %add3A_459, %mul3A_460 : i32
            %get3A = arith.constant 0 : i32
            %get3A_462 = arith.constant 0 : i32
            %get3A_463 = arith.constant 0 : i32
            %get3A_464 = tpu.memref_slice %run_scoped3A_22[%rem3A_322, %get3A_462, %get3A_463] : memref<2x1x128xi32, #tpu.memory_space<vmem>> -> memref<1x1x128xi32, #tpu.memory_space<vmem>>
            %get3A_465 = tpu.memref_squeeze %get3A_464 : memref<1x1x128xi32, #tpu.memory_space<vmem>> -> memref<1x128xi32, #tpu.memory_space<vmem>>
            %get3A_466 = arith.index_cast %get3A : i32 to index
            %get3A_467 = arith.index_cast %mul3A_461 : i32 to index
            %get3A_468 = tpu.vector_load %get3A_465[%get3A_466, %get3A_467] {strides = array<i32>} : memref<1x128xi32, #tpu.memory_space<vmem>>, vector<16xi32>,
            %mul3A_469 = arith.constant 16 : i32
            %mul3A_470 = arith.muli %add3A_459, %mul3A_469 : i32
            %get3A_471 = arith.constant 0 : i32
            %get3A_472 = arith.constant 0 : i32
            %get3A_473 = arith.constant 0 : i32
            %get3A_474 = tpu.memref_slice %run_scoped3A_24[%rem3A_324, %get3A_472, %get3A_473] : memref<2x1x128xi32, #tpu.memory_space<vmem>> -> memref<1x1x128xi32, #tpu.memory_space<vmem>>
            %get3A_475 = tpu.memref_squeeze %get3A_474 : memref<1x1x128xi32, #tpu.memory_space<vmem>> -> memref<1x128xi32, #tpu.memory_space<vmem>>
            %get3A_476 = arith.index_cast %get3A_471 : i32 to index
            %get3A_477 = arith.index_cast %mul3A_470 : i32 to index
            %get3A_478 = tpu.vector_load %get3A_475[%get3A_476, %get3A_477] {strides = array<i32>} : memref<1x128xi32, #tpu.memory_space<vmem>>, vector<16xi32>,
            %mul3A_479 = arith.constant 2 : i32
            %mul3A_480 = vector.broadcast %mul3A_479 : i32 to vector<16xi32>
            %mul3A_481 = arith.muli %get3A_468, %mul3A_480 : vector<16xi32>
            %gather3A = tpu.vector_load_idx %arg8[%mul3A_481] : memref<20000xf32, #tpu.memory_space<vmem>>[vector<16xi32>], vector<16xf32>,
            %mul3A_482 = arith.constant 2 : i32
            %mul3A_483 = vector.broadcast %mul3A_482 : i32 to vector<16xi32>
            %mul3A_484 = arith.muli %get3A_468, %mul3A_483 : vector<16xi32>
            %add3A_485 = arith.constant 1 : i32
            %add3A_486 = vector.broadcast %add3A_485 : i32 to vector<16xi32>
            %add3A_487 = arith.addi %mul3A_484, %add3A_486 : vector<16xi32>
            %gather3A_488 = tpu.vector_load_idx %arg8[%add3A_487] : memref<20000xf32, #tpu.memory_space<vmem>>[vector<16xi32>], vector<16xf32>,
            %mul3A_489 = arith.constant 2 : i32
            %mul3A_490 = vector.broadcast %mul3A_489 : i32 to vector<16xi32>
            %mul3A_491 = arith.muli %get3A_478, %mul3A_490 : vector<16xi32>
            %gather3A_492 = tpu.vector_load_idx %arg8[%mul3A_491] : memref<20000xf32, #tpu.memory_space<vmem>>[vector<16xi32>], vector<16xf32>,
            %mul3A_493 = arith.constant 2 : i32
            %mul3A_494 = vector.broadcast %mul3A_493 : i32 to vector<16xi32>
            %mul3A_495 = arith.muli %get3A_478, %mul3A_494 : vector<16xi32>
            %add3A_496 = arith.constant 1 : i32
            %add3A_497 = vector.broadcast %add3A_496 : i32 to vector<16xi32>
            %add3A_498 = arith.addi %mul3A_495, %add3A_497 : vector<16xi32>
            %gather3A_499 = tpu.vector_load_idx %arg8[%add3A_498] : memref<20000xf32, #tpu.memory_space<vmem>>[vector<16xi32>], vector<16xf32>,
            %sub3A_500 = arith.subf %gather3A, %gather3A_492 : vector<16xf32>
            %sub3A_501 = arith.subf %gather3A_488, %gather3A_499 : vector<16xf32>
            %mul3A_502 = arith.mulf %sub3A_500, %sub3A_500 : vector<16xf32>
            %mul3A_503 = arith.mulf %sub3A_501, %sub3A_501 : vector<16xf32>
            %add3A_504 = arith.addf %mul3A_502, %mul3A_503 : vector<16xf32>
            %mul3A_505 = arith.constant 16 : i32
            %mul3A_506 = arith.muli %add3A_459, %mul3A_505 : i32
            %iota3A = tpu.iota {dimensions = array<i32: 0>} : vector<16xi32>
            %add3A_507 = vector.broadcast %mul3A_506 : i32 to vector<16xi32>
            %add3A_508 = arith.addi %add3A_507, %iota3A : vector<16xi32>
            %scatter3A = arith.constant 0 : i32
            %scatter3A_509 = arith.constant 0 : i32
            %scatter3A_510 = tpu.memref_slice %run_scoped3A_28[%rem3A_328, %scatter3A, %scatter3A_509] : memref<2x128x16xf32, #tpu.memory_space<vmem>> -> memref<1x128x16xf32, #tpu.memory_space<vmem>>
            %scatter3A_511 = tpu.memref_squeeze %scatter3A_510 : memref<1x128x16xf32, #tpu.memory_space<vmem>> -> memref<128x16xf32, #tpu.memory_space<vmem>>
            tpu.vector_store_idx %scatter3A_511[%add3A_508, %broadcast_in_dim3A_0], %sub3A_500 : memref<128x16xf32, #tpu.memory_space<vmem>>[vector<16xi32>, vector<16xi32>], vector<16xf32>,
            %scatter3A_512 = arith.constant 0 : i32
            %scatter3A_513 = arith.constant 0 : i32
            %scatter3A_514 = tpu.memref_slice %run_scoped3A_28[%rem3A_328, %scatter3A_512, %scatter3A_513] : memref<2x128x16xf32, #tpu.memory_space<vmem>> -> memref<1x128x16xf32, #tpu.memory_space<vmem>>
            %scatter3A_515 = tpu.memref_squeeze %scatter3A_514 : memref<1x128x16xf32, #tpu.memory_space<vmem>> -> memref<128x16xf32, #tpu.memory_space<vmem>>
            tpu.vector_store_idx %scatter3A_515[%add3A_508, %broadcast_in_dim3A_2], %sub3A_501 : memref<128x16xf32, #tpu.memory_space<vmem>>[vector<16xi32>, vector<16xi32>], vector<16xf32>,
            %scatter3A_516 = arith.constant 0 : i32
            %scatter3A_517 = arith.constant 0 : i32
            %scatter3A_518 = tpu.memref_slice %run_scoped3A_28[%rem3A_328, %scatter3A_516, %scatter3A_517] : memref<2x128x16xf32, #tpu.memory_space<vmem>> -> memref<1x128x16xf32, #tpu.memory_space<vmem>>
            %scatter3A_519 = tpu.memref_squeeze %scatter3A_518 : memref<1x128x16xf32, #tpu.memory_space<vmem>> -> memref<128x16xf32, #tpu.memory_space<vmem>>
            tpu.vector_store_idx %scatter3A_519[%add3A_508, %broadcast_in_dim3A_4], %add3A_504 : memref<128x16xf32, #tpu.memory_space<vmem>>[vector<16xi32>, vector<16xi32>], vector<16xf32>,
          }
          %scan3A_333 = arith.constant 8 : i32
          "tpu.trace_stop"() : () -> ()
          %ne3A_334 = arith.cmpi ne, %add3A_203, %add3A_221 : i32
          %or3A_335 = arith.constant false
          %or3A_336 = arith.ori %or3A_335, %ne3A_334 : i1
          %or3A_337 = arith.ori %or3A_336, %eq3A_202 : i1
          %convert_element_type3A_338 = arith.extui %or3A_337 : i1 to i32
          %cond3A_339 = arith.constant 0 : i32
          %cond3A_340 = arith.cmpi ne, %convert_element_type3A_338, %cond3A_339 : i32
          scf.if %cond3A_340 {
          } else {
          }
          %and3A_341 = arith.constant false
          %and3A_342 = arith.andi %or3A_337, %and3A_341 : i1
          %ne3A_343 = arith.cmpi ne, %add3A_203, %add3A_221 : i32
          %or3A_344 = arith.constant false
          %or3A_345 = arith.ori %or3A_344, %ne3A_343 : i1
          %or3A_346 = arith.ori %or3A_345, %eq3A_202 : i1
          %convert_element_type3A_347 = arith.extui %or3A_346 : i1 to i32
          %cond3A_348 = arith.constant 0 : i32
          %cond3A_349 = arith.cmpi ne, %convert_element_type3A_347, %cond3A_348 : i32
          scf.if %cond3A_349 {
          } else {
          }
          %and3A_350 = arith.constant false
          %and3A_351 = arith.andi %or3A_346, %and3A_350 : i1
          %ne3A_352 = arith.cmpi ne, %add3A_203, %add3A_221 : i32
          %or3A_353 = arith.constant false
          %or3A_354 = arith.ori %or3A_353, %ne3A_352 : i1
          %or3A_355 = arith.constant false
          %or3A_356 = arith.ori %or3A_354, %or3A_355 : i1
          %or3A_357 = arith.ori %or3A_356, %eq3A_202 : i1
          %convert_element_type3A_358 = arith.extui %or3A_357 : i1 to i32
          %cond3A_359 = arith.constant 0 : i32
          %cond3A_360 = arith.cmpi ne, %convert_element_type3A_358, %cond3A_359 : i32
          scf.if %cond3A_360 {
            "tpu.trace_start"() <{level = 10 : i32, message = "ep_copy_out"}> : () -> ()
            %rem3A_455 = arith.constant 2 : i32
            %rem3A_456 = arith.remui %while3A_191, %rem3A_455 : i32
            %mul3A_457 = arith.constant 128 : i32
            %mul3A_458 = arith.muli %mul3A_457, %add3A_203 : i32
            %dma_start3A_459 = arith.constant 0 : i32
            %dma_start3A_460 = arith.constant 0 : i32
            %dma_start3A_461 = tpu.memref_slice %run_scoped3A_26[%rem3A_456, %dma_start3A_459, %dma_start3A_460] : memref<2x128x256xf32, #tpu.memory_space<vmem>> -> memref<1x128x256xf32, #tpu.memory_space<vmem>>
            %dma_start3A_462 = tpu.memref_squeeze %dma_start3A_461 : memref<1x128x256xf32, #tpu.memory_space<vmem>> -> memref<128x256xf32, #tpu.memory_space<vmem>>
            %dma_start3A_463 = arith.constant 0 : i32
            %dma_start3A_464 = tpu.memref_slice %arg6[%mul3A_458, %dma_start3A_463] : memref<160000x256xf32, #tpu.memory_space<hbm>> -> memref<128x256xf32, #tpu.memory_space<hbm>>
            %dma_start3A_465 = tpu.memref_slice %run_scoped3A_27[%rem3A_456] : memref<2x!tpu.dma_semaphore, #tpu.memory_space<semaphore_mem>> -> memref<1x!tpu.dma_semaphore, #tpu.memory_space<semaphore_mem>>
            %dma_start3A_466 = tpu.memref_squeeze %dma_start3A_465 : memref<1x!tpu.dma_semaphore, #tpu.memory_space<semaphore_mem>> -> memref<!tpu.dma_semaphore, #tpu.memory_space<semaphore_mem>>
            %dma_start3A_467 = arith.constant 0 : i32
            %dma_start3A_468 = tpu.memref_slice %arg6[%mul3A_458, %dma_start3A_467] : memref<160000x256xf32, #tpu.memory_space<hbm>> -> memref<128x256xf32, #tpu.memory_space<hbm>>
            %dma_start3A_469 = arith.constant 0 : i32
            %dma_start3A_470 = arith.constant 0 : i32
            %dma_start3A_471 = tpu.memref_slice %run_scoped3A_26[%rem3A_456, %dma_start3A_469, %dma_start3A_470] : memref<2x128x256xf32, #tpu.memory_space<vmem>> -> memref<1x128x256xf32, #tpu.memory_space<vmem>>
            %dma_start3A_472 = tpu.memref_squeeze %dma_start3A_471 : memref<1x128x256xf32, #tpu.memory_space<vmem>> -> memref<128x256xf32, #tpu.memory_space<vmem>>
            tpu.enqueue_dma source(%dma_start3A_472 : memref<128x256xf32, #tpu.memory_space<vmem>>) target(%dma_start3A_468 : memref<128x256xf32, #tpu.memory_space<hbm>>) target_semaphore(%dma_start3A_466 : memref<!tpu.dma_semaphore, #tpu.memory_space<semaphore_mem>>)
            "tpu.trace_stop"() : () -> ()
          } else {
          }
          %and3A_361 = arith.constant true
          %and3A_362 = arith.andi %or3A_357, %and3A_361 : i1
          %add3A_363 = arith.constant 1 : i32
          %add3A_364 = arith.addi %while3A_191, %add3A_363 : i32
          %select_n3A_365 = arith.select %and3A_362, %add3A_364, %while3A_191 : i32
          %ne3A_366 = arith.cmpi ne, %add3A_203, %add3A_221 : i32
          %or3A_367 = arith.constant false
          %or3A_368 = arith.ori %or3A_367, %ne3A_366 : i1
          %or3A_369 = arith.constant false
          %or3A_370 = arith.ori %or3A_368, %or3A_369 : i1
          %or3A_371 = arith.ori %or3A_370, %eq3A_202 : i1
          %convert_element_type3A_372 = arith.extui %or3A_371 : i1 to i32
          %cond3A_373 = arith.constant 0 : i32
          %cond3A_374 = arith.cmpi ne, %convert_element_type3A_372, %cond3A_373 : i32
          scf.if %cond3A_374 {
            "tpu.trace_start"() <{level = 10 : i32, message = "ep_copy_out"}> : () -> ()
            %rem3A_455 = arith.constant 2 : i32
            %rem3A_456 = arith.remui %while3A_193, %rem3A_455 : i32
            %mul3A_457 = arith.constant 128 : i32
            %mul3A_458 = arith.muli %mul3A_457, %add3A_203 : i32
            %dma_start3A_459 = arith.constant 0 : i32
            %dma_start3A_460 = arith.constant 0 : i32
            %dma_start3A_461 = tpu.memref_slice %run_scoped3A_28[%rem3A_456, %dma_start3A_459, %dma_start3A_460] : memref<2x128x16xf32, #tpu.memory_space<vmem>> -> memref<1x128x16xf32, #tpu.memory_space<vmem>>
            %dma_start3A_462 = tpu.memref_squeeze %dma_start3A_461 : memref<1x128x16xf32, #tpu.memory_space<vmem>> -> memref<128x16xf32, #tpu.memory_space<vmem>>
            %dma_start3A_463 = arith.constant 0 : i32
            %dma_start3A_464 = tpu.memref_slice %arg7[%mul3A_458, %dma_start3A_463] : memref<160000x16xf32, #tpu.memory_space<hbm>> -> memref<128x16xf32, #tpu.memory_space<hbm>>
            %dma_start3A_465 = tpu.memref_slice %run_scoped3A_29[%rem3A_456] : memref<2x!tpu.dma_semaphore, #tpu.memory_space<semaphore_mem>> -> memref<1x!tpu.dma_semaphore, #tpu.memory_space<semaphore_mem>>
            %dma_start3A_466 = tpu.memref_squeeze %dma_start3A_465 : memref<1x!tpu.dma_semaphore, #tpu.memory_space<semaphore_mem>> -> memref<!tpu.dma_semaphore, #tpu.memory_space<semaphore_mem>>
            %dma_start3A_467 = arith.constant 0 : i32
            %dma_start3A_468 = tpu.memref_slice %arg7[%mul3A_458, %dma_start3A_467] : memref<160000x16xf32, #tpu.memory_space<hbm>> -> memref<128x16xf32, #tpu.memory_space<hbm>>
            %dma_start3A_469 = arith.constant 0 : i32
            %dma_start3A_470 = arith.constant 0 : i32
            %dma_start3A_471 = tpu.memref_slice %run_scoped3A_28[%rem3A_456, %dma_start3A_469, %dma_start3A_470] : memref<2x128x16xf32, #tpu.memory_space<vmem>> -> memref<1x128x16xf32, #tpu.memory_space<vmem>>
            %dma_start3A_472 = tpu.memref_squeeze %dma_start3A_471 : memref<1x128x16xf32, #tpu.memory_space<vmem>> -> memref<128x16xf32, #tpu.memory_space<vmem>>
            tpu.enqueue_dma source(%dma_start3A_472 : memref<128x16xf32, #tpu.memory_space<vmem>>) target(%dma_start3A_468 : memref<128x16xf32, #tpu.memory_space<hbm>>) target_semaphore(%dma_start3A_466 : memref<!tpu.dma_semaphore, #tpu.memory_space<semaphore_mem>>)
            "tpu.trace_stop"() : () -> ()
          } else {
          }
          %and3A_375 = arith.constant true
          %and3A_376 = arith.andi %or3A_371, %and3A_375 : i1
          %add3A_377 = arith.constant 1 : i32
          %add3A_378 = arith.addi %while3A_193, %add3A_377 : i32
          %select_n3A_379 = arith.select %and3A_376, %add3A_378, %while3A_193 : i32
          %ne3A_380 = arith.cmpi ne, %add3A_203, %add3A_213 : i32
          %or3A_381 = arith.constant false
          %or3A_382 = arith.ori %or3A_381, %ne3A_380 : i1
          %not3A_383 = arith.constant true
          %not3A_384 = arith.xori %eq3A_199, %not3A_383 : i1
          %and3A_385 = arith.andi %or3A_382, %not3A_384 : i1
          %convert_element_type3A_386 = arith.extui %and3A_385 : i1 to i32
          %cond3A_387 = arith.constant 0 : i32
          %cond3A_388 = arith.cmpi ne, %convert_element_type3A_386, %cond3A_387 : i32
          scf.if %cond3A_388 {
          } else {
          }
          %and3A_389 = arith.constant false
          %and3A_390 = arith.andi %and3A_385, %and3A_389 : i1
          %ne3A_391 = arith.cmpi ne, %add3A_203, %add3A_213 : i32
          %or3A_392 = arith.constant false
          %or3A_393 = arith.ori %or3A_392, %ne3A_391 : i1
          %not3A_394 = arith.constant true
          %not3A_395 = arith.xori %eq3A_199, %not3A_394 : i1
          %and3A_396 = arith.andi %or3A_393, %not3A_395 : i1
          %convert_element_type3A_397 = arith.extui %and3A_396 : i1 to i32
          %cond3A_398 = arith.constant 0 : i32
          %cond3A_399 = arith.cmpi ne, %convert_element_type3A_397, %cond3A_398 : i32
          scf.if %cond3A_399 {
          } else {
          }
          %and3A_400 = arith.constant false
          %and3A_401 = arith.andi %and3A_396, %and3A_400 : i1
          %ne3A_402 = arith.cmpi ne, %add3A_203, %add3A_213 : i32
          %or3A_403 = arith.constant false
          %or3A_404 = arith.ori %or3A_403, %ne3A_402 : i1
          %or3A_405 = arith.constant false
          %or3A_406 = arith.ori %or3A_404, %or3A_405 : i1
          %not3A_407 = arith.constant true
          %not3A_408 = arith.xori %eq3A_199, %not3A_407 : i1
          %and3A_409 = arith.andi %or3A_406, %not3A_408 : i1
          %convert_element_type3A_410 = arith.extui %and3A_409 : i1 to i32
          %cond3A_411 = arith.constant 0 : i32
          %cond3A_412 = arith.cmpi ne, %convert_element_type3A_410, %cond3A_411 : i32
          scf.if %cond3A_412 {
            "tpu.trace_start"() <{level = 10 : i32, message = "ep_wait_out"}> : () -> ()
            %rem3A_455 = arith.constant 2 : i32
            %rem3A_456 = arith.remui %while3A_192, %rem3A_455 : i32
            %mul3A_457 = arith.constant 128 : i32
            %mul3A_458 = arith.muli %mul3A_457, %add3A_213 : i32
            %dma_wait3A = arith.constant 0 : i32
            %dma_wait3A_459 = arith.constant 0 : i32
            %dma_wait3A_460 = tpu.memref_slice %run_scoped3A_26[%rem3A_456, %dma_wait3A, %dma_wait3A_459] : memref<2x128x256xf32, #tpu.memory_space<vmem>> -> memref<1x128x256xf32, #tpu.memory_space<vmem>>
            %dma_wait3A_461 = tpu.memref_squeeze %dma_wait3A_460 : memref<1x128x256xf32, #tpu.memory_space<vmem>> -> memref<128x256xf32, #tpu.memory_space<vmem>>
            %dma_wait3A_462 = arith.constant 0 : i32
            %dma_wait3A_463 = tpu.memref_slice %arg6[%mul3A_458, %dma_wait3A_462] : memref<160000x256xf32, #tpu.memory_space<hbm>> -> memref<128x256xf32, #tpu.memory_space<hbm>>
            %dma_wait3A_464 = tpu.memref_slice %run_scoped3A_27[%rem3A_456] : memref<2x!tpu.dma_semaphore, #tpu.memory_space<semaphore_mem>> -> memref<1x!tpu.dma_semaphore, #tpu.memory_space<semaphore_mem>>
            %dma_wait3A_465 = tpu.memref_squeeze %dma_wait3A_464 : memref<1x!tpu.dma_semaphore, #tpu.memory_space<semaphore_mem>> -> memref<!tpu.dma_semaphore, #tpu.memory_space<semaphore_mem>>
            %dma_wait3A_466 = arith.constant 0 : i32
            %dma_wait3A_467 = tpu.memref_slice %arg6[%mul3A_458, %dma_wait3A_466] : memref<160000x256xf32, #tpu.memory_space<hbm>> -> memref<128x256xf32, #tpu.memory_space<hbm>>
            %dma_wait3A_468 = arith.constant 0 : i32
            %dma_wait3A_469 = arith.constant 0 : i32
            %dma_wait3A_470 = tpu.memref_slice %run_scoped3A_26[%rem3A_456, %dma_wait3A_468, %dma_wait3A_469] : memref<2x128x256xf32, #tpu.memory_space<vmem>> -> memref<1x128x256xf32, #tpu.memory_space<vmem>>
            %dma_wait3A_471 = tpu.memref_squeeze %dma_wait3A_470 : memref<1x128x256xf32, #tpu.memory_space<vmem>> -> memref<128x256xf32, #tpu.memory_space<vmem>>
            tpu.wait_dma2 semaphore(%dma_wait3A_465 : memref<!tpu.dma_semaphore, #tpu.memory_space<semaphore_mem>>) src(%dma_wait3A_471 : memref<128x256xf32, #tpu.memory_space<vmem>>) dst(%dma_wait3A_467 : memref<128x256xf32, #tpu.memory_space<hbm>>)
            "tpu.trace_stop"() : () -> ()
          } else {
          }
          %and3A_413 = arith.constant true
          %and3A_414 = arith.andi %and3A_409, %and3A_413 : i1
          %add3A_415 = arith.constant 1 : i32
          %add3A_416 = arith.addi %while3A_192, %add3A_415 : i32
          %select_n3A_417 = arith.select %and3A_414, %add3A_416, %while3A_192 : i32
          %ne3A_418 = arith.cmpi ne, %add3A_203, %add3A_213 : i32
          %or3A_419 = arith.constant false
          %or3A_420 = arith.ori %or3A_419, %ne3A_418 : i1
          %or3A_421 = arith.constant false
          %or3A_422 = arith.ori %or3A_420, %or3A_421 : i1
          %not3A_423 = arith.constant true
          %not3A_424 = arith.xori %eq3A_199, %not3A_423 : i1
          %and3A_425 = arith.andi %or3A_422, %not3A_424 : i1
          %convert_element_type3A_426 = arith.extui %and3A_425 : i1 to i32
          %cond3A_427 = arith.constant 0 : i32
          %cond3A_428 = arith.cmpi ne, %convert_element_type3A_426, %cond3A_427 : i32
          scf.if %cond3A_428 {
            "tpu.trace_start"() <{level = 10 : i32, message = "ep_wait_out"}> : () -> ()
            %rem3A_455 = arith.constant 2 : i32
            %rem3A_456 = arith.remui %while3A_194, %rem3A_455 : i32
            %mul3A_457 = arith.constant 128 : i32
            %mul3A_458 = arith.muli %mul3A_457, %add3A_213 : i32
            %dma_wait3A = arith.constant 0 : i32
            %dma_wait3A_459 = arith.constant 0 : i32
            %dma_wait3A_460 = tpu.memref_slice %run_scoped3A_28[%rem3A_456, %dma_wait3A, %dma_wait3A_459] : memref<2x128x16xf32, #tpu.memory_space<vmem>> -> memref<1x128x16xf32, #tpu.memory_space<vmem>>
            %dma_wait3A_461 = tpu.memref_squeeze %dma_wait3A_460 : memref<1x128x16xf32, #tpu.memory_space<vmem>> -> memref<128x16xf32, #tpu.memory_space<vmem>>
            %dma_wait3A_462 = arith.constant 0 : i32
            %dma_wait3A_463 = tpu.memref_slice %arg7[%mul3A_458, %dma_wait3A_462] : memref<160000x16xf32, #tpu.memory_space<hbm>> -> memref<128x16xf32, #tpu.memory_space<hbm>>
            %dma_wait3A_464 = tpu.memref_slice %run_scoped3A_29[%rem3A_456] : memref<2x!tpu.dma_semaphore, #tpu.memory_space<semaphore_mem>> -> memref<1x!tpu.dma_semaphore, #tpu.memory_space<semaphore_mem>>
            %dma_wait3A_465 = tpu.memref_squeeze %dma_wait3A_464 : memref<1x!tpu.dma_semaphore, #tpu.memory_space<semaphore_mem>> -> memref<!tpu.dma_semaphore, #tpu.memory_space<semaphore_mem>>
            %dma_wait3A_466 = arith.constant 0 : i32
            %dma_wait3A_467 = tpu.memref_slice %arg7[%mul3A_458, %dma_wait3A_466] : memref<160000x16xf32, #tpu.memory_space<hbm>> -> memref<128x16xf32, #tpu.memory_space<hbm>>
            %dma_wait3A_468 = arith.constant 0 : i32
            %dma_wait3A_469 = arith.constant 0 : i32
            %dma_wait3A_470 = tpu.memref_slice %run_scoped3A_28[%rem3A_456, %dma_wait3A_468, %dma_wait3A_469] : memref<2x128x16xf32, #tpu.memory_space<vmem>> -> memref<1x128x16xf32, #tpu.memory_space<vmem>>
            %dma_wait3A_471 = tpu.memref_squeeze %dma_wait3A_470 : memref<1x128x16xf32, #tpu.memory_space<vmem>> -> memref<128x16xf32, #tpu.memory_space<vmem>>
            tpu.wait_dma2 semaphore(%dma_wait3A_465 : memref<!tpu.dma_semaphore, #tpu.memory_space<semaphore_mem>>) src(%dma_wait3A_471 : memref<128x16xf32, #tpu.memory_space<vmem>>) dst(%dma_wait3A_467 : memref<128x16xf32, #tpu.memory_space<hbm>>)
            "tpu.trace_stop"() : () -> ()
          } else {
          }
          %and3A_429 = arith.constant true
          %and3A_430 = arith.andi %and3A_425, %and3A_429 : i1
          %add3A_431 = arith.constant 1 : i32
          %add3A_432 = arith.addi %while3A_194, %add3A_431 : i32
          %select_n3A_433 = arith.select %and3A_430, %add3A_432, %while3A_194 : i32
          %ne3A_434 = arith.cmpi ne, %add3A_203, %add3A_221 : i32
          %or3A_435 = arith.constant false
          %or3A_436 = arith.ori %or3A_435, %ne3A_434 : i1
          %or3A_437 = arith.ori %or3A_436, %eq3A_202 : i1
          %add3A_438 = arith.constant 1 : i32
          %add3A_439 = arith.addi %while3A_188, %add3A_438 : i32
          %select_n3A_440 = arith.select %or3A_437, %add3A_439, %while3A_188 : i32
          %ne3A_441 = arith.cmpi ne, %add3A_203, %add3A_221 : i32
          %or3A_442 = arith.constant false
          %or3A_443 = arith.ori %or3A_442, %ne3A_441 : i1
          %or3A_444 = arith.ori %or3A_443, %eq3A_202 : i1
          %add3A_445 = arith.constant 1 : i32
          %add3A_446 = arith.addi %while3A_190, %add3A_445 : i32
          %select_n3A_447 = arith.select %or3A_444, %add3A_446, %while3A_190 : i32
          %add3A_448 = arith.constant 1 : i32
          %add3A_449 = arith.addi %while3A_195, %add3A_448 : i32
          %select_n3A_450 = arith.constant true
          %select_n3A_451 = arith.select %select_n3A_450, %add3A_449, %while3A_195 : i32
          %eq3A_452 = arith.cmpi eq, %select_n3A_451, %select_n3A : i32
          %select_n3A_453 = arith.constant 0 : i32
          %select_n3A_454 = arith.select %eq3A_452, %select_n3A_453, %select_n3A_451 : i32
          scf.yield %select_n3A_243, %select_n3A_440, %select_n3A_262, %select_n3A_447, %select_n3A_365, %select_n3A_417, %select_n3A_379, %select_n3A_433, %select_n3A_454 : i32, i32, i32, i32, i32, i32, i32, i32, i32
        }
        %while3A_127 = arith.constant 1 : i32
        %while3A_128:9 = scf.for %while3A_186 = %while3A_124 to %while3A_120 step %while3A_127 iter_args(%while3A_187 = %while3A_126#0, %while3A_188 = %while3A_126#1, %while3A_189 = %while3A_126#2, %while3A_190 = %while3A_126#3, %while3A_191 = %while3A_126#4, %while3A_192 = %while3A_126#5, %while3A_193 = %while3A_126#6, %while3A_194 = %while3A_126#7, %while3A_195 = %while3A_126#8) -> (i32, i32, i32, i32, i32, i32, i32, i32, i32)  : i32 {
          %mul3A_196 = arith.constant 1 : i32
          %mul3A_197 = arith.muli %mul3A_196, %select_n3A : i32
          %eq3A_198 = arith.constant 0 : i32
          %eq3A_199 = arith.cmpi eq, %while3A_186, %eq3A_198 : i32
          %sub3A_200 = arith.constant 1 : i32
          %sub3A_201 = arith.subi %mul3A_197, %sub3A_200 : i32
          %eq3A_202 = arith.cmpi eq, %while3A_186, %sub3A_201 : i32
          %add3A_203 = arith.addi %while3A_195, %select_n3A_19 : i32
          %sub3A_204 = arith.constant 1 : i32
          %sub3A_205 = arith.subi %while3A_195, %sub3A_204 : i32
          %select_n3A_206 = arith.constant true
          %select_n3A_207 = arith.select %select_n3A_206, %sub3A_205, %while3A_195 : i32
          %eq3A_208 = arith.constant -1 : i32
          %eq3A_209 = arith.cmpi eq, %select_n3A_207, %eq3A_208 : i32
          %sub3A_210 = arith.constant 1 : i32
          %sub3A_211 = arith.subi %select_n3A, %sub3A_210 : i32
          %select_n3A_212 = arith.select %eq3A_209, %sub3A_211, %select_n3A_207 : i32
          %add3A_213 = arith.addi %select_n3A_212, %select_n3A_19 : i32
          %add3A_214 = arith.constant 1 : i32
          %add3A_215 = arith.addi %while3A_195, %add3A_214 : i32
          %select_n3A_216 = arith.constant true
          %select_n3A_217 = arith.select %select_n3A_216, %add3A_215, %while3A_195 : i32
          %eq3A_218 = arith.cmpi eq, %select_n3A_217, %select_n3A : i32
          %select_n3A_219 = arith.constant 0 : i32
          %select_n3A_220 = arith.select %eq3A_218, %select_n3A_219, %select_n3A_217 : i32
          %add3A_221 = arith.addi %select_n3A_220, %select_n3A_19 : i32
          %add3A_222 = arith.constant 1 : i32
          %add3A_223 = arith.addi %select_n3A_220, %add3A_222 : i32
          %select_n3A_224 = arith.constant true
          %select_n3A_225 = arith.select %select_n3A_224, %add3A_223, %select_n3A_220 : i32
          %eq3A_226 = arith.cmpi eq, %select_n3A_225, %select_n3A : i32
          %select_n3A_227 = arith.constant 0 : i32
          %select_n3A_228 = arith.select %eq3A_226, %select_n3A_227, %select_n3A_225 : i32
          %add3A_229 = arith.addi %select_n3A_228, %select_n3A_19 : i32
          %ne3A = arith.cmpi ne, %add3A_203, %add3A_221 : i32
          %or3A = arith.constant false
          %or3A_230 = arith.ori %or3A, %ne3A : i1
          %sub3A_231 = arith.constant 2 : i32
          %sub3A_232 = arith.subi %mul3A_197, %sub3A_231 : i32
          %add3A_233 = arith.constant 1 : i32
          %add3A_234 = arith.addi %sub3A_232, %add3A_233 : i32
          %ge3A = arith.cmpi sge, %while3A_186, %add3A_234 : i32
          %not3A = arith.constant true
          %not3A_235 = arith.xori %ge3A, %not3A : i1
          %and3A = arith.andi %or3A_230, %not3A_235 : i1
          %convert_element_type3A_236 = arith.extui %and3A : i1 to i32
          %cond3A_237 = arith.constant 0 : i32
          %cond3A_238 = arith.cmpi ne, %convert_element_type3A_236, %cond3A_237 : i32
          scf.if %cond3A_238 {
            "tpu.trace_start"() <{level = 10 : i32, message = "ep_copy_in"}> : () -> ()
            %rem3A_455 = arith.constant 2 : i32
            %rem3A_456 = arith.remui %while3A_187, %rem3A_455 : i32
            %mul3A_457 = arith.constant 128 : i32
            %mul3A_458 = arith.muli %mul3A_457, %add3A_221 : i32
            %dma_start3A_459 = arith.constant 0 : i32
            %dma_start3A_460 = arith.constant 0 : i32
            %dma_start3A_461 = tpu.memref_slice %run_scoped3A_22[%rem3A_456, %dma_start3A_459, %dma_start3A_460] : memref<2x1x128xi32, #tpu.memory_space<vmem>> -> memref<1x1x128xi32, #tpu.memory_space<vmem>>
            %dma_start3A_462 = tpu.memref_squeeze %dma_start3A_461 : memref<1x1x128xi32, #tpu.memory_space<vmem>> -> memref<1x128xi32, #tpu.memory_space<vmem>>
            %dma_start3A_463 = arith.constant 0 : i32
            %dma_start3A_464 = tpu.memref_slice %arg4[%dma_start3A_463, %mul3A_458] : memref<1x160000xi32, #tpu.memory_space<hbm>> -> memref<1x128xi32, #tpu.memory_space<hbm>>
            %dma_start3A_465 = tpu.memref_slice %run_scoped3A_23[%rem3A_456] : memref<2x!tpu.dma_semaphore, #tpu.memory_space<semaphore_mem>> -> memref<1x!tpu.dma_semaphore, #tpu.memory_space<semaphore_mem>>
            %dma_start3A_466 = tpu.memref_squeeze %dma_start3A_465 : memref<1x!tpu.dma_semaphore, #tpu.memory_space<semaphore_mem>> -> memref<!tpu.dma_semaphore, #tpu.memory_space<semaphore_mem>>
            %dma_start3A_467 = arith.constant 0 : i32
            %dma_start3A_468 = arith.constant 0 : i32
            %dma_start3A_469 = tpu.memref_slice %run_scoped3A_22[%rem3A_456, %dma_start3A_467, %dma_start3A_468] : memref<2x1x128xi32, #tpu.memory_space<vmem>> -> memref<1x1x128xi32, #tpu.memory_space<vmem>>
            %dma_start3A_470 = tpu.memref_squeeze %dma_start3A_469 : memref<1x1x128xi32, #tpu.memory_space<vmem>> -> memref<1x128xi32, #tpu.memory_space<vmem>>
            %dma_start3A_471 = arith.constant 0 : i32
            %dma_start3A_472 = tpu.memref_slice %arg4[%dma_start3A_471, %mul3A_458] : memref<1x160000xi32, #tpu.memory_space<hbm>> -> memref<1x128xi32, #tpu.memory_space<hbm>>
            tpu.enqueue_dma source(%dma_start3A_472 : memref<1x128xi32, #tpu.memory_space<hbm>>) target(%dma_start3A_470 : memref<1x128xi32, #tpu.memory_space<vmem>>) target_semaphore(%dma_start3A_466 : memref<!tpu.dma_semaphore, #tpu.memory_space<semaphore_mem>>)
            "tpu.trace_stop"() : () -> ()
          } else {
          }
          %and3A_239 = arith.constant true
          %and3A_240 = arith.andi %and3A, %and3A_239 : i1
          %add3A_241 = arith.constant 1 : i32
          %add3A_242 = arith.addi %while3A_187, %add3A_241 : i32
          %select_n3A_243 = arith.select %and3A_240, %add3A_242, %while3A_187 : i32
          %ne3A_244 = arith.cmpi ne, %add3A_203, %add3A_221 : i32
          %or3A_245 = arith.constant false
          %or3A_246 = arith.ori %or3A_245, %ne3A_244 : i1
          %sub3A_247 = arith.constant 2 : i32
          %sub3A_248 = arith.subi %mul3A_197, %sub3A_247 : i32
          %add3A_249 = arith.constant 1 : i32
          %add3A_250 = arith.addi %sub3A_248, %add3A_249 : i32
          %ge3A_251 = arith.cmpi sge, %while3A_186, %add3A_250 : i32
          %not3A_252 = arith.constant true
          %not3A_253 = arith.xori %ge3A_251, %not3A_252 : i1
          %and3A_254 = arith.andi %or3A_246, %not3A_253 : i1
          %convert_element_type3A_255 = arith.extui %and3A_254 : i1 to i32
          %cond3A_256 = arith.constant 0 : i32
          %cond3A_257 = arith.cmpi ne, %convert_element_type3A_255, %cond3A_256 : i32
          scf.if %cond3A_257 {
            "tpu.trace_start"() <{level = 10 : i32, message = "ep_copy_in"}> : () -> ()
            %rem3A_455 = arith.constant 2 : i32
            %rem3A_456 = arith.remui %while3A_189, %rem3A_455 : i32
            %mul3A_457 = arith.constant 128 : i32
            %mul3A_458 = arith.muli %mul3A_457, %add3A_221 : i32
            %dma_start3A_459 = arith.constant 0 : i32
            %dma_start3A_460 = arith.constant 0 : i32
            %dma_start3A_461 = tpu.memref_slice %run_scoped3A_24[%rem3A_456, %dma_start3A_459, %dma_start3A_460] : memref<2x1x128xi32, #tpu.memory_space<vmem>> -> memref<1x1x128xi32, #tpu.memory_space<vmem>>
            %dma_start3A_462 = tpu.memref_squeeze %dma_start3A_461 : memref<1x1x128xi32, #tpu.memory_space<vmem>> -> memref<1x128xi32, #tpu.memory_space<vmem>>
            %dma_start3A_463 = arith.constant 0 : i32
            %dma_start3A_464 = tpu.memref_slice %arg5[%dma_start3A_463, %mul3A_458] : memref<1x160000xi32, #tpu.memory_space<hbm>> -> memref<1x128xi32, #tpu.memory_space<hbm>>
            %dma_start3A_465 = tpu.memref_slice %run_scoped3A_25[%rem3A_456] : memref<2x!tpu.dma_semaphore, #tpu.memory_space<semaphore_mem>> -> memref<1x!tpu.dma_semaphore, #tpu.memory_space<semaphore_mem>>
            %dma_start3A_466 = tpu.memref_squeeze %dma_start3A_465 : memref<1x!tpu.dma_semaphore, #tpu.memory_space<semaphore_mem>> -> memref<!tpu.dma_semaphore, #tpu.memory_space<semaphore_mem>>
            %dma_start3A_467 = arith.constant 0 : i32
            %dma_start3A_468 = arith.constant 0 : i32
            %dma_start3A_469 = tpu.memref_slice %run_scoped3A_24[%rem3A_456, %dma_start3A_467, %dma_start3A_468] : memref<2x1x128xi32, #tpu.memory_space<vmem>> -> memref<1x1x128xi32, #tpu.memory_space<vmem>>
            %dma_start3A_470 = tpu.memref_squeeze %dma_start3A_469 : memref<1x1x128xi32, #tpu.memory_space<vmem>> -> memref<1x128xi32, #tpu.memory_space<vmem>>
            %dma_start3A_471 = arith.constant 0 : i32
            %dma_start3A_472 = tpu.memref_slice %arg5[%dma_start3A_471, %mul3A_458] : memref<1x160000xi32, #tpu.memory_space<hbm>> -> memref<1x128xi32, #tpu.memory_space<hbm>>
            tpu.enqueue_dma source(%dma_start3A_472 : memref<1x128xi32, #tpu.memory_space<hbm>>) target(%dma_start3A_470 : memref<1x128xi32, #tpu.memory_space<vmem>>) target_semaphore(%dma_start3A_466 : memref<!tpu.dma_semaphore, #tpu.memory_space<semaphore_mem>>)
            "tpu.trace_stop"() : () -> ()
          } else {
          }
          %and3A_258 = arith.constant true
          %and3A_259 = arith.andi %and3A_254, %and3A_258 : i1
          %add3A_260 = arith.constant 1 : i32
          %add3A_261 = arith.addi %while3A_189, %add3A_260 : i32
          %select_n3A_262 = arith.select %and3A_259, %add3A_261, %while3A_189 : i32
          %ne3A_263 = arith.cmpi ne, %add3A_203, %add3A_221 : i32
          %or3A_264 = arith.constant false
          %or3A_265 = arith.ori %or3A_264, %ne3A_263 : i1
          %or3A_266 = arith.constant false
          %or3A_267 = arith.ori %or3A_265, %or3A_266 : i1
          %sub3A_268 = arith.constant 2 : i32
          %sub3A_269 = arith.subi %mul3A_197, %sub3A_268 : i32
          %add3A_270 = arith.constant 1 : i32
          %add3A_271 = arith.addi %sub3A_269, %add3A_270 : i32
          %ge3A_272 = arith.cmpi sge, %while3A_186, %add3A_271 : i32
          %not3A_273 = arith.constant true
          %not3A_274 = arith.xori %ge3A_272, %not3A_273 : i1
          %and3A_275 = arith.andi %or3A_267, %not3A_274 : i1
          %ne3A_276 = arith.cmpi ne, %add3A_203, %add3A_221 : i32
          %or3A_277 = arith.constant false
          %or3A_278 = arith.ori %or3A_277, %ne3A_276 : i1
          %or3A_279 = arith.constant false
          %or3A_280 = arith.ori %or3A_278, %or3A_279 : i1
          %sub3A_281 = arith.constant 2 : i32
          %sub3A_282 = arith.subi %mul3A_197, %sub3A_281 : i32
          %add3A_283 = arith.constant 1 : i32
          %add3A_284 = arith.addi %sub3A_282, %add3A_283 : i32
          %ge3A_285 = arith.cmpi sge, %while3A_186, %add3A_284 : i32
          %not3A_286 = arith.constant true
          %not3A_287 = arith.xori %ge3A_285, %not3A_286 : i1
          %and3A_288 = arith.andi %or3A_280, %not3A_287 : i1
          %ne3A_289 = arith.cmpi ne, %add3A_203, %add3A_213 : i32
          %or3A_290 = arith.constant false
          %or3A_291 = arith.ori %or3A_290, %ne3A_289 : i1
          %or3A_292 = arith.ori %or3A_291, %eq3A_199 : i1
          %convert_element_type3A_293 = arith.extui %or3A_292 : i1 to i32
          %cond3A_294 = arith.constant 0 : i32
          %cond3A_295 = arith.cmpi ne, %convert_element_type3A_293, %cond3A_294 : i32
          scf.if %cond3A_295 {
            "tpu.trace_start"() <{level = 10 : i32, message = "ep_wait_in"}> : () -> ()
            %mul3A_455 = arith.constant 128 : i32
            %mul3A_456 = arith.muli %mul3A_455, %add3A_203 : i32
            %rem3A_457 = arith.constant 2 : i32
            %rem3A_458 = arith.remui %while3A_188, %rem3A_457 : i32
            %dma_wait3A = arith.constant 0 : i32
            %dma_wait3A_459 = arith.constant 0 : i32
            %dma_wait3A_460 = tpu.memref_slice %run_scoped3A_22[%rem3A_458, %dma_wait3A, %dma_wait3A_459] : memref<2x1x128xi32, #tpu.memory_space<vmem>> -> memref<1x1x128xi32, #tpu.memory_space<vmem>>
            %dma_wait3A_461 = tpu.memref_squeeze %dma_wait3A_460 : memref<1x1x128xi32, #tpu.memory_space<vmem>> -> memref<1x128xi32, #tpu.memory_space<vmem>>
            %dma_wait3A_462 = arith.constant 0 : i32
            %dma_wait3A_463 = tpu.memref_slice %arg4[%dma_wait3A_462, %mul3A_456] : memref<1x160000xi32, #tpu.memory_space<hbm>> -> memref<1x128xi32, #tpu.memory_space<hbm>>
            %dma_wait3A_464 = tpu.memref_slice %run_scoped3A_23[%rem3A_458] : memref<2x!tpu.dma_semaphore, #tpu.memory_space<semaphore_mem>> -> memref<1x!tpu.dma_semaphore, #tpu.memory_space<semaphore_mem>>
            %dma_wait3A_465 = tpu.memref_squeeze %dma_wait3A_464 : memref<1x!tpu.dma_semaphore, #tpu.memory_space<semaphore_mem>> -> memref<!tpu.dma_semaphore, #tpu.memory_space<semaphore_mem>>
            %dma_wait3A_466 = arith.constant 0 : i32
            %dma_wait3A_467 = arith.constant 0 : i32
            %dma_wait3A_468 = tpu.memref_slice %run_scoped3A_22[%rem3A_458, %dma_wait3A_466, %dma_wait3A_467] : memref<2x1x128xi32, #tpu.memory_space<vmem>> -> memref<1x1x128xi32, #tpu.memory_space<vmem>>
            %dma_wait3A_469 = tpu.memref_squeeze %dma_wait3A_468 : memref<1x1x128xi32, #tpu.memory_space<vmem>> -> memref<1x128xi32, #tpu.memory_space<vmem>>
            %dma_wait3A_470 = arith.constant 0 : i32
            %dma_wait3A_471 = tpu.memref_slice %arg4[%dma_wait3A_470, %mul3A_456] : memref<1x160000xi32, #tpu.memory_space<hbm>> -> memref<1x128xi32, #tpu.memory_space<hbm>>
            tpu.wait_dma2 semaphore(%dma_wait3A_465 : memref<!tpu.dma_semaphore, #tpu.memory_space<semaphore_mem>>) src(%dma_wait3A_471 : memref<1x128xi32, #tpu.memory_space<hbm>>) dst(%dma_wait3A_469 : memref<1x128xi32, #tpu.memory_space<vmem>>)
            "tpu.trace_stop"() : () -> ()
          } else {
          }
          %ne3A_296 = arith.cmpi ne, %add3A_203, %add3A_213 : i32
          %or3A_297 = arith.constant false
          %or3A_298 = arith.ori %or3A_297, %ne3A_296 : i1
          %or3A_299 = arith.ori %or3A_298, %eq3A_199 : i1
          %convert_element_type3A_300 = arith.extui %or3A_299 : i1 to i32
          %cond3A_301 = arith.constant 0 : i32
          %cond3A_302 = arith.cmpi ne, %convert_element_type3A_300, %cond3A_301 : i32
          scf.if %cond3A_302 {
            "tpu.trace_start"() <{level = 10 : i32, message = "ep_wait_in"}> : () -> ()
            %mul3A_455 = arith.constant 128 : i32
            %mul3A_456 = arith.muli %mul3A_455, %add3A_203 : i32
            %rem3A_457 = arith.constant 2 : i32
            %rem3A_458 = arith.remui %while3A_190, %rem3A_457 : i32
            %dma_wait3A = arith.constant 0 : i32
            %dma_wait3A_459 = arith.constant 0 : i32
            %dma_wait3A_460 = tpu.memref_slice %run_scoped3A_24[%rem3A_458, %dma_wait3A, %dma_wait3A_459] : memref<2x1x128xi32, #tpu.memory_space<vmem>> -> memref<1x1x128xi32, #tpu.memory_space<vmem>>
            %dma_wait3A_461 = tpu.memref_squeeze %dma_wait3A_460 : memref<1x1x128xi32, #tpu.memory_space<vmem>> -> memref<1x128xi32, #tpu.memory_space<vmem>>
            %dma_wait3A_462 = arith.constant 0 : i32
            %dma_wait3A_463 = tpu.memref_slice %arg5[%dma_wait3A_462, %mul3A_456] : memref<1x160000xi32, #tpu.memory_space<hbm>> -> memref<1x128xi32, #tpu.memory_space<hbm>>
            %dma_wait3A_464 = tpu.memref_slice %run_scoped3A_25[%rem3A_458] : memref<2x!tpu.dma_semaphore, #tpu.memory_space<semaphore_mem>> -> memref<1x!tpu.dma_semaphore, #tpu.memory_space<semaphore_mem>>
            %dma_wait3A_465 = tpu.memref_squeeze %dma_wait3A_464 : memref<1x!tpu.dma_semaphore, #tpu.memory_space<semaphore_mem>> -> memref<!tpu.dma_semaphore, #tpu.memory_space<semaphore_mem>>
            %dma_wait3A_466 = arith.constant 0 : i32
            %dma_wait3A_467 = arith.constant 0 : i32
            %dma_wait3A_468 = tpu.memref_slice %run_scoped3A_24[%rem3A_458, %dma_wait3A_466, %dma_wait3A_467] : memref<2x1x128xi32, #tpu.memory_space<vmem>> -> memref<1x1x128xi32, #tpu.memory_space<vmem>>
            %dma_wait3A_469 = tpu.memref_squeeze %dma_wait3A_468 : memref<1x1x128xi32, #tpu.memory_space<vmem>> -> memref<1x128xi32, #tpu.memory_space<vmem>>
            %dma_wait3A_470 = arith.constant 0 : i32
            %dma_wait3A_471 = tpu.memref_slice %arg5[%dma_wait3A_470, %mul3A_456] : memref<1x160000xi32, #tpu.memory_space<hbm>> -> memref<1x128xi32, #tpu.memory_space<hbm>>
            tpu.wait_dma2 semaphore(%dma_wait3A_465 : memref<!tpu.dma_semaphore, #tpu.memory_space<semaphore_mem>>) src(%dma_wait3A_471 : memref<1x128xi32, #tpu.memory_space<hbm>>) dst(%dma_wait3A_469 : memref<1x128xi32, #tpu.memory_space<vmem>>)
            "tpu.trace_stop"() : () -> ()
          } else {
          }
          %ne3A_303 = arith.cmpi ne, %add3A_203, %add3A_213 : i32
          %or3A_304 = arith.constant false
          %or3A_305 = arith.ori %or3A_304, %ne3A_303 : i1
          %or3A_306 = arith.constant false
          %or3A_307 = arith.ori %or3A_305, %or3A_306 : i1
          %or3A_308 = arith.ori %or3A_307, %eq3A_199 : i1
          %convert_element_type3A_309 = arith.extui %or3A_308 : i1 to i32
          %cond3A_310 = arith.constant 0 : i32
          %cond3A_311 = arith.cmpi ne, %convert_element_type3A_309, %cond3A_310 : i32
          scf.if %cond3A_311 {
          } else {
          }
          %ne3A_312 = arith.cmpi ne, %add3A_203, %add3A_213 : i32
          %or3A_313 = arith.constant false
          %or3A_314 = arith.ori %or3A_313, %ne3A_312 : i1
          %or3A_315 = arith.constant false
          %or3A_316 = arith.ori %or3A_314, %or3A_315 : i1
          %or3A_317 = arith.ori %or3A_316, %eq3A_199 : i1
          %convert_element_type3A_318 = arith.extui %or3A_317 : i1 to i32
          %cond3A_319 = arith.constant 0 : i32
          %cond3A_320 = arith.cmpi ne, %convert_element_type3A_318, %cond3A_319 : i32
          scf.if %cond3A_320 {
          } else {
          }
          %rem3A_321 = arith.constant 2 : i32
          %rem3A_322 = arith.remui %while3A_188, %rem3A_321 : i32
          %rem3A_323 = arith.constant 2 : i32
          %rem3A_324 = arith.remui %while3A_190, %rem3A_323 : i32
          %rem3A_325 = arith.constant 2 : i32
          %rem3A_326 = arith.remui %while3A_191, %rem3A_325 : i32
          %rem3A_327 = arith.constant 2 : i32
          %rem3A_328 = arith.remui %while3A_193, %rem3A_327 : i32
          %run_scoped3A_329 = arith.constant 0 : i32
          "tpu.trace_start"() <{level = 10 : i32, message = "ep_run_kernel"}> : () -> ()
          "tpu.region"() ({
            %run_scoped3A_455 = tpu.sem_alloc : memref<!tpu.dma_semaphore, #tpu.memory_space<semaphore_mem>>
            %dma_start3A_456 = arith.constant 0 : i32
            %dma_start3A_457 = arith.constant 0 : i32
            %dma_start3A_458 = tpu.memref_slice %run_scoped3A_26[%rem3A_326, %dma_start3A_456, %dma_start3A_457] : memref<2x128x256xf32, #tpu.memory_space<vmem>> -> memref<1x128x256xf32, #tpu.memory_space<vmem>>
            %dma_start3A_459 = tpu.memref_squeeze %dma_start3A_458 : memref<1x128x256xf32, #tpu.memory_space<vmem>> -> memref<128x256xf32, #tpu.memory_space<vmem>>
            %dma_start3A_460 = arith.constant 0 : i32
            %dma_start3A_461 = arith.constant 0 : i32
            %dma_start3A_462 = tpu.memref_slice %run_scoped3A_22[%rem3A_322, %dma_start3A_460, %dma_start3A_461] : memref<2x1x128xi32, #tpu.memory_space<vmem>> -> memref<1x1x128xi32, #tpu.memory_space<vmem>>
            %dma_start3A_463 = tpu.memref_squeeze %dma_start3A_462 : memref<1x1x128xi32, #tpu.memory_space<vmem>> -> memref<1x128xi32, #tpu.memory_space<vmem>>
            %dma_start3A_464 = arith.constant 0 : i32
            %dma_start3A_465 = tpu.memref_slice %dma_start3A_463[%run_scoped3A_329, %dma_start3A_464] : memref<1x128xi32, #tpu.memory_space<vmem>> -> memref<1x128xi32, #tpu.memory_space<vmem>>
            %dma_start3A_466 = tpu.memref_squeeze %dma_start3A_465 : memref<1x128xi32, #tpu.memory_space<vmem>> -> memref<128xi32, #tpu.memory_space<vmem>>
            %dma_start3A_467 = arith.constant 0 : i32
            %dma_start3A_468 = arith.constant 0 : i32
            %dma_start3A_469 = tpu.memref_slice %arg2[%dma_start3A_467, %dma_start3A_468] : memref<10000x256xf32, #tpu.memory_space<hbm>> -> memref<10000x256xf32, #tpu.memory_space<hbm>>
            tpu.enqueue_indirect_dma source(%dma_start3A_469 : memref<10000x256xf32, #tpu.memory_space<hbm>>) target(%dma_start3A_459 : memref<128x256xf32, #tpu.memory_space<vmem>>) offsets(%dma_start3A_466 : memref<128xi32, #tpu.memory_space<vmem>>) semaphore(%run_scoped3A_455 : memref<!tpu.dma_semaphore, #tpu.memory_space<semaphore_mem>>)
            %dma_wait3A = arith.constant 0 : i32
            %dma_wait3A_470 = arith.constant 0 : i32
            %dma_wait3A_471 = tpu.memref_slice %run_scoped3A_26[%rem3A_326, %dma_wait3A, %dma_wait3A_470] : memref<2x128x256xf32, #tpu.memory_space<vmem>> -> memref<1x128x256xf32, #tpu.memory_space<vmem>>
            %dma_wait3A_472 = tpu.memref_squeeze %dma_wait3A_471 : memref<1x128x256xf32, #tpu.memory_space<vmem>> -> memref<128x256xf32, #tpu.memory_space<vmem>>
            %dma_wait3A_473 = arith.constant 0 : i32
            %dma_wait3A_474 = arith.constant 0 : i32
            %dma_wait3A_475 = tpu.memref_slice %run_scoped3A_22[%rem3A_322, %dma_wait3A_473, %dma_wait3A_474] : memref<2x1x128xi32, #tpu.memory_space<vmem>> -> memref<1x1x128xi32, #tpu.memory_space<vmem>>
            %dma_wait3A_476 = tpu.memref_squeeze %dma_wait3A_475 : memref<1x1x128xi32, #tpu.memory_space<vmem>> -> memref<1x128xi32, #tpu.memory_space<vmem>>
            %dma_wait3A_477 = arith.constant 0 : i32
            %dma_wait3A_478 = tpu.memref_slice %dma_wait3A_476[%run_scoped3A_329, %dma_wait3A_477] : memref<1x128xi32, #tpu.memory_space<vmem>> -> memref<1x128xi32, #tpu.memory_space<vmem>>
            %dma_wait3A_479 = tpu.memref_squeeze %dma_wait3A_478 : memref<1x128xi32, #tpu.memory_space<vmem>> -> memref<128xi32, #tpu.memory_space<vmem>>
            %dma_wait3A_480 = arith.constant 0 : i32
            %dma_wait3A_481 = arith.constant 0 : i32
            %dma_wait3A_482 = tpu.memref_slice %arg2[%dma_wait3A_480, %dma_wait3A_481] : memref<10000x256xf32, #tpu.memory_space<hbm>> -> memref<10000x256xf32, #tpu.memory_space<hbm>>
            tpu.wait_indirect_dma semaphore(%run_scoped3A_455 : memref<!tpu.dma_semaphore, #tpu.memory_space<semaphore_mem>>) src(%dma_wait3A_482 : memref<10000x256xf32, #tpu.memory_space<hbm>>) dst(%dma_wait3A_472 : memref<128x256xf32, #tpu.memory_space<vmem>>)
            tpu.yield
          }) : () -> ()
          %scan3A = arith.constant 0 : i32
          %scan3A_330 = arith.constant 8 : i32
          %scan3A_331 = arith.addi %scan3A, %scan3A_330 : i32
          %scan3A_332 = arith.constant 1 : i32
          scf.for %scan3A_455 = %scan3A to %scan3A_331 step %scan3A_332  : i32 {
            %mul3A_456 = arith.constant 1 : i32
            %mul3A_457 = arith.muli %scan3A_455, %mul3A_456 : i32
            %add3A_458 = arith.constant 0 : i32
            %add3A_459 = arith.addi %add3A_458, %mul3A_457 : i32
            %mul3A_460 = arith.constant 16 : i32
            %mul3A_461 = arith.muli %add3A_459, %mul3A_460 : i32
            %get3A = arith.constant 0 : i32
            %get3A_462 = arith.constant 0 : i32
            %get3A_463 = arith.constant 0 : i32
            %get3A_464 = tpu.memref_slice %run_scoped3A_22[%rem3A_322, %get3A_462, %get3A_463] : memref<2x1x128xi32, #tpu.memory_space<vmem>> -> memref<1x1x128xi32, #tpu.memory_space<vmem>>
            %get3A_465 = tpu.memref_squeeze %get3A_464 : memref<1x1x128xi32, #tpu.memory_space<vmem>> -> memref<1x128xi32, #tpu.memory_space<vmem>>
            %get3A_466 = arith.index_cast %get3A : i32 to index
            %get3A_467 = arith.index_cast %mul3A_461 : i32 to index
            %get3A_468 = tpu.vector_load %get3A_465[%get3A_466, %get3A_467] {strides = array<i32>} : memref<1x128xi32, #tpu.memory_space<vmem>>, vector<16xi32>,
            %mul3A_469 = arith.constant 16 : i32
            %mul3A_470 = arith.muli %add3A_459, %mul3A_469 : i32
            %get3A_471 = arith.constant 0 : i32
            %get3A_472 = arith.constant 0 : i32
            %get3A_473 = arith.constant 0 : i32
            %get3A_474 = tpu.memref_slice %run_scoped3A_24[%rem3A_324, %get3A_472, %get3A_473] : memref<2x1x128xi32, #tpu.memory_space<vmem>> -> memref<1x1x128xi32, #tpu.memory_space<vmem>>
            %get3A_475 = tpu.memref_squeeze %get3A_474 : memref<1x1x128xi32, #tpu.memory_space<vmem>> -> memref<1x128xi32, #tpu.memory_space<vmem>>
            %get3A_476 = arith.index_cast %get3A_471 : i32 to index
            %get3A_477 = arith.index_cast %mul3A_470 : i32 to index
            %get3A_478 = tpu.vector_load %get3A_475[%get3A_476, %get3A_477] {strides = array<i32>} : memref<1x128xi32, #tpu.memory_space<vmem>>, vector<16xi32>,
            %mul3A_479 = arith.constant 2 : i32
            %mul3A_480 = vector.broadcast %mul3A_479 : i32 to vector<16xi32>
            %mul3A_481 = arith.muli %get3A_468, %mul3A_480 : vector<16xi32>
            %gather3A = tpu.vector_load_idx %arg8[%mul3A_481] : memref<20000xf32, #tpu.memory_space<vmem>>[vector<16xi32>], vector<16xf32>,
            %mul3A_482 = arith.constant 2 : i32
            %mul3A_483 = vector.broadcast %mul3A_482 : i32 to vector<16xi32>
            %mul3A_484 = arith.muli %get3A_468, %mul3A_483 : vector<16xi32>
            %add3A_485 = arith.constant 1 : i32
            %add3A_486 = vector.broadcast %add3A_485 : i32 to vector<16xi32>
            %add3A_487 = arith.addi %mul3A_484, %add3A_486 : vector<16xi32>
            %gather3A_488 = tpu.vector_load_idx %arg8[%add3A_487] : memref<20000xf32, #tpu.memory_space<vmem>>[vector<16xi32>], vector<16xf32>,
            %mul3A_489 = arith.constant 2 : i32
            %mul3A_490 = vector.broadcast %mul3A_489 : i32 to vector<16xi32>
            %mul3A_491 = arith.muli %get3A_478, %mul3A_490 : vector<16xi32>
            %gather3A_492 = tpu.vector_load_idx %arg8[%mul3A_491] : memref<20000xf32, #tpu.memory_space<vmem>>[vector<16xi32>], vector<16xf32>,
            %mul3A_493 = arith.constant 2 : i32
            %mul3A_494 = vector.broadcast %mul3A_493 : i32 to vector<16xi32>
            %mul3A_495 = arith.muli %get3A_478, %mul3A_494 : vector<16xi32>
            %add3A_496 = arith.constant 1 : i32
            %add3A_497 = vector.broadcast %add3A_496 : i32 to vector<16xi32>
            %add3A_498 = arith.addi %mul3A_495, %add3A_497 : vector<16xi32>
            %gather3A_499 = tpu.vector_load_idx %arg8[%add3A_498] : memref<20000xf32, #tpu.memory_space<vmem>>[vector<16xi32>], vector<16xf32>,
            %sub3A_500 = arith.subf %gather3A, %gather3A_492 : vector<16xf32>
            %sub3A_501 = arith.subf %gather3A_488, %gather3A_499 : vector<16xf32>
            %mul3A_502 = arith.mulf %sub3A_500, %sub3A_500 : vector<16xf32>
            %mul3A_503 = arith.mulf %sub3A_501, %sub3A_501 : vector<16xf32>
            %add3A_504 = arith.addf %mul3A_502, %mul3A_503 : vector<16xf32>
            %mul3A_505 = arith.constant 16 : i32
            %mul3A_506 = arith.muli %add3A_459, %mul3A_505 : i32
            %iota3A = tpu.iota {dimensions = array<i32: 0>} : vector<16xi32>
            %add3A_507 = vector.broadcast %mul3A_506 : i32 to vector<16xi32>
            %add3A_508 = arith.addi %add3A_507, %iota3A : vector<16xi32>
            %scatter3A = arith.constant 0 : i32
            %scatter3A_509 = arith.constant 0 : i32
            %scatter3A_510 = tpu.memref_slice %run_scoped3A_28[%rem3A_328, %scatter3A, %scatter3A_509] : memref<2x128x16xf32, #tpu.memory_space<vmem>> -> memref<1x128x16xf32, #tpu.memory_space<vmem>>
            %scatter3A_511 = tpu.memref_squeeze %scatter3A_510 : memref<1x128x16xf32, #tpu.memory_space<vmem>> -> memref<128x16xf32, #tpu.memory_space<vmem>>
            tpu.vector_store_idx %scatter3A_511[%add3A_508, %broadcast_in_dim3A_0], %sub3A_500 : memref<128x16xf32, #tpu.memory_space<vmem>>[vector<16xi32>, vector<16xi32>], vector<16xf32>,
            %scatter3A_512 = arith.constant 0 : i32
            %scatter3A_513 = arith.constant 0 : i32
            %scatter3A_514 = tpu.memref_slice %run_scoped3A_28[%rem3A_328, %scatter3A_512, %scatter3A_513] : memref<2x128x16xf32, #tpu.memory_space<vmem>> -> memref<1x128x16xf32, #tpu.memory_space<vmem>>
            %scatter3A_515 = tpu.memref_squeeze %scatter3A_514 : memref<1x128x16xf32, #tpu.memory_space<vmem>> -> memref<128x16xf32, #tpu.memory_space<vmem>>
            tpu.vector_store_idx %scatter3A_515[%add3A_508, %broadcast_in_dim3A_2], %sub3A_501 : memref<128x16xf32, #tpu.memory_space<vmem>>[vector<16xi32>, vector<16xi32>], vector<16xf32>,
            %scatter3A_516 = arith.constant 0 : i32
            %scatter3A_517 = arith.constant 0 : i32
            %scatter3A_518 = tpu.memref_slice %run_scoped3A_28[%rem3A_328, %scatter3A_516, %scatter3A_517] : memref<2x128x16xf32, #tpu.memory_space<vmem>> -> memref<1x128x16xf32, #tpu.memory_space<vmem>>
            %scatter3A_519 = tpu.memref_squeeze %scatter3A_518 : memref<1x128x16xf32, #tpu.memory_space<vmem>> -> memref<128x16xf32, #tpu.memory_space<vmem>>
            tpu.vector_store_idx %scatter3A_519[%add3A_508, %broadcast_in_dim3A_4], %add3A_504 : memref<128x16xf32, #tpu.memory_space<vmem>>[vector<16xi32>, vector<16xi32>], vector<16xf32>,
          }
          %scan3A_333 = arith.constant 8 : i32
          "tpu.trace_stop"() : () -> ()
          %ne3A_334 = arith.cmpi ne, %add3A_203, %add3A_221 : i32
          %or3A_335 = arith.constant false
          %or3A_336 = arith.ori %or3A_335, %ne3A_334 : i1
          %or3A_337 = arith.ori %or3A_336, %eq3A_202 : i1
          %convert_element_type3A_338 = arith.extui %or3A_337 : i1 to i32
          %cond3A_339 = arith.constant 0 : i32
          %cond3A_340 = arith.cmpi ne, %convert_element_type3A_338, %cond3A_339 : i32
          scf.if %cond3A_340 {
          } else {
          }
          %and3A_341 = arith.constant false
          %and3A_342 = arith.andi %or3A_337, %and3A_341 : i1
          %ne3A_343 = arith.cmpi ne, %add3A_203, %add3A_221 : i32
          %or3A_344 = arith.constant false
          %or3A_345 = arith.ori %or3A_344, %ne3A_343 : i1
          %or3A_346 = arith.ori %or3A_345, %eq3A_202 : i1
          %convert_element_type3A_347 = arith.extui %or3A_346 : i1 to i32
          %cond3A_348 = arith.constant 0 : i32
          %cond3A_349 = arith.cmpi ne, %convert_element_type3A_347, %cond3A_348 : i32
          scf.if %cond3A_349 {
          } else {
          }
          %and3A_350 = arith.constant false
          %and3A_351 = arith.andi %or3A_346, %and3A_350 : i1
          %ne3A_352 = arith.cmpi ne, %add3A_203, %add3A_221 : i32
          %or3A_353 = arith.constant false
          %or3A_354 = arith.ori %or3A_353, %ne3A_352 : i1
          %or3A_355 = arith.constant false
          %or3A_356 = arith.ori %or3A_354, %or3A_355 : i1
          %or3A_357 = arith.ori %or3A_356, %eq3A_202 : i1
          %convert_element_type3A_358 = arith.extui %or3A_357 : i1 to i32
          %cond3A_359 = arith.constant 0 : i32
          %cond3A_360 = arith.cmpi ne, %convert_element_type3A_358, %cond3A_359 : i32
          scf.if %cond3A_360 {
            "tpu.trace_start"() <{level = 10 : i32, message = "ep_copy_out"}> : () -> ()
            %rem3A_455 = arith.constant 2 : i32
            %rem3A_456 = arith.remui %while3A_191, %rem3A_455 : i32
            %mul3A_457 = arith.constant 128 : i32
            %mul3A_458 = arith.muli %mul3A_457, %add3A_203 : i32
            %dma_start3A_459 = arith.constant 0 : i32
            %dma_start3A_460 = arith.constant 0 : i32
            %dma_start3A_461 = tpu.memref_slice %run_scoped3A_26[%rem3A_456, %dma_start3A_459, %dma_start3A_460] : memref<2x128x256xf32, #tpu.memory_space<vmem>> -> memref<1x128x256xf32, #tpu.memory_space<vmem>>
            %dma_start3A_462 = tpu.memref_squeeze %dma_start3A_461 : memref<1x128x256xf32, #tpu.memory_space<vmem>> -> memref<128x256xf32, #tpu.memory_space<vmem>>
            %dma_start3A_463 = arith.constant 0 : i32
            %dma_start3A_464 = tpu.memref_slice %arg6[%mul3A_458, %dma_start3A_463] : memref<160000x256xf32, #tpu.memory_space<hbm>> -> memref<128x256xf32, #tpu.memory_space<hbm>>
            %dma_start3A_465 = tpu.memref_slice %run_scoped3A_27[%rem3A_456] : memref<2x!tpu.dma_semaphore, #tpu.memory_space<semaphore_mem>> -> memref<1x!tpu.dma_semaphore, #tpu.memory_space<semaphore_mem>>
            %dma_start3A_466 = tpu.memref_squeeze %dma_start3A_465 : memref<1x!tpu.dma_semaphore, #tpu.memory_space<semaphore_mem>> -> memref<!tpu.dma_semaphore, #tpu.memory_space<semaphore_mem>>
            %dma_start3A_467 = arith.constant 0 : i32
            %dma_start3A_468 = tpu.memref_slice %arg6[%mul3A_458, %dma_start3A_467] : memref<160000x256xf32, #tpu.memory_space<hbm>> -> memref<128x256xf32, #tpu.memory_space<hbm>>
            %dma_start3A_469 = arith.constant 0 : i32
            %dma_start3A_470 = arith.constant 0 : i32
            %dma_start3A_471 = tpu.memref_slice %run_scoped3A_26[%rem3A_456, %dma_start3A_469, %dma_start3A_470] : memref<2x128x256xf32, #tpu.memory_space<vmem>> -> memref<1x128x256xf32, #tpu.memory_space<vmem>>
            %dma_start3A_472 = tpu.memref_squeeze %dma_start3A_471 : memref<1x128x256xf32, #tpu.memory_space<vmem>> -> memref<128x256xf32, #tpu.memory_space<vmem>>
            tpu.enqueue_dma source(%dma_start3A_472 : memref<128x256xf32, #tpu.memory_space<vmem>>) target(%dma_start3A_468 : memref<128x256xf32, #tpu.memory_space<hbm>>) target_semaphore(%dma_start3A_466 : memref<!tpu.dma_semaphore, #tpu.memory_space<semaphore_mem>>)
            "tpu.trace_stop"() : () -> ()
          } else {
          }
          %and3A_361 = arith.constant true
          %and3A_362 = arith.andi %or3A_357, %and3A_361 : i1
          %add3A_363 = arith.constant 1 : i32
          %add3A_364 = arith.addi %while3A_191, %add3A_363 : i32
          %select_n3A_365 = arith.select %and3A_362, %add3A_364, %while3A_191 : i32
          %ne3A_366 = arith.cmpi ne, %add3A_203, %add3A_221 : i32
          %or3A_367 = arith.constant false
          %or3A_368 = arith.ori %or3A_367, %ne3A_366 : i1
          %or3A_369 = arith.constant false
          %or3A_370 = arith.ori %or3A_368, %or3A_369 : i1
          %or3A_371 = arith.ori %or3A_370, %eq3A_202 : i1
          %convert_element_type3A_372 = arith.extui %or3A_371 : i1 to i32
          %cond3A_373 = arith.constant 0 : i32
          %cond3A_374 = arith.cmpi ne, %convert_element_type3A_372, %cond3A_373 : i32
          scf.if %cond3A_374 {
            "tpu.trace_start"() <{level = 10 : i32, message = "ep_copy_out"}> : () -> ()
            %rem3A_455 = arith.constant 2 : i32
            %rem3A_456 = arith.remui %while3A_193, %rem3A_455 : i32
            %mul3A_457 = arith.constant 128 : i32
            %mul3A_458 = arith.muli %mul3A_457, %add3A_203 : i32
            %dma_start3A_459 = arith.constant 0 : i32
            %dma_start3A_460 = arith.constant 0 : i32
            %dma_start3A_461 = tpu.memref_slice %run_scoped3A_28[%rem3A_456, %dma_start3A_459, %dma_start3A_460] : memref<2x128x16xf32, #tpu.memory_space<vmem>> -> memref<1x128x16xf32, #tpu.memory_space<vmem>>
            %dma_start3A_462 = tpu.memref_squeeze %dma_start3A_461 : memref<1x128x16xf32, #tpu.memory_space<vmem>> -> memref<128x16xf32, #tpu.memory_space<vmem>>
            %dma_start3A_463 = arith.constant 0 : i32
            %dma_start3A_464 = tpu.memref_slice %arg7[%mul3A_458, %dma_start3A_463] : memref<160000x16xf32, #tpu.memory_space<hbm>> -> memref<128x16xf32, #tpu.memory_space<hbm>>
            %dma_start3A_465 = tpu.memref_slice %run_scoped3A_29[%rem3A_456] : memref<2x!tpu.dma_semaphore, #tpu.memory_space<semaphore_mem>> -> memref<1x!tpu.dma_semaphore, #tpu.memory_space<semaphore_mem>>
            %dma_start3A_466 = tpu.memref_squeeze %dma_start3A_465 : memref<1x!tpu.dma_semaphore, #tpu.memory_space<semaphore_mem>> -> memref<!tpu.dma_semaphore, #tpu.memory_space<semaphore_mem>>
            %dma_start3A_467 = arith.constant 0 : i32
            %dma_start3A_468 = tpu.memref_slice %arg7[%mul3A_458, %dma_start3A_467] : memref<160000x16xf32, #tpu.memory_space<hbm>> -> memref<128x16xf32, #tpu.memory_space<hbm>>
            %dma_start3A_469 = arith.constant 0 : i32
            %dma_start3A_470 = arith.constant 0 : i32
            %dma_start3A_471 = tpu.memref_slice %run_scoped3A_28[%rem3A_456, %dma_start3A_469, %dma_start3A_470] : memref<2x128x16xf32, #tpu.memory_space<vmem>> -> memref<1x128x16xf32, #tpu.memory_space<vmem>>
            %dma_start3A_472 = tpu.memref_squeeze %dma_start3A_471 : memref<1x128x16xf32, #tpu.memory_space<vmem>> -> memref<128x16xf32, #tpu.memory_space<vmem>>
            tpu.enqueue_dma source(%dma_start3A_472 : memref<128x16xf32, #tpu.memory_space<vmem>>) target(%dma_start3A_468 : memref<128x16xf32, #tpu.memory_space<hbm>>) target_semaphore(%dma_start3A_466 : memref<!tpu.dma_semaphore, #tpu.memory_space<semaphore_mem>>)
            "tpu.trace_stop"() : () -> ()
          } else {
          }
          %and3A_375 = arith.constant true
          %and3A_376 = arith.andi %or3A_371, %and3A_375 : i1
          %add3A_377 = arith.constant 1 : i32
          %add3A_378 = arith.addi %while3A_193, %add3A_377 : i32
          %select_n3A_379 = arith.select %and3A_376, %add3A_378, %while3A_193 : i32
          %ne3A_380 = arith.cmpi ne, %add3A_203, %add3A_213 : i32
          %or3A_381 = arith.constant false
          %or3A_382 = arith.ori %or3A_381, %ne3A_380 : i1
          %not3A_383 = arith.constant true
          %not3A_384 = arith.xori %eq3A_199, %not3A_383 : i1
          %and3A_385 = arith.andi %or3A_382, %not3A_384 : i1
          %convert_element_type3A_386 = arith.extui %and3A_385 : i1 to i32
          %cond3A_387 = arith.constant 0 : i32
          %cond3A_388 = arith.cmpi ne, %convert_element_type3A_386, %cond3A_387 : i32
          scf.if %cond3A_388 {
          } else {
          }
          %and3A_389 = arith.constant false
          %and3A_390 = arith.andi %and3A_385, %and3A_389 : i1
          %ne3A_391 = arith.cmpi ne, %add3A_203, %add3A_213 : i32
          %or3A_392 = arith.constant false
          %or3A_393 = arith.ori %or3A_392, %ne3A_391 : i1
          %not3A_394 = arith.constant true
          %not3A_395 = arith.xori %eq3A_199, %not3A_394 : i1
          %and3A_396 = arith.andi %or3A_393, %not3A_395 : i1
          %convert_element_type3A_397 = arith.extui %and3A_396 : i1 to i32
          %cond3A_398 = arith.constant 0 : i32
          %cond3A_399 = arith.cmpi ne, %convert_element_type3A_397, %cond3A_398 : i32
          scf.if %cond3A_399 {
          } else {
          }
          %and3A_400 = arith.constant false
          %and3A_401 = arith.andi %and3A_396, %and3A_400 : i1
          %ne3A_402 = arith.cmpi ne, %add3A_203, %add3A_213 : i32
          %or3A_403 = arith.constant false
          %or3A_404 = arith.ori %or3A_403, %ne3A_402 : i1
          %or3A_405 = arith.constant false
          %or3A_406 = arith.ori %or3A_404, %or3A_405 : i1
          %not3A_407 = arith.constant true
          %not3A_408 = arith.xori %eq3A_199, %not3A_407 : i1
          %and3A_409 = arith.andi %or3A_406, %not3A_408 : i1
          %convert_element_type3A_410 = arith.extui %and3A_409 : i1 to i32
          %cond3A_411 = arith.constant 0 : i32
          %cond3A_412 = arith.cmpi ne, %convert_element_type3A_410, %cond3A_411 : i32
          scf.if %cond3A_412 {
            "tpu.trace_start"() <{level = 10 : i32, message = "ep_wait_out"}> : () -> ()
            %rem3A_455 = arith.constant 2 : i32
            %rem3A_456 = arith.remui %while3A_192, %rem3A_455 : i32
            %mul3A_457 = arith.constant 128 : i32
            %mul3A_458 = arith.muli %mul3A_457, %add3A_213 : i32
            %dma_wait3A = arith.constant 0 : i32
            %dma_wait3A_459 = arith.constant 0 : i32
            %dma_wait3A_460 = tpu.memref_slice %run_scoped3A_26[%rem3A_456, %dma_wait3A, %dma_wait3A_459] : memref<2x128x256xf32, #tpu.memory_space<vmem>> -> memref<1x128x256xf32, #tpu.memory_space<vmem>>
            %dma_wait3A_461 = tpu.memref_squeeze %dma_wait3A_460 : memref<1x128x256xf32, #tpu.memory_space<vmem>> -> memref<128x256xf32, #tpu.memory_space<vmem>>
            %dma_wait3A_462 = arith.constant 0 : i32
            %dma_wait3A_463 = tpu.memref_slice %arg6[%mul3A_458, %dma_wait3A_462] : memref<160000x256xf32, #tpu.memory_space<hbm>> -> memref<128x256xf32, #tpu.memory_space<hbm>>
            %dma_wait3A_464 = tpu.memref_slice %run_scoped3A_27[%rem3A_456] : memref<2x!tpu.dma_semaphore, #tpu.memory_space<semaphore_mem>> -> memref<1x!tpu.dma_semaphore, #tpu.memory_space<semaphore_mem>>
            %dma_wait3A_465 = tpu.memref_squeeze %dma_wait3A_464 : memref<1x!tpu.dma_semaphore, #tpu.memory_space<semaphore_mem>> -> memref<!tpu.dma_semaphore, #tpu.memory_space<semaphore_mem>>
            %dma_wait3A_466 = arith.constant 0 : i32
            %dma_wait3A_467 = tpu.memref_slice %arg6[%mul3A_458, %dma_wait3A_466] : memref<160000x256xf32, #tpu.memory_space<hbm>> -> memref<128x256xf32, #tpu.memory_space<hbm>>
            %dma_wait3A_468 = arith.constant 0 : i32
            %dma_wait3A_469 = arith.constant 0 : i32
            %dma_wait3A_470 = tpu.memref_slice %run_scoped3A_26[%rem3A_456, %dma_wait3A_468, %dma_wait3A_469] : memref<2x128x256xf32, #tpu.memory_space<vmem>> -> memref<1x128x256xf32, #tpu.memory_space<vmem>>
            %dma_wait3A_471 = tpu.memref_squeeze %dma_wait3A_470 : memref<1x128x256xf32, #tpu.memory_space<vmem>> -> memref<128x256xf32, #tpu.memory_space<vmem>>
            tpu.wait_dma2 semaphore(%dma_wait3A_465 : memref<!tpu.dma_semaphore, #tpu.memory_space<semaphore_mem>>) src(%dma_wait3A_471 : memref<128x256xf32, #tpu.memory_space<vmem>>) dst(%dma_wait3A_467 : memref<128x256xf32, #tpu.memory_space<hbm>>)
            "tpu.trace_stop"() : () -> ()
          } else {
          }
          %and3A_413 = arith.constant true
          %and3A_414 = arith.andi %and3A_409, %and3A_413 : i1
          %add3A_415 = arith.constant 1 : i32
          %add3A_416 = arith.addi %while3A_192, %add3A_415 : i32
          %select_n3A_417 = arith.select %and3A_414, %add3A_416, %while3A_192 : i32
          %ne3A_418 = arith.cmpi ne, %add3A_203, %add3A_213 : i32
          %or3A_419 = arith.constant false
          %or3A_420 = arith.ori %or3A_419, %ne3A_418 : i1
          %or3A_421 = arith.constant false
          %or3A_422 = arith.ori %or3A_420, %or3A_421 : i1
          %not3A_423 = arith.constant true
          %not3A_424 = arith.xori %eq3A_199, %not3A_423 : i1
          %and3A_425 = arith.andi %or3A_422, %not3A_424 : i1
          %convert_element_type3A_426 = arith.extui %and3A_425 : i1 to i32
          %cond3A_427 = arith.constant 0 : i32
          %cond3A_428 = arith.cmpi ne, %convert_element_type3A_426, %cond3A_427 : i32
          scf.if %cond3A_428 {
            "tpu.trace_start"() <{level = 10 : i32, message = "ep_wait_out"}> : () -> ()
            %rem3A_455 = arith.constant 2 : i32
            %rem3A_456 = arith.remui %while3A_194, %rem3A_455 : i32
            %mul3A_457 = arith.constant 128 : i32
            %mul3A_458 = arith.muli %mul3A_457, %add3A_213 : i32
            %dma_wait3A = arith.constant 0 : i32
            %dma_wait3A_459 = arith.constant 0 : i32
            %dma_wait3A_460 = tpu.memref_slice %run_scoped3A_28[%rem3A_456, %dma_wait3A, %dma_wait3A_459] : memref<2x128x16xf32, #tpu.memory_space<vmem>> -> memref<1x128x16xf32, #tpu.memory_space<vmem>>
            %dma_wait3A_461 = tpu.memref_squeeze %dma_wait3A_460 : memref<1x128x16xf32, #tpu.memory_space<vmem>> -> memref<128x16xf32, #tpu.memory_space<vmem>>
            %dma_wait3A_462 = arith.constant 0 : i32
            %dma_wait3A_463 = tpu.memref_slice %arg7[%mul3A_458, %dma_wait3A_462] : memref<160000x16xf32, #tpu.memory_space<hbm>> -> memref<128x16xf32, #tpu.memory_space<hbm>>
            %dma_wait3A_464 = tpu.memref_slice %run_scoped3A_29[%rem3A_456] : memref<2x!tpu.dma_semaphore, #tpu.memory_space<semaphore_mem>> -> memref<1x!tpu.dma_semaphore, #tpu.memory_space<semaphore_mem>>
            %dma_wait3A_465 = tpu.memref_squeeze %dma_wait3A_464 : memref<1x!tpu.dma_semaphore, #tpu.memory_space<semaphore_mem>> -> memref<!tpu.dma_semaphore, #tpu.memory_space<semaphore_mem>>
            %dma_wait3A_466 = arith.constant 0 : i32
            %dma_wait3A_467 = tpu.memref_slice %arg7[%mul3A_458, %dma_wait3A_466] : memref<160000x16xf32, #tpu.memory_space<hbm>> -> memref<128x16xf32, #tpu.memory_space<hbm>>
            %dma_wait3A_468 = arith.constant 0 : i32
            %dma_wait3A_469 = arith.constant 0 : i32
            %dma_wait3A_470 = tpu.memref_slice %run_scoped3A_28[%rem3A_456, %dma_wait3A_468, %dma_wait3A_469] : memref<2x128x16xf32, #tpu.memory_space<vmem>> -> memref<1x128x16xf32, #tpu.memory_space<vmem>>
            %dma_wait3A_471 = tpu.memref_squeeze %dma_wait3A_470 : memref<1x128x16xf32, #tpu.memory_space<vmem>> -> memref<128x16xf32, #tpu.memory_space<vmem>>
            tpu.wait_dma2 semaphore(%dma_wait3A_465 : memref<!tpu.dma_semaphore, #tpu.memory_space<semaphore_mem>>) src(%dma_wait3A_471 : memref<128x16xf32, #tpu.memory_space<vmem>>) dst(%dma_wait3A_467 : memref<128x16xf32, #tpu.memory_space<hbm>>)
            "tpu.trace_stop"() : () -> ()
          } else {
          }
          %and3A_429 = arith.constant true
          %and3A_430 = arith.andi %and3A_425, %and3A_429 : i1
          %add3A_431 = arith.constant 1 : i32
          %add3A_432 = arith.addi %while3A_194, %add3A_431 : i32
          %select_n3A_433 = arith.select %and3A_430, %add3A_432, %while3A_194 : i32
          %ne3A_434 = arith.cmpi ne, %add3A_203, %add3A_221 : i32
          %or3A_435 = arith.constant false
          %or3A_436 = arith.ori %or3A_435, %ne3A_434 : i1
          %or3A_437 = arith.ori %or3A_436, %eq3A_202 : i1
          %add3A_438 = arith.constant 1 : i32
          %add3A_439 = arith.addi %while3A_188, %add3A_438 : i32
          %select_n3A_440 = arith.select %or3A_437, %add3A_439, %while3A_188 : i32
          %ne3A_441 = arith.cmpi ne, %add3A_203, %add3A_221 : i32
          %or3A_442 = arith.constant false
          %or3A_443 = arith.ori %or3A_442, %ne3A_441 : i1
          %or3A_444 = arith.ori %or3A_443, %eq3A_202 : i1
          %add3A_445 = arith.constant 1 : i32
          %add3A_446 = arith.addi %while3A_190, %add3A_445 : i32
          %select_n3A_447 = arith.select %or3A_444, %add3A_446, %while3A_190 : i32
          %add3A_448 = arith.constant 1 : i32
          %add3A_449 = arith.addi %while3A_195, %add3A_448 : i32
          %select_n3A_450 = arith.constant true
          %select_n3A_451 = arith.select %select_n3A_450, %add3A_449, %while3A_195 : i32
          %eq3A_452 = arith.cmpi eq, %select_n3A_451, %select_n3A : i32
          %select_n3A_453 = arith.constant 0 : i32
          %select_n3A_454 = arith.select %eq3A_452, %select_n3A_453, %select_n3A_451 : i32
          scf.yield %select_n3A_243, %select_n3A_440, %select_n3A_262, %select_n3A_447, %select_n3A_365, %select_n3A_417, %select_n3A_379, %select_n3A_433, %select_n3A_454 : i32, i32, i32, i32, i32, i32, i32, i32, i32
        }
        %sub3A_129 = arith.constant 1 : i32
        %sub3A_130 = arith.subi %while3A_128#8, %sub3A_129 : i32
        %select_n3A_131 = arith.constant true
        %select_n3A_132 = arith.select %select_n3A_131, %sub3A_130, %while3A_128#8 : i32
        %eq3A_133 = arith.constant -1 : i32
        %eq3A_134 = arith.cmpi eq, %select_n3A_132, %eq3A_133 : i32
        %sub3A_135 = arith.constant 1 : i32
        %sub3A_136 = arith.subi %select_n3A, %sub3A_135 : i32
        %select_n3A_137 = arith.select %eq3A_134, %sub3A_136, %select_n3A_132 : i32
        %sub3A_138 = arith.constant 1 : i32
        %sub3A_139 = arith.subi %mul3A_21, %sub3A_138 : i32
        %mul3A_140 = arith.constant 1 : i32
        %mul3A_141 = arith.muli %mul3A_140, %select_n3A : i32
        %eq3A_142 = arith.constant 0 : i32
        %eq3A_143 = arith.cmpi eq, %sub3A_139, %eq3A_142 : i32
        %sub3A_144 = arith.constant 1 : i32
        %sub3A_145 = arith.subi %mul3A_141, %sub3A_144 : i32
        %eq3A_146 = arith.cmpi eq, %sub3A_139, %sub3A_145 : i32
        %add3A_147 = arith.addi %select_n3A_137, %select_n3A_19 : i32
        %sub3A_148 = arith.constant 1 : i32
        %sub3A_149 = arith.subi %select_n3A_137, %sub3A_148 : i32
        %select_n3A_150 = arith.constant true
        %select_n3A_151 = arith.select %select_n3A_150, %sub3A_149, %select_n3A_137 : i32
        %eq3A_152 = arith.constant -1 : i32
        %eq3A_153 = arith.cmpi eq, %select_n3A_151, %eq3A_152 : i32
        %sub3A_154 = arith.constant 1 : i32
        %sub3A_155 = arith.subi %select_n3A, %sub3A_154 : i32
        %select_n3A_156 = arith.select %eq3A_153, %sub3A_155, %select_n3A_151 : i32
        %add3A_157 = arith.addi %select_n3A_156, %select_n3A_19 : i32
        %add3A_158 = arith.constant 1 : i32
        %add3A_159 = arith.addi %select_n3A_137, %add3A_158 : i32
        %select_n3A_160 = arith.constant true
        %select_n3A_161 = arith.select %select_n3A_160, %add3A_159, %select_n3A_137 : i32
        %eq3A_162 = arith.cmpi eq, %select_n3A_161, %select_n3A : i32
        %select_n3A_163 = arith.constant 0 : i32
        %select_n3A_164 = arith.select %eq3A_162, %select_n3A_163, %select_n3A_161 : i32
        %add3A_165 = arith.addi %select_n3A_164, %select_n3A_19 : i32
        %add3A_166 = arith.constant 1 : i32
        %add3A_167 = arith.addi %select_n3A_164, %add3A_166 : i32
        %select_n3A_168 = arith.constant true
        %select_n3A_169 = arith.select %select_n3A_168, %add3A_167, %select_n3A_164 : i32
        %eq3A_170 = arith.cmpi eq, %select_n3A_169, %select_n3A : i32
        %select_n3A_171 = arith.constant 0 : i32
        %select_n3A_172 = arith.select %eq3A_170, %select_n3A_171, %select_n3A_169 : i32
        %add3A_173 = arith.addi %select_n3A_172, %select_n3A_19 : i32
        %convert_element_type3A_174 = arith.extui %eq3A_146 : i1 to i32
        %cond3A_175 = arith.constant 0 : i32
        %cond3A_176 = arith.cmpi ne, %convert_element_type3A_174, %cond3A_175 : i32
        scf.if %cond3A_176 {
        } else {
        }
        %convert_element_type3A_177 = arith.extui %eq3A_146 : i1 to i32
        %cond3A_178 = arith.constant 0 : i32
        %cond3A_179 = arith.cmpi ne, %convert_element_type3A_177, %cond3A_178 : i32
        scf.if %cond3A_179 {
        } else {
        }
        %convert_element_type3A_180 = arith.extui %eq3A_146 : i1 to i32
        %cond3A_181 = arith.constant 0 : i32
        %cond3A_182 = arith.cmpi ne, %convert_element_type3A_180, %cond3A_181 : i32
        scf.if %cond3A_182 {
          "tpu.trace_start"() <{level = 10 : i32, message = "ep_finalize"}> : () -> ()
          %rem3A_186 = arith.constant 2 : i32
          %rem3A_187 = arith.remui %while3A_128#5, %rem3A_186 : i32
          %mul3A_188 = arith.constant 128 : i32
          %mul3A_189 = arith.muli %mul3A_188, %add3A_147 : i32
          %dma_wait3A = arith.constant 0 : i32
          %dma_wait3A_190 = arith.constant 0 : i32
          %dma_wait3A_191 = tpu.memref_slice %run_scoped3A_26[%rem3A_187, %dma_wait3A, %dma_wait3A_190] : memref<2x128x256xf32, #tpu.memory_space<vmem>> -> memref<1x128x256xf32, #tpu.memory_space<vmem>>
          %dma_wait3A_192 = tpu.memref_squeeze %dma_wait3A_191 : memref<1x128x256xf32, #tpu.memory_space<vmem>> -> memref<128x256xf32, #tpu.memory_space<vmem>>
          %dma_wait3A_193 = arith.constant 0 : i32
          %dma_wait3A_194 = tpu.memref_slice %arg6[%mul3A_189, %dma_wait3A_193] : memref<160000x256xf32, #tpu.memory_space<hbm>> -> memref<128x256xf32, #tpu.memory_space<hbm>>
          %dma_wait3A_195 = tpu.memref_slice %run_scoped3A_27[%rem3A_187] : memref<2x!tpu.dma_semaphore, #tpu.memory_space<semaphore_mem>> -> memref<1x!tpu.dma_semaphore, #tpu.memory_space<semaphore_mem>>
          %dma_wait3A_196 = tpu.memref_squeeze %dma_wait3A_195 : memref<1x!tpu.dma_semaphore, #tpu.memory_space<semaphore_mem>> -> memref<!tpu.dma_semaphore, #tpu.memory_space<semaphore_mem>>
          %dma_wait3A_197 = arith.constant 0 : i32
          %dma_wait3A_198 = tpu.memref_slice %arg6[%mul3A_189, %dma_wait3A_197] : memref<160000x256xf32, #tpu.memory_space<hbm>> -> memref<128x256xf32, #tpu.memory_space<hbm>>
          %dma_wait3A_199 = arith.constant 0 : i32
          %dma_wait3A_200 = arith.constant 0 : i32
          %dma_wait3A_201 = tpu.memref_slice %run_scoped3A_26[%rem3A_187, %dma_wait3A_199, %dma_wait3A_200] : memref<2x128x256xf32, #tpu.memory_space<vmem>> -> memref<1x128x256xf32, #tpu.memory_space<vmem>>
          %dma_wait3A_202 = tpu.memref_squeeze %dma_wait3A_201 : memref<1x128x256xf32, #tpu.memory_space<vmem>> -> memref<128x256xf32, #tpu.memory_space<vmem>>
          tpu.wait_dma2 semaphore(%dma_wait3A_196 : memref<!tpu.dma_semaphore, #tpu.memory_space<semaphore_mem>>) src(%dma_wait3A_202 : memref<128x256xf32, #tpu.memory_space<vmem>>) dst(%dma_wait3A_198 : memref<128x256xf32, #tpu.memory_space<hbm>>)
          "tpu.trace_stop"() : () -> ()
        } else {
        }
        %convert_element_type3A_183 = arith.extui %eq3A_146 : i1 to i32
        %cond3A_184 = arith.constant 0 : i32
        %cond3A_185 = arith.cmpi ne, %convert_element_type3A_183, %cond3A_184 : i32
        scf.if %cond3A_185 {
          "tpu.trace_start"() <{level = 10 : i32, message = "ep_finalize"}> : () -> ()
          %rem3A_186 = arith.constant 2 : i32
          %rem3A_187 = arith.remui %while3A_128#7, %rem3A_186 : i32
          %mul3A_188 = arith.constant 128 : i32
          %mul3A_189 = arith.muli %mul3A_188, %add3A_147 : i32
          %dma_wait3A = arith.constant 0 : i32
          %dma_wait3A_190 = arith.constant 0 : i32
          %dma_wait3A_191 = tpu.memref_slice %run_scoped3A_28[%rem3A_187, %dma_wait3A, %dma_wait3A_190] : memref<2x128x16xf32, #tpu.memory_space<vmem>> -> memref<1x128x16xf32, #tpu.memory_space<vmem>>
          %dma_wait3A_192 = tpu.memref_squeeze %dma_wait3A_191 : memref<1x128x16xf32, #tpu.memory_space<vmem>> -> memref<128x16xf32, #tpu.memory_space<vmem>>
          %dma_wait3A_193 = arith.constant 0 : i32
          %dma_wait3A_194 = tpu.memref_slice %arg7[%mul3A_189, %dma_wait3A_193] : memref<160000x16xf32, #tpu.memory_space<hbm>> -> memref<128x16xf32, #tpu.memory_space<hbm>>
          %dma_wait3A_195 = tpu.memref_slice %run_scoped3A_29[%rem3A_187] : memref<2x!tpu.dma_semaphore, #tpu.memory_space<semaphore_mem>> -> memref<1x!tpu.dma_semaphore, #tpu.memory_space<semaphore_mem>>
          %dma_wait3A_196 = tpu.memref_squeeze %dma_wait3A_195 : memref<1x!tpu.dma_semaphore, #tpu.memory_space<semaphore_mem>> -> memref<!tpu.dma_semaphore, #tpu.memory_space<semaphore_mem>>
          %dma_wait3A_197 = arith.constant 0 : i32
          %dma_wait3A_198 = tpu.memref_slice %arg7[%mul3A_189, %dma_wait3A_197] : memref<160000x16xf32, #tpu.memory_space<hbm>> -> memref<128x16xf32, #tpu.memory_space<hbm>>
          %dma_wait3A_199 = arith.constant 0 : i32
          %dma_wait3A_200 = arith.constant 0 : i32
          %dma_wait3A_201 = tpu.memref_slice %run_scoped3A_28[%rem3A_187, %dma_wait3A_199, %dma_wait3A_200] : memref<2x128x16xf32, #tpu.memory_space<vmem>> -> memref<1x128x16xf32, #tpu.memory_space<vmem>>
          %dma_wait3A_202 = tpu.memref_squeeze %dma_wait3A_201 : memref<1x128x16xf32, #tpu.memory_space<vmem>> -> memref<128x16xf32, #tpu.memory_space<vmem>>
          tpu.wait_dma2 semaphore(%dma_wait3A_196 : memref<!tpu.dma_semaphore, #tpu.memory_space<semaphore_mem>>) src(%dma_wait3A_202 : memref<128x16xf32, #tpu.memory_space<vmem>>) dst(%dma_wait3A_198 : memref<128x16xf32, #tpu.memory_space<hbm>>)
          "tpu.trace_stop"() : () -> ()
        } else {
        }
      } else {
      }
      tpu.yield
    }) : () -> ()
    return
  }
}

#map = affine_map<(d0, d1) -> (0, 0)>
module attributes {stable_mosaic.version = 14 : i64} {
  func.func @k2b(%arg0: i32, %arg1: i32, %arg2: memref<10000x256xf32, #tpu.memory_space<hbm>>, %arg3: memref<1x160000xi32, #tpu.memory_space<hbm>>, %arg4: memref<160000x256xf32, #tpu.memory_space<hbm>>) attributes {dimension_semantics = [#tpu.dimension_semantics<core_parallel>, #tpu.dimension_semantics<subcore_parallel>], iteration_bounds = array<i64: 2, 16>, scalar_prefetch = 0 : i64, scratch_operands = 0 : i64, tpu.core_type = #tpu.core_type<sc_vector_subcore>, window_params = [{transform_indices = #map}, {transform_indices = #map}, {transform_indices = #map}]} {
    %mul3A = arith.constant 1 : i32
    %mul3A_0 = arith.muli %arg1, %mul3A : i32
    %add3A = arith.constant 0 : i32
    %add3A_1 = arith.addi %add3A, %mul3A_0 : i32
    %mul3A_2 = arith.constant 16 : i32
    %mul3A_3 = arith.muli %arg0, %mul3A_2 : i32
    %add3A_4 = arith.addi %add3A_1, %mul3A_3 : i32
    %lt3A = arith.constant 2 : i32
    %lt3A_5 = arith.cmpi slt, %add3A_4, %lt3A : i32
    %jit3A = arith.constant 40 : i32
    %jit3A_6 = arith.constant 39 : i32
    %select_n3A = arith.select %lt3A_5, %jit3A, %jit3A_6 : i32
    %lt3A_7 = arith.constant 2 : i32
    %lt3A_8 = arith.cmpi slt, %add3A_4, %lt3A_7 : i32
    %mul3A_9 = arith.muli %add3A_4, %select_n3A : i32
    %mul3A_10 = arith.constant 39 : i32
    %mul3A_11 = arith.muli %add3A_4, %mul3A_10 : i32
    %add3A_12 = arith.constant 2 : i32
    %add3A_13 = arith.addi %mul3A_11, %add3A_12 : i32
    %select_n3A_14 = arith.select %lt3A_8, %mul3A_9, %add3A_13 : i32
    %mul3A_15 = arith.constant 1 : i32
    %mul3A_16 = arith.muli %mul3A_15, %select_n3A : i32
    "tpu.region"() ({
      %run_scoped3A = memref.alloca() : memref<2x1x128xi32, #tpu.memory_space<vmem>>
      %run_scoped3A_17 = tpu.sem_alloc : memref<2x!tpu.dma_semaphore, #tpu.memory_space<semaphore_mem>>
      %run_scoped3A_18 = memref.alloca() : memref<2x128x256xf32, #tpu.memory_space<vmem>>
      %run_scoped3A_19 = tpu.sem_alloc : memref<2x!tpu.dma_semaphore, #tpu.memory_space<semaphore_mem>>
      %gt3A = arith.constant 0 : i32
      %gt3A_20 = arith.cmpi sgt, %mul3A_16, %gt3A : i32
      %convert_element_type3A = arith.extui %gt3A_20 : i1 to i32
      %cond3A = arith.constant 0 : i32
      %cond3A_21 = arith.cmpi ne, %convert_element_type3A, %cond3A : i32
      scf.if %cond3A_21 {
        %mul3A_22 = arith.constant 1 : i32
        %mul3A_23 = arith.muli %mul3A_22, %select_n3A : i32
        %sub3A = arith.constant 1 : i32
        %sub3A_24 = arith.subi %mul3A_23, %sub3A : i32
        %eq3A = arith.constant 0 : i32
        %eq3A_25 = arith.cmpi eq, %sub3A_24, %eq3A : i32
        %add3A_26 = arith.constant 0 : i32
        %add3A_27 = arith.addi %add3A_26, %select_n3A_14 : i32
        %select_n3A_28 = arith.constant true
        %select_n3A_29 = arith.constant 0 : i32
        %select_n3A_30 = arith.constant -1 : i32
        %select_n3A_31 = arith.select %select_n3A_28, %select_n3A_30, %select_n3A_29 : i32
        %eq3A_32 = arith.constant -1 : i32
        %eq3A_33 = arith.cmpi eq, %select_n3A_31, %eq3A_32 : i32
        %sub3A_34 = arith.constant 1 : i32
        %sub3A_35 = arith.subi %select_n3A, %sub3A_34 : i32
        %select_n3A_36 = arith.select %eq3A_33, %sub3A_35, %select_n3A_31 : i32
        %add3A_37 = arith.addi %select_n3A_36, %select_n3A_14 : i32
        %select_n3A_38 = arith.constant true
        %select_n3A_39 = arith.constant 0 : i32
        %select_n3A_40 = arith.constant 1 : i32
        %select_n3A_41 = arith.select %select_n3A_38, %select_n3A_40, %select_n3A_39 : i32
        %eq3A_42 = arith.cmpi eq, %select_n3A_41, %select_n3A : i32
        %select_n3A_43 = arith.constant 0 : i32
        %select_n3A_44 = arith.select %eq3A_42, %select_n3A_43, %select_n3A_41 : i32
        %add3A_45 = arith.addi %select_n3A_44, %select_n3A_14 : i32
        %add3A_46 = arith.constant 1 : i32
        %add3A_47 = arith.addi %select_n3A_44, %add3A_46 : i32
        %select_n3A_48 = arith.constant true
        %select_n3A_49 = arith.select %select_n3A_48, %add3A_47, %select_n3A_44 : i32
        %eq3A_50 = arith.cmpi eq, %select_n3A_49, %select_n3A : i32
        %select_n3A_51 = arith.constant 0 : i32
        %select_n3A_52 = arith.select %eq3A_50, %select_n3A_51, %select_n3A_49 : i32
        %add3A_53 = arith.addi %select_n3A_52, %select_n3A_14 : i32
        "tpu.trace_start"() <{level = 10 : i32, message = "ep_initialize_0"}> : () -> ()
        %rem3A = arith.constant 0 : i32
        %rem3A_54 = arith.constant 2 : i32
        %rem3A_55 = arith.remui %rem3A, %rem3A_54 : i32
        %mul3A_56 = arith.constant 128 : i32
        %mul3A_57 = arith.muli %mul3A_56, %add3A_27 : i32
        %dma_start3A = arith.constant 0 : i32
        %dma_start3A_58 = arith.constant 0 : i32
        %dma_start3A_59 = tpu.memref_slice %run_scoped3A[%rem3A_55, %dma_start3A, %dma_start3A_58] : memref<2x1x128xi32, #tpu.memory_space<vmem>> -> memref<1x1x128xi32, #tpu.memory_space<vmem>>
        %dma_start3A_60 = tpu.memref_squeeze %dma_start3A_59 : memref<1x1x128xi32, #tpu.memory_space<vmem>> -> memref<1x128xi32, #tpu.memory_space<vmem>>
        %dma_start3A_61 = arith.constant 0 : i32
        %dma_start3A_62 = tpu.memref_slice %arg3[%dma_start3A_61, %mul3A_57] : memref<1x160000xi32, #tpu.memory_space<hbm>> -> memref<1x128xi32, #tpu.memory_space<hbm>>
        %dma_start3A_63 = tpu.memref_slice %run_scoped3A_17[%rem3A_55] : memref<2x!tpu.dma_semaphore, #tpu.memory_space<semaphore_mem>> -> memref<1x!tpu.dma_semaphore, #tpu.memory_space<semaphore_mem>>
        %dma_start3A_64 = tpu.memref_squeeze %dma_start3A_63 : memref<1x!tpu.dma_semaphore, #tpu.memory_space<semaphore_mem>> -> memref<!tpu.dma_semaphore, #tpu.memory_space<semaphore_mem>>
        %dma_start3A_65 = arith.constant 0 : i32
        %dma_start3A_66 = arith.constant 0 : i32
        %dma_start3A_67 = tpu.memref_slice %run_scoped3A[%rem3A_55, %dma_start3A_65, %dma_start3A_66] : memref<2x1x128xi32, #tpu.memory_space<vmem>> -> memref<1x1x128xi32, #tpu.memory_space<vmem>>
        %dma_start3A_68 = tpu.memref_squeeze %dma_start3A_67 : memref<1x1x128xi32, #tpu.memory_space<vmem>> -> memref<1x128xi32, #tpu.memory_space<vmem>>
        %dma_start3A_69 = arith.constant 0 : i32
        %dma_start3A_70 = tpu.memref_slice %arg3[%dma_start3A_69, %mul3A_57] : memref<1x160000xi32, #tpu.memory_space<hbm>> -> memref<1x128xi32, #tpu.memory_space<hbm>>
        tpu.enqueue_dma source(%dma_start3A_70 : memref<1x128xi32, #tpu.memory_space<hbm>>) target(%dma_start3A_68 : memref<1x128xi32, #tpu.memory_space<vmem>>) target_semaphore(%dma_start3A_64 : memref<!tpu.dma_semaphore, #tpu.memory_space<semaphore_mem>>)
        %add3A_71 = arith.constant 0 : i32
        %add3A_72 = arith.constant 1 : i32
        %add3A_73 = arith.addi %add3A_71, %add3A_72 : i32
        %select_n3A_74 = arith.constant true
        %select_n3A_75 = arith.constant 0 : i32
        %select_n3A_76 = arith.select %select_n3A_74, %add3A_73, %select_n3A_75 : i32
        %while3A = arith.constant 0 : i32
        %while3A_77 = arith.constant 0 : i32
        %while3A_78 = arith.constant 0 : i32
        %while3A_79 = arith.constant 0 : i32
        %while3A_80 = arith.constant 0 : i32
        "tpu.trace_stop"() : () -> ()
        %while3A_81 = arith.subi %mul3A_16, %while3A : i32
        %while3A_82 = arith.addi %while3A, %while3A_81 : i32
        %while3A_83 = arith.constant 1 : i32
        %while3A_84 = arith.divsi %while3A_81, %while3A_83 : i32
        %while3A_85 = arith.muli %while3A_84, %while3A_83 : i32
        %while3A_86 = arith.addi %while3A, %while3A_85 : i32
        %while3A_87 = arith.constant 1 : i32
        %while3A_88:5 = scf.for %while3A_142 = %while3A to %while3A_86 step %while3A_87 iter_args(%while3A_143 = %select_n3A_76, %while3A_144 = %while3A_77, %while3A_145 = %while3A_78, %while3A_146 = %while3A_79, %while3A_147 = %while3A_80) -> (i32, i32, i32, i32, i32)  : i32 {
          %mul3A_148 = arith.constant 1 : i32
          %mul3A_149 = arith.muli %mul3A_148, %select_n3A : i32
          %eq3A_150 = arith.constant 0 : i32
          %eq3A_151 = arith.cmpi eq, %while3A_142, %eq3A_150 : i32
          %sub3A_152 = arith.constant 1 : i32
          %sub3A_153 = arith.subi %mul3A_149, %sub3A_152 : i32
          %eq3A_154 = arith.cmpi eq, %while3A_142, %sub3A_153 : i32
          %add3A_155 = arith.addi %while3A_147, %select_n3A_14 : i32
          %sub3A_156 = arith.constant 1 : i32
          %sub3A_157 = arith.subi %while3A_147, %sub3A_156 : i32
          %select_n3A_158 = arith.constant true
          %select_n3A_159 = arith.select %select_n3A_158, %sub3A_157, %while3A_147 : i32
          %eq3A_160 = arith.constant -1 : i32
          %eq3A_161 = arith.cmpi eq, %select_n3A_159, %eq3A_160 : i32
          %sub3A_162 = arith.constant 1 : i32
          %sub3A_163 = arith.subi %select_n3A, %sub3A_162 : i32
          %select_n3A_164 = arith.select %eq3A_161, %sub3A_163, %select_n3A_159 : i32
          %add3A_165 = arith.addi %select_n3A_164, %select_n3A_14 : i32
          %add3A_166 = arith.constant 1 : i32
          %add3A_167 = arith.addi %while3A_147, %add3A_166 : i32
          %select_n3A_168 = arith.constant true
          %select_n3A_169 = arith.select %select_n3A_168, %add3A_167, %while3A_147 : i32
          %eq3A_170 = arith.cmpi eq, %select_n3A_169, %select_n3A : i32
          %select_n3A_171 = arith.constant 0 : i32
          %select_n3A_172 = arith.select %eq3A_170, %select_n3A_171, %select_n3A_169 : i32
          %add3A_173 = arith.addi %select_n3A_172, %select_n3A_14 : i32
          %add3A_174 = arith.constant 1 : i32
          %add3A_175 = arith.addi %select_n3A_172, %add3A_174 : i32
          %select_n3A_176 = arith.constant true
          %select_n3A_177 = arith.select %select_n3A_176, %add3A_175, %select_n3A_172 : i32
          %eq3A_178 = arith.cmpi eq, %select_n3A_177, %select_n3A : i32
          %select_n3A_179 = arith.constant 0 : i32
          %select_n3A_180 = arith.select %eq3A_178, %select_n3A_179, %select_n3A_177 : i32
          %add3A_181 = arith.addi %select_n3A_180, %select_n3A_14 : i32
          %ne3A = arith.cmpi ne, %add3A_155, %add3A_173 : i32
          %or3A = arith.constant false
          %or3A_182 = arith.ori %or3A, %ne3A : i1
          %sub3A_183 = arith.constant 2 : i32
          %sub3A_184 = arith.subi %mul3A_149, %sub3A_183 : i32
          %add3A_185 = arith.constant 1 : i32
          %add3A_186 = arith.addi %sub3A_184, %add3A_185 : i32
          %ge3A = arith.cmpi sge, %while3A_142, %add3A_186 : i32
          %not3A = arith.constant true
          %not3A_187 = arith.xori %ge3A, %not3A : i1
          %and3A = arith.andi %or3A_182, %not3A_187 : i1
          %convert_element_type3A_188 = arith.extui %and3A : i1 to i32
          %cond3A_189 = arith.constant 0 : i32
          %cond3A_190 = arith.cmpi ne, %convert_element_type3A_188, %cond3A_189 : i32
          scf.if %cond3A_190 {
            "tpu.trace_start"() <{level = 10 : i32, message = "ep_copy_in"}> : () -> ()
            %rem3A_294 = arith.constant 2 : i32
            %rem3A_295 = arith.remui %while3A_143, %rem3A_294 : i32
            %mul3A_296 = arith.constant 128 : i32
            %mul3A_297 = arith.muli %mul3A_296, %add3A_173 : i32
            %dma_start3A_298 = arith.constant 0 : i32
            %dma_start3A_299 = arith.constant 0 : i32
            %dma_start3A_300 = tpu.memref_slice %run_scoped3A[%rem3A_295, %dma_start3A_298, %dma_start3A_299] : memref<2x1x128xi32, #tpu.memory_space<vmem>> -> memref<1x1x128xi32, #tpu.memory_space<vmem>>
            %dma_start3A_301 = tpu.memref_squeeze %dma_start3A_300 : memref<1x1x128xi32, #tpu.memory_space<vmem>> -> memref<1x128xi32, #tpu.memory_space<vmem>>
            %dma_start3A_302 = arith.constant 0 : i32
            %dma_start3A_303 = tpu.memref_slice %arg3[%dma_start3A_302, %mul3A_297] : memref<1x160000xi32, #tpu.memory_space<hbm>> -> memref<1x128xi32, #tpu.memory_space<hbm>>
            %dma_start3A_304 = tpu.memref_slice %run_scoped3A_17[%rem3A_295] : memref<2x!tpu.dma_semaphore, #tpu.memory_space<semaphore_mem>> -> memref<1x!tpu.dma_semaphore, #tpu.memory_space<semaphore_mem>>
            %dma_start3A_305 = tpu.memref_squeeze %dma_start3A_304 : memref<1x!tpu.dma_semaphore, #tpu.memory_space<semaphore_mem>> -> memref<!tpu.dma_semaphore, #tpu.memory_space<semaphore_mem>>
            %dma_start3A_306 = arith.constant 0 : i32
            %dma_start3A_307 = arith.constant 0 : i32
            %dma_start3A_308 = tpu.memref_slice %run_scoped3A[%rem3A_295, %dma_start3A_306, %dma_start3A_307] : memref<2x1x128xi32, #tpu.memory_space<vmem>> -> memref<1x1x128xi32, #tpu.memory_space<vmem>>
            %dma_start3A_309 = tpu.memref_squeeze %dma_start3A_308 : memref<1x1x128xi32, #tpu.memory_space<vmem>> -> memref<1x128xi32, #tpu.memory_space<vmem>>
            %dma_start3A_310 = arith.constant 0 : i32
            %dma_start3A_311 = tpu.memref_slice %arg3[%dma_start3A_310, %mul3A_297] : memref<1x160000xi32, #tpu.memory_space<hbm>> -> memref<1x128xi32, #tpu.memory_space<hbm>>
            tpu.enqueue_dma source(%dma_start3A_311 : memref<1x128xi32, #tpu.memory_space<hbm>>) target(%dma_start3A_309 : memref<1x128xi32, #tpu.memory_space<vmem>>) target_semaphore(%dma_start3A_305 : memref<!tpu.dma_semaphore, #tpu.memory_space<semaphore_mem>>)
            "tpu.trace_stop"() : () -> ()
          } else {
          }
          %and3A_191 = arith.constant true
          %and3A_192 = arith.andi %and3A, %and3A_191 : i1
          %add3A_193 = arith.constant 1 : i32
          %add3A_194 = arith.addi %while3A_143, %add3A_193 : i32
          %select_n3A_195 = arith.select %and3A_192, %add3A_194, %while3A_143 : i32
          %ne3A_196 = arith.cmpi ne, %add3A_155, %add3A_173 : i32
          %or3A_197 = arith.constant false
          %or3A_198 = arith.ori %or3A_197, %ne3A_196 : i1
          %or3A_199 = arith.constant false
          %or3A_200 = arith.ori %or3A_198, %or3A_199 : i1
          %sub3A_201 = arith.constant 2 : i32
          %sub3A_202 = arith.subi %mul3A_149, %sub3A_201 : i32
          %add3A_203 = arith.constant 1 : i32
          %add3A_204 = arith.addi %sub3A_202, %add3A_203 : i32
          %ge3A_205 = arith.cmpi sge, %while3A_142, %add3A_204 : i32
          %not3A_206 = arith.constant true
          %not3A_207 = arith.xori %ge3A_205, %not3A_206 : i1
          %and3A_208 = arith.andi %or3A_200, %not3A_207 : i1
          %ne3A_209 = arith.cmpi ne, %add3A_155, %add3A_165 : i32
          %or3A_210 = arith.constant false
          %or3A_211 = arith.ori %or3A_210, %ne3A_209 : i1
          %or3A_212 = arith.ori %or3A_211, %eq3A_151 : i1
          %convert_element_type3A_213 = arith.extui %or3A_212 : i1 to i32
          %cond3A_214 = arith.constant 0 : i32
          %cond3A_215 = arith.cmpi ne, %convert_element_type3A_213, %cond3A_214 : i32
          scf.if %cond3A_215 {
            "tpu.trace_start"() <{level = 10 : i32, message = "ep_wait_in"}> : () -> ()
            %mul3A_294 = arith.constant 128 : i32
            %mul3A_295 = arith.muli %mul3A_294, %add3A_155 : i32
            %rem3A_296 = arith.constant 2 : i32
            %rem3A_297 = arith.remui %while3A_144, %rem3A_296 : i32
            %dma_wait3A = arith.constant 0 : i32
            %dma_wait3A_298 = arith.constant 0 : i32
            %dma_wait3A_299 = tpu.memref_slice %run_scoped3A[%rem3A_297, %dma_wait3A, %dma_wait3A_298] : memref<2x1x128xi32, #tpu.memory_space<vmem>> -> memref<1x1x128xi32, #tpu.memory_space<vmem>>
            %dma_wait3A_300 = tpu.memref_squeeze %dma_wait3A_299 : memref<1x1x128xi32, #tpu.memory_space<vmem>> -> memref<1x128xi32, #tpu.memory_space<vmem>>
            %dma_wait3A_301 = arith.constant 0 : i32
            %dma_wait3A_302 = tpu.memref_slice %arg3[%dma_wait3A_301, %mul3A_295] : memref<1x160000xi32, #tpu.memory_space<hbm>> -> memref<1x128xi32, #tpu.memory_space<hbm>>
            %dma_wait3A_303 = tpu.memref_slice %run_scoped3A_17[%rem3A_297] : memref<2x!tpu.dma_semaphore, #tpu.memory_space<semaphore_mem>> -> memref<1x!tpu.dma_semaphore, #tpu.memory_space<semaphore_mem>>
            %dma_wait3A_304 = tpu.memref_squeeze %dma_wait3A_303 : memref<1x!tpu.dma_semaphore, #tpu.memory_space<semaphore_mem>> -> memref<!tpu.dma_semaphore, #tpu.memory_space<semaphore_mem>>
            %dma_wait3A_305 = arith.constant 0 : i32
            %dma_wait3A_306 = arith.constant 0 : i32
            %dma_wait3A_307 = tpu.memref_slice %run_scoped3A[%rem3A_297, %dma_wait3A_305, %dma_wait3A_306] : memref<2x1x128xi32, #tpu.memory_space<vmem>> -> memref<1x1x128xi32, #tpu.memory_space<vmem>>
            %dma_wait3A_308 = tpu.memref_squeeze %dma_wait3A_307 : memref<1x1x128xi32, #tpu.memory_space<vmem>> -> memref<1x128xi32, #tpu.memory_space<vmem>>
            %dma_wait3A_309 = arith.constant 0 : i32
            %dma_wait3A_310 = tpu.memref_slice %arg3[%dma_wait3A_309, %mul3A_295] : memref<1x160000xi32, #tpu.memory_space<hbm>> -> memref<1x128xi32, #tpu.memory_space<hbm>>
            tpu.wait_dma2 semaphore(%dma_wait3A_304 : memref<!tpu.dma_semaphore, #tpu.memory_space<semaphore_mem>>) src(%dma_wait3A_310 : memref<1x128xi32, #tpu.memory_space<hbm>>) dst(%dma_wait3A_308 : memref<1x128xi32, #tpu.memory_space<vmem>>)
            "tpu.trace_stop"() : () -> ()
          } else {
          }
          %ne3A_216 = arith.cmpi ne, %add3A_155, %add3A_165 : i32
          %or3A_217 = arith.constant false
          %or3A_218 = arith.ori %or3A_217, %ne3A_216 : i1
          %or3A_219 = arith.constant false
          %or3A_220 = arith.ori %or3A_218, %or3A_219 : i1
          %or3A_221 = arith.ori %or3A_220, %eq3A_151 : i1
          %convert_element_type3A_222 = arith.extui %or3A_221 : i1 to i32
          %cond3A_223 = arith.constant 0 : i32
          %cond3A_224 = arith.cmpi ne, %convert_element_type3A_222, %cond3A_223 : i32
          scf.if %cond3A_224 {
          } else {
          }
          %rem3A_225 = arith.constant 2 : i32
          %rem3A_226 = arith.remui %while3A_144, %rem3A_225 : i32
          %rem3A_227 = arith.constant 2 : i32
          %rem3A_228 = arith.remui %while3A_145, %rem3A_227 : i32
          %run_scoped3A_229 = arith.constant 0 : i32
          "tpu.trace_start"() <{level = 10 : i32, message = "ep_run_kernel"}> : () -> ()
          "tpu.region"() ({
            %run_scoped3A_294 = tpu.sem_alloc : memref<!tpu.dma_semaphore, #tpu.memory_space<semaphore_mem>>
            %dma_start3A_295 = arith.constant 0 : i32
            %dma_start3A_296 = arith.constant 0 : i32
            %dma_start3A_297 = tpu.memref_slice %run_scoped3A_18[%rem3A_228, %dma_start3A_295, %dma_start3A_296] : memref<2x128x256xf32, #tpu.memory_space<vmem>> -> memref<1x128x256xf32, #tpu.memory_space<vmem>>
            %dma_start3A_298 = tpu.memref_squeeze %dma_start3A_297 : memref<1x128x256xf32, #tpu.memory_space<vmem>> -> memref<128x256xf32, #tpu.memory_space<vmem>>
            %dma_start3A_299 = arith.constant 0 : i32
            %dma_start3A_300 = arith.constant 0 : i32
            %dma_start3A_301 = tpu.memref_slice %run_scoped3A[%rem3A_226, %dma_start3A_299, %dma_start3A_300] : memref<2x1x128xi32, #tpu.memory_space<vmem>> -> memref<1x1x128xi32, #tpu.memory_space<vmem>>
            %dma_start3A_302 = tpu.memref_squeeze %dma_start3A_301 : memref<1x1x128xi32, #tpu.memory_space<vmem>> -> memref<1x128xi32, #tpu.memory_space<vmem>>
            %dma_start3A_303 = arith.constant 0 : i32
            %dma_start3A_304 = tpu.memref_slice %dma_start3A_302[%run_scoped3A_229, %dma_start3A_303] : memref<1x128xi32, #tpu.memory_space<vmem>> -> memref<1x128xi32, #tpu.memory_space<vmem>>
            %dma_start3A_305 = tpu.memref_squeeze %dma_start3A_304 : memref<1x128xi32, #tpu.memory_space<vmem>> -> memref<128xi32, #tpu.memory_space<vmem>>
            %dma_start3A_306 = arith.constant 0 : i32
            %dma_start3A_307 = arith.constant 0 : i32
            %dma_start3A_308 = tpu.memref_slice %arg2[%dma_start3A_306, %dma_start3A_307] : memref<10000x256xf32, #tpu.memory_space<hbm>> -> memref<10000x256xf32, #tpu.memory_space<hbm>>
            tpu.enqueue_indirect_dma source(%dma_start3A_308 : memref<10000x256xf32, #tpu.memory_space<hbm>>) target(%dma_start3A_298 : memref<128x256xf32, #tpu.memory_space<vmem>>) offsets(%dma_start3A_305 : memref<128xi32, #tpu.memory_space<vmem>>) semaphore(%run_scoped3A_294 : memref<!tpu.dma_semaphore, #tpu.memory_space<semaphore_mem>>)
            %dma_wait3A = arith.constant 0 : i32
            %dma_wait3A_309 = arith.constant 0 : i32
            %dma_wait3A_310 = tpu.memref_slice %run_scoped3A_18[%rem3A_228, %dma_wait3A, %dma_wait3A_309] : memref<2x128x256xf32, #tpu.memory_space<vmem>> -> memref<1x128x256xf32, #tpu.memory_space<vmem>>
            %dma_wait3A_311 = tpu.memref_squeeze %dma_wait3A_310 : memref<1x128x256xf32, #tpu.memory_space<vmem>> -> memref<128x256xf32, #tpu.memory_space<vmem>>
            %dma_wait3A_312 = arith.constant 0 : i32
            %dma_wait3A_313 = arith.constant 0 : i32
            %dma_wait3A_314 = tpu.memref_slice %run_scoped3A[%rem3A_226, %dma_wait3A_312, %dma_wait3A_313] : memref<2x1x128xi32, #tpu.memory_space<vmem>> -> memref<1x1x128xi32, #tpu.memory_space<vmem>>
            %dma_wait3A_315 = tpu.memref_squeeze %dma_wait3A_314 : memref<1x1x128xi32, #tpu.memory_space<vmem>> -> memref<1x128xi32, #tpu.memory_space<vmem>>
            %dma_wait3A_316 = arith.constant 0 : i32
            %dma_wait3A_317 = tpu.memref_slice %dma_wait3A_315[%run_scoped3A_229, %dma_wait3A_316] : memref<1x128xi32, #tpu.memory_space<vmem>> -> memref<1x128xi32, #tpu.memory_space<vmem>>
            %dma_wait3A_318 = tpu.memref_squeeze %dma_wait3A_317 : memref<1x128xi32, #tpu.memory_space<vmem>> -> memref<128xi32, #tpu.memory_space<vmem>>
            %dma_wait3A_319 = arith.constant 0 : i32
            %dma_wait3A_320 = arith.constant 0 : i32
            %dma_wait3A_321 = tpu.memref_slice %arg2[%dma_wait3A_319, %dma_wait3A_320] : memref<10000x256xf32, #tpu.memory_space<hbm>> -> memref<10000x256xf32, #tpu.memory_space<hbm>>
            tpu.wait_indirect_dma semaphore(%run_scoped3A_294 : memref<!tpu.dma_semaphore, #tpu.memory_space<semaphore_mem>>) src(%dma_wait3A_321 : memref<10000x256xf32, #tpu.memory_space<hbm>>) dst(%dma_wait3A_311 : memref<128x256xf32, #tpu.memory_space<vmem>>)
            tpu.yield
          }) : () -> ()
          "tpu.trace_stop"() : () -> ()
          %ne3A_230 = arith.cmpi ne, %add3A_155, %add3A_173 : i32
          %or3A_231 = arith.constant false
          %or3A_232 = arith.ori %or3A_231, %ne3A_230 : i1
          %or3A_233 = arith.ori %or3A_232, %eq3A_154 : i1
          %convert_element_type3A_234 = arith.extui %or3A_233 : i1 to i32
          %cond3A_235 = arith.constant 0 : i32
          %cond3A_236 = arith.cmpi ne, %convert_element_type3A_234, %cond3A_235 : i32
          scf.if %cond3A_236 {
          } else {
          }
          %and3A_237 = arith.constant false
          %and3A_238 = arith.andi %or3A_233, %and3A_237 : i1
          %ne3A_239 = arith.cmpi ne, %add3A_155, %add3A_173 : i32
          %or3A_240 = arith.constant false
          %or3A_241 = arith.ori %or3A_240, %ne3A_239 : i1
          %or3A_242 = arith.constant false
          %or3A_243 = arith.ori %or3A_241, %or3A_242 : i1
          %or3A_244 = arith.ori %or3A_243, %eq3A_154 : i1
          %convert_element_type3A_245 = arith.extui %or3A_244 : i1 to i32
          %cond3A_246 = arith.constant 0 : i32
          %cond3A_247 = arith.cmpi ne, %convert_element_type3A_245, %cond3A_246 : i32
          scf.if %cond3A_247 {
            "tpu.trace_start"() <{level = 10 : i32, message = "ep_copy_out"}> : () -> ()
            %rem3A_294 = arith.constant 2 : i32
            %rem3A_295 = arith.remui %while3A_145, %rem3A_294 : i32
            %mul3A_296 = arith.constant 128 : i32
            %mul3A_297 = arith.muli %mul3A_296, %add3A_155 : i32
            %dma_start3A_298 = arith.constant 0 : i32
            %dma_start3A_299 = arith.constant 0 : i32
            %dma_start3A_300 = tpu.memref_slice %run_scoped3A_18[%rem3A_295, %dma_start3A_298, %dma_start3A_299] : memref<2x128x256xf32, #tpu.memory_space<vmem>> -> memref<1x128x256xf32, #tpu.memory_space<vmem>>
            %dma_start3A_301 = tpu.memref_squeeze %dma_start3A_300 : memref<1x128x256xf32, #tpu.memory_space<vmem>> -> memref<128x256xf32, #tpu.memory_space<vmem>>
            %dma_start3A_302 = arith.constant 0 : i32
            %dma_start3A_303 = tpu.memref_slice %arg4[%mul3A_297, %dma_start3A_302] : memref<160000x256xf32, #tpu.memory_space<hbm>> -> memref<128x256xf32, #tpu.memory_space<hbm>>
            %dma_start3A_304 = tpu.memref_slice %run_scoped3A_19[%rem3A_295] : memref<2x!tpu.dma_semaphore, #tpu.memory_space<semaphore_mem>> -> memref<1x!tpu.dma_semaphore, #tpu.memory_space<semaphore_mem>>
            %dma_start3A_305 = tpu.memref_squeeze %dma_start3A_304 : memref<1x!tpu.dma_semaphore, #tpu.memory_space<semaphore_mem>> -> memref<!tpu.dma_semaphore, #tpu.memory_space<semaphore_mem>>
            %dma_start3A_306 = arith.constant 0 : i32
            %dma_start3A_307 = tpu.memref_slice %arg4[%mul3A_297, %dma_start3A_306] : memref<160000x256xf32, #tpu.memory_space<hbm>> -> memref<128x256xf32, #tpu.memory_space<hbm>>
            %dma_start3A_308 = arith.constant 0 : i32
            %dma_start3A_309 = arith.constant 0 : i32
            %dma_start3A_310 = tpu.memref_slice %run_scoped3A_18[%rem3A_295, %dma_start3A_308, %dma_start3A_309] : memref<2x128x256xf32, #tpu.memory_space<vmem>> -> memref<1x128x256xf32, #tpu.memory_space<vmem>>
            %dma_start3A_311 = tpu.memref_squeeze %dma_start3A_310 : memref<1x128x256xf32, #tpu.memory_space<vmem>> -> memref<128x256xf32, #tpu.memory_space<vmem>>
            tpu.enqueue_dma source(%dma_start3A_311 : memref<128x256xf32, #tpu.memory_space<vmem>>) target(%dma_start3A_307 : memref<128x256xf32, #tpu.memory_space<hbm>>) target_semaphore(%dma_start3A_305 : memref<!tpu.dma_semaphore, #tpu.memory_space<semaphore_mem>>)
            "tpu.trace_stop"() : () -> ()
          } else {
          }
          %and3A_248 = arith.constant true
          %and3A_249 = arith.andi %or3A_244, %and3A_248 : i1
          %add3A_250 = arith.constant 1 : i32
          %add3A_251 = arith.addi %while3A_145, %add3A_250 : i32
          %select_n3A_252 = arith.select %and3A_249, %add3A_251, %while3A_145 : i32
          %ne3A_253 = arith.cmpi ne, %add3A_155, %add3A_165 : i32
          %or3A_254 = arith.constant false
          %or3A_255 = arith.ori %or3A_254, %ne3A_253 : i1
          %not3A_256 = arith.constant true
          %not3A_257 = arith.xori %eq3A_151, %not3A_256 : i1
          %and3A_258 = arith.andi %or3A_255, %not3A_257 : i1
          %convert_element_type3A_259 = arith.extui %and3A_258 : i1 to i32
          %cond3A_260 = arith.constant 0 : i32
          %cond3A_261 = arith.cmpi ne, %convert_element_type3A_259, %cond3A_260 : i32
          scf.if %cond3A_261 {
          } else {
          }
          %and3A_262 = arith.constant false
          %and3A_263 = arith.andi %and3A_258, %and3A_262 : i1
          %ne3A_264 = arith.cmpi ne, %add3A_155, %add3A_165 : i32
          %or3A_265 = arith.constant false
          %or3A_266 = arith.ori %or3A_265, %ne3A_264 : i1
          %or3A_267 = arith.constant false
          %or3A_268 = arith.ori %or3A_266, %or3A_267 : i1
          %not3A_269 = arith.constant true
          %not3A_270 = arith.xori %eq3A_151, %not3A_269 : i1
          %and3A_271 = arith.andi %or3A_268, %not3A_270 : i1
          %convert_element_type3A_272 = arith.extui %and3A_271 : i1 to i32
          %cond3A_273 = arith.constant 0 : i32
          %cond3A_274 = arith.cmpi ne, %convert_element_type3A_272, %cond3A_273 : i32
          scf.if %cond3A_274 {
            "tpu.trace_start"() <{level = 10 : i32, message = "ep_wait_out"}> : () -> ()
            %rem3A_294 = arith.constant 2 : i32
            %rem3A_295 = arith.remui %while3A_146, %rem3A_294 : i32
            %mul3A_296 = arith.constant 128 : i32
            %mul3A_297 = arith.muli %mul3A_296, %add3A_165 : i32
            %dma_wait3A = arith.constant 0 : i32
            %dma_wait3A_298 = arith.constant 0 : i32
            %dma_wait3A_299 = tpu.memref_slice %run_scoped3A_18[%rem3A_295, %dma_wait3A, %dma_wait3A_298] : memref<2x128x256xf32, #tpu.memory_space<vmem>> -> memref<1x128x256xf32, #tpu.memory_space<vmem>>
            %dma_wait3A_300 = tpu.memref_squeeze %dma_wait3A_299 : memref<1x128x256xf32, #tpu.memory_space<vmem>> -> memref<128x256xf32, #tpu.memory_space<vmem>>
            %dma_wait3A_301 = arith.constant 0 : i32
            %dma_wait3A_302 = tpu.memref_slice %arg4[%mul3A_297, %dma_wait3A_301] : memref<160000x256xf32, #tpu.memory_space<hbm>> -> memref<128x256xf32, #tpu.memory_space<hbm>>
            %dma_wait3A_303 = tpu.memref_slice %run_scoped3A_19[%rem3A_295] : memref<2x!tpu.dma_semaphore, #tpu.memory_space<semaphore_mem>> -> memref<1x!tpu.dma_semaphore, #tpu.memory_space<semaphore_mem>>
            %dma_wait3A_304 = tpu.memref_squeeze %dma_wait3A_303 : memref<1x!tpu.dma_semaphore, #tpu.memory_space<semaphore_mem>> -> memref<!tpu.dma_semaphore, #tpu.memory_space<semaphore_mem>>
            %dma_wait3A_305 = arith.constant 0 : i32
            %dma_wait3A_306 = tpu.memref_slice %arg4[%mul3A_297, %dma_wait3A_305] : memref<160000x256xf32, #tpu.memory_space<hbm>> -> memref<128x256xf32, #tpu.memory_space<hbm>>
            %dma_wait3A_307 = arith.constant 0 : i32
            %dma_wait3A_308 = arith.constant 0 : i32
            %dma_wait3A_309 = tpu.memref_slice %run_scoped3A_18[%rem3A_295, %dma_wait3A_307, %dma_wait3A_308] : memref<2x128x256xf32, #tpu.memory_space<vmem>> -> memref<1x128x256xf32, #tpu.memory_space<vmem>>
            %dma_wait3A_310 = tpu.memref_squeeze %dma_wait3A_309 : memref<1x128x256xf32, #tpu.memory_space<vmem>> -> memref<128x256xf32, #tpu.memory_space<vmem>>
            tpu.wait_dma2 semaphore(%dma_wait3A_304 : memref<!tpu.dma_semaphore, #tpu.memory_space<semaphore_mem>>) src(%dma_wait3A_310 : memref<128x256xf32, #tpu.memory_space<vmem>>) dst(%dma_wait3A_306 : memref<128x256xf32, #tpu.memory_space<hbm>>)
            "tpu.trace_stop"() : () -> ()
          } else {
          }
          %and3A_275 = arith.constant true
          %and3A_276 = arith.andi %and3A_271, %and3A_275 : i1
          %add3A_277 = arith.constant 1 : i32
          %add3A_278 = arith.addi %while3A_146, %add3A_277 : i32
          %select_n3A_279 = arith.select %and3A_276, %add3A_278, %while3A_146 : i32
          %ne3A_280 = arith.cmpi ne, %add3A_155, %add3A_173 : i32
          %or3A_281 = arith.constant false
          %or3A_282 = arith.ori %or3A_281, %ne3A_280 : i1
          %or3A_283 = arith.ori %or3A_282, %eq3A_154 : i1
          %add3A_284 = arith.constant 1 : i32
          %add3A_285 = arith.addi %while3A_144, %add3A_284 : i32
          %select_n3A_286 = arith.select %or3A_283, %add3A_285, %while3A_144 : i32
          %add3A_287 = arith.constant 1 : i32
          %add3A_288 = arith.addi %while3A_147, %add3A_287 : i32
          %select_n3A_289 = arith.constant true
          %select_n3A_290 = arith.select %select_n3A_289, %add3A_288, %while3A_147 : i32
          %eq3A_291 = arith.cmpi eq, %select_n3A_290, %select_n3A : i32
          %select_n3A_292 = arith.constant 0 : i32
          %select_n3A_293 = arith.select %eq3A_291, %select_n3A_292, %select_n3A_290 : i32
          scf.yield %select_n3A_195, %select_n3A_286, %select_n3A_252, %select_n3A_279, %select_n3A_293 : i32, i32, i32, i32, i32
        }
        %while3A_89 = arith.constant 1 : i32
        %while3A_90:5 = scf.for %while3A_142 = %while3A_86 to %while3A_82 step %while3A_89 iter_args(%while3A_143 = %while3A_88#0, %while3A_144 = %while3A_88#1, %while3A_145 = %while3A_88#2, %while3A_146 = %while3A_88#3, %while3A_147 = %while3A_88#4) -> (i32, i32, i32, i32, i32)  : i32 {
          %mul3A_148 = arith.constant 1 : i32
          %mul3A_149 = arith.muli %mul3A_148, %select_n3A : i32
          %eq3A_150 = arith.constant 0 : i32
          %eq3A_151 = arith.cmpi eq, %while3A_142, %eq3A_150 : i32
          %sub3A_152 = arith.constant 1 : i32
          %sub3A_153 = arith.subi %mul3A_149, %sub3A_152 : i32
          %eq3A_154 = arith.cmpi eq, %while3A_142, %sub3A_153 : i32
          %add3A_155 = arith.addi %while3A_147, %select_n3A_14 : i32
          %sub3A_156 = arith.constant 1 : i32
          %sub3A_157 = arith.subi %while3A_147, %sub3A_156 : i32
          %select_n3A_158 = arith.constant true
          %select_n3A_159 = arith.select %select_n3A_158, %sub3A_157, %while3A_147 : i32
          %eq3A_160 = arith.constant -1 : i32
          %eq3A_161 = arith.cmpi eq, %select_n3A_159, %eq3A_160 : i32
          %sub3A_162 = arith.constant 1 : i32
          %sub3A_163 = arith.subi %select_n3A, %sub3A_162 : i32
          %select_n3A_164 = arith.select %eq3A_161, %sub3A_163, %select_n3A_159 : i32
          %add3A_165 = arith.addi %select_n3A_164, %select_n3A_14 : i32
          %add3A_166 = arith.constant 1 : i32
          %add3A_167 = arith.addi %while3A_147, %add3A_166 : i32
          %select_n3A_168 = arith.constant true
          %select_n3A_169 = arith.select %select_n3A_168, %add3A_167, %while3A_147 : i32
          %eq3A_170 = arith.cmpi eq, %select_n3A_169, %select_n3A : i32
          %select_n3A_171 = arith.constant 0 : i32
          %select_n3A_172 = arith.select %eq3A_170, %select_n3A_171, %select_n3A_169 : i32
          %add3A_173 = arith.addi %select_n3A_172, %select_n3A_14 : i32
          %add3A_174 = arith.constant 1 : i32
          %add3A_175 = arith.addi %select_n3A_172, %add3A_174 : i32
          %select_n3A_176 = arith.constant true
          %select_n3A_177 = arith.select %select_n3A_176, %add3A_175, %select_n3A_172 : i32
          %eq3A_178 = arith.cmpi eq, %select_n3A_177, %select_n3A : i32
          %select_n3A_179 = arith.constant 0 : i32
          %select_n3A_180 = arith.select %eq3A_178, %select_n3A_179, %select_n3A_177 : i32
          %add3A_181 = arith.addi %select_n3A_180, %select_n3A_14 : i32
          %ne3A = arith.cmpi ne, %add3A_155, %add3A_173 : i32
          %or3A = arith.constant false
          %or3A_182 = arith.ori %or3A, %ne3A : i1
          %sub3A_183 = arith.constant 2 : i32
          %sub3A_184 = arith.subi %mul3A_149, %sub3A_183 : i32
          %add3A_185 = arith.constant 1 : i32
          %add3A_186 = arith.addi %sub3A_184, %add3A_185 : i32
          %ge3A = arith.cmpi sge, %while3A_142, %add3A_186 : i32
          %not3A = arith.constant true
          %not3A_187 = arith.xori %ge3A, %not3A : i1
          %and3A = arith.andi %or3A_182, %not3A_187 : i1
          %convert_element_type3A_188 = arith.extui %and3A : i1 to i32
          %cond3A_189 = arith.constant 0 : i32
          %cond3A_190 = arith.cmpi ne, %convert_element_type3A_188, %cond3A_189 : i32
          scf.if %cond3A_190 {
            "tpu.trace_start"() <{level = 10 : i32, message = "ep_copy_in"}> : () -> ()
            %rem3A_294 = arith.constant 2 : i32
            %rem3A_295 = arith.remui %while3A_143, %rem3A_294 : i32
            %mul3A_296 = arith.constant 128 : i32
            %mul3A_297 = arith.muli %mul3A_296, %add3A_173 : i32
            %dma_start3A_298 = arith.constant 0 : i32
            %dma_start3A_299 = arith.constant 0 : i32
            %dma_start3A_300 = tpu.memref_slice %run_scoped3A[%rem3A_295, %dma_start3A_298, %dma_start3A_299] : memref<2x1x128xi32, #tpu.memory_space<vmem>> -> memref<1x1x128xi32, #tpu.memory_space<vmem>>
            %dma_start3A_301 = tpu.memref_squeeze %dma_start3A_300 : memref<1x1x128xi32, #tpu.memory_space<vmem>> -> memref<1x128xi32, #tpu.memory_space<vmem>>
            %dma_start3A_302 = arith.constant 0 : i32
            %dma_start3A_303 = tpu.memref_slice %arg3[%dma_start3A_302, %mul3A_297] : memref<1x160000xi32, #tpu.memory_space<hbm>> -> memref<1x128xi32, #tpu.memory_space<hbm>>
            %dma_start3A_304 = tpu.memref_slice %run_scoped3A_17[%rem3A_295] : memref<2x!tpu.dma_semaphore, #tpu.memory_space<semaphore_mem>> -> memref<1x!tpu.dma_semaphore, #tpu.memory_space<semaphore_mem>>
            %dma_start3A_305 = tpu.memref_squeeze %dma_start3A_304 : memref<1x!tpu.dma_semaphore, #tpu.memory_space<semaphore_mem>> -> memref<!tpu.dma_semaphore, #tpu.memory_space<semaphore_mem>>
            %dma_start3A_306 = arith.constant 0 : i32
            %dma_start3A_307 = arith.constant 0 : i32
            %dma_start3A_308 = tpu.memref_slice %run_scoped3A[%rem3A_295, %dma_start3A_306, %dma_start3A_307] : memref<2x1x128xi32, #tpu.memory_space<vmem>> -> memref<1x1x128xi32, #tpu.memory_space<vmem>>
            %dma_start3A_309 = tpu.memref_squeeze %dma_start3A_308 : memref<1x1x128xi32, #tpu.memory_space<vmem>> -> memref<1x128xi32, #tpu.memory_space<vmem>>
            %dma_start3A_310 = arith.constant 0 : i32
            %dma_start3A_311 = tpu.memref_slice %arg3[%dma_start3A_310, %mul3A_297] : memref<1x160000xi32, #tpu.memory_space<hbm>> -> memref<1x128xi32, #tpu.memory_space<hbm>>
            tpu.enqueue_dma source(%dma_start3A_311 : memref<1x128xi32, #tpu.memory_space<hbm>>) target(%dma_start3A_309 : memref<1x128xi32, #tpu.memory_space<vmem>>) target_semaphore(%dma_start3A_305 : memref<!tpu.dma_semaphore, #tpu.memory_space<semaphore_mem>>)
            "tpu.trace_stop"() : () -> ()
          } else {
          }
          %and3A_191 = arith.constant true
          %and3A_192 = arith.andi %and3A, %and3A_191 : i1
          %add3A_193 = arith.constant 1 : i32
          %add3A_194 = arith.addi %while3A_143, %add3A_193 : i32
          %select_n3A_195 = arith.select %and3A_192, %add3A_194, %while3A_143 : i32
          %ne3A_196 = arith.cmpi ne, %add3A_155, %add3A_173 : i32
          %or3A_197 = arith.constant false
          %or3A_198 = arith.ori %or3A_197, %ne3A_196 : i1
          %or3A_199 = arith.constant false
          %or3A_200 = arith.ori %or3A_198, %or3A_199 : i1
          %sub3A_201 = arith.constant 2 : i32
          %sub3A_202 = arith.subi %mul3A_149, %sub3A_201 : i32
          %add3A_203 = arith.constant 1 : i32
          %add3A_204 = arith.addi %sub3A_202, %add3A_203 : i32
          %ge3A_205 = arith.cmpi sge, %while3A_142, %add3A_204 : i32
          %not3A_206 = arith.constant true
          %not3A_207 = arith.xori %ge3A_205, %not3A_206 : i1
          %and3A_208 = arith.andi %or3A_200, %not3A_207 : i1
          %ne3A_209 = arith.cmpi ne, %add3A_155, %add3A_165 : i32
          %or3A_210 = arith.constant false
          %or3A_211 = arith.ori %or3A_210, %ne3A_209 : i1
          %or3A_212 = arith.ori %or3A_211, %eq3A_151 : i1
          %convert_element_type3A_213 = arith.extui %or3A_212 : i1 to i32
          %cond3A_214 = arith.constant 0 : i32
          %cond3A_215 = arith.cmpi ne, %convert_element_type3A_213, %cond3A_214 : i32
          scf.if %cond3A_215 {
            "tpu.trace_start"() <{level = 10 : i32, message = "ep_wait_in"}> : () -> ()
            %mul3A_294 = arith.constant 128 : i32
            %mul3A_295 = arith.muli %mul3A_294, %add3A_155 : i32
            %rem3A_296 = arith.constant 2 : i32
            %rem3A_297 = arith.remui %while3A_144, %rem3A_296 : i32
            %dma_wait3A = arith.constant 0 : i32
            %dma_wait3A_298 = arith.constant 0 : i32
            %dma_wait3A_299 = tpu.memref_slice %run_scoped3A[%rem3A_297, %dma_wait3A, %dma_wait3A_298] : memref<2x1x128xi32, #tpu.memory_space<vmem>> -> memref<1x1x128xi32, #tpu.memory_space<vmem>>
            %dma_wait3A_300 = tpu.memref_squeeze %dma_wait3A_299 : memref<1x1x128xi32, #tpu.memory_space<vmem>> -> memref<1x128xi32, #tpu.memory_space<vmem>>
            %dma_wait3A_301 = arith.constant 0 : i32
            %dma_wait3A_302 = tpu.memref_slice %arg3[%dma_wait3A_301, %mul3A_295] : memref<1x160000xi32, #tpu.memory_space<hbm>> -> memref<1x128xi32, #tpu.memory_space<hbm>>
            %dma_wait3A_303 = tpu.memref_slice %run_scoped3A_17[%rem3A_297] : memref<2x!tpu.dma_semaphore, #tpu.memory_space<semaphore_mem>> -> memref<1x!tpu.dma_semaphore, #tpu.memory_space<semaphore_mem>>
            %dma_wait3A_304 = tpu.memref_squeeze %dma_wait3A_303 : memref<1x!tpu.dma_semaphore, #tpu.memory_space<semaphore_mem>> -> memref<!tpu.dma_semaphore, #tpu.memory_space<semaphore_mem>>
            %dma_wait3A_305 = arith.constant 0 : i32
            %dma_wait3A_306 = arith.constant 0 : i32
            %dma_wait3A_307 = tpu.memref_slice %run_scoped3A[%rem3A_297, %dma_wait3A_305, %dma_wait3A_306] : memref<2x1x128xi32, #tpu.memory_space<vmem>> -> memref<1x1x128xi32, #tpu.memory_space<vmem>>
            %dma_wait3A_308 = tpu.memref_squeeze %dma_wait3A_307 : memref<1x1x128xi32, #tpu.memory_space<vmem>> -> memref<1x128xi32, #tpu.memory_space<vmem>>
            %dma_wait3A_309 = arith.constant 0 : i32
            %dma_wait3A_310 = tpu.memref_slice %arg3[%dma_wait3A_309, %mul3A_295] : memref<1x160000xi32, #tpu.memory_space<hbm>> -> memref<1x128xi32, #tpu.memory_space<hbm>>
            tpu.wait_dma2 semaphore(%dma_wait3A_304 : memref<!tpu.dma_semaphore, #tpu.memory_space<semaphore_mem>>) src(%dma_wait3A_310 : memref<1x128xi32, #tpu.memory_space<hbm>>) dst(%dma_wait3A_308 : memref<1x128xi32, #tpu.memory_space<vmem>>)
            "tpu.trace_stop"() : () -> ()
          } else {
          }
          %ne3A_216 = arith.cmpi ne, %add3A_155, %add3A_165 : i32
          %or3A_217 = arith.constant false
          %or3A_218 = arith.ori %or3A_217, %ne3A_216 : i1
          %or3A_219 = arith.constant false
          %or3A_220 = arith.ori %or3A_218, %or3A_219 : i1
          %or3A_221 = arith.ori %or3A_220, %eq3A_151 : i1
          %convert_element_type3A_222 = arith.extui %or3A_221 : i1 to i32
          %cond3A_223 = arith.constant 0 : i32
          %cond3A_224 = arith.cmpi ne, %convert_element_type3A_222, %cond3A_223 : i32
          scf.if %cond3A_224 {
          } else {
          }
          %rem3A_225 = arith.constant 2 : i32
          %rem3A_226 = arith.remui %while3A_144, %rem3A_225 : i32
          %rem3A_227 = arith.constant 2 : i32
          %rem3A_228 = arith.remui %while3A_145, %rem3A_227 : i32
          %run_scoped3A_229 = arith.constant 0 : i32
          "tpu.trace_start"() <{level = 10 : i32, message = "ep_run_kernel"}> : () -> ()
          "tpu.region"() ({
            %run_scoped3A_294 = tpu.sem_alloc : memref<!tpu.dma_semaphore, #tpu.memory_space<semaphore_mem>>
            %dma_start3A_295 = arith.constant 0 : i32
            %dma_start3A_296 = arith.constant 0 : i32
            %dma_start3A_297 = tpu.memref_slice %run_scoped3A_18[%rem3A_228, %dma_start3A_295, %dma_start3A_296] : memref<2x128x256xf32, #tpu.memory_space<vmem>> -> memref<1x128x256xf32, #tpu.memory_space<vmem>>
            %dma_start3A_298 = tpu.memref_squeeze %dma_start3A_297 : memref<1x128x256xf32, #tpu.memory_space<vmem>> -> memref<128x256xf32, #tpu.memory_space<vmem>>
            %dma_start3A_299 = arith.constant 0 : i32
            %dma_start3A_300 = arith.constant 0 : i32
            %dma_start3A_301 = tpu.memref_slice %run_scoped3A[%rem3A_226, %dma_start3A_299, %dma_start3A_300] : memref<2x1x128xi32, #tpu.memory_space<vmem>> -> memref<1x1x128xi32, #tpu.memory_space<vmem>>
            %dma_start3A_302 = tpu.memref_squeeze %dma_start3A_301 : memref<1x1x128xi32, #tpu.memory_space<vmem>> -> memref<1x128xi32, #tpu.memory_space<vmem>>
            %dma_start3A_303 = arith.constant 0 : i32
            %dma_start3A_304 = tpu.memref_slice %dma_start3A_302[%run_scoped3A_229, %dma_start3A_303] : memref<1x128xi32, #tpu.memory_space<vmem>> -> memref<1x128xi32, #tpu.memory_space<vmem>>
            %dma_start3A_305 = tpu.memref_squeeze %dma_start3A_304 : memref<1x128xi32, #tpu.memory_space<vmem>> -> memref<128xi32, #tpu.memory_space<vmem>>
            %dma_start3A_306 = arith.constant 0 : i32
            %dma_start3A_307 = arith.constant 0 : i32
            %dma_start3A_308 = tpu.memref_slice %arg2[%dma_start3A_306, %dma_start3A_307] : memref<10000x256xf32, #tpu.memory_space<hbm>> -> memref<10000x256xf32, #tpu.memory_space<hbm>>
            tpu.enqueue_indirect_dma source(%dma_start3A_308 : memref<10000x256xf32, #tpu.memory_space<hbm>>) target(%dma_start3A_298 : memref<128x256xf32, #tpu.memory_space<vmem>>) offsets(%dma_start3A_305 : memref<128xi32, #tpu.memory_space<vmem>>) semaphore(%run_scoped3A_294 : memref<!tpu.dma_semaphore, #tpu.memory_space<semaphore_mem>>)
            %dma_wait3A = arith.constant 0 : i32
            %dma_wait3A_309 = arith.constant 0 : i32
            %dma_wait3A_310 = tpu.memref_slice %run_scoped3A_18[%rem3A_228, %dma_wait3A, %dma_wait3A_309] : memref<2x128x256xf32, #tpu.memory_space<vmem>> -> memref<1x128x256xf32, #tpu.memory_space<vmem>>
            %dma_wait3A_311 = tpu.memref_squeeze %dma_wait3A_310 : memref<1x128x256xf32, #tpu.memory_space<vmem>> -> memref<128x256xf32, #tpu.memory_space<vmem>>
            %dma_wait3A_312 = arith.constant 0 : i32
            %dma_wait3A_313 = arith.constant 0 : i32
            %dma_wait3A_314 = tpu.memref_slice %run_scoped3A[%rem3A_226, %dma_wait3A_312, %dma_wait3A_313] : memref<2x1x128xi32, #tpu.memory_space<vmem>> -> memref<1x1x128xi32, #tpu.memory_space<vmem>>
            %dma_wait3A_315 = tpu.memref_squeeze %dma_wait3A_314 : memref<1x1x128xi32, #tpu.memory_space<vmem>> -> memref<1x128xi32, #tpu.memory_space<vmem>>
            %dma_wait3A_316 = arith.constant 0 : i32
            %dma_wait3A_317 = tpu.memref_slice %dma_wait3A_315[%run_scoped3A_229, %dma_wait3A_316] : memref<1x128xi32, #tpu.memory_space<vmem>> -> memref<1x128xi32, #tpu.memory_space<vmem>>
            %dma_wait3A_318 = tpu.memref_squeeze %dma_wait3A_317 : memref<1x128xi32, #tpu.memory_space<vmem>> -> memref<128xi32, #tpu.memory_space<vmem>>
            %dma_wait3A_319 = arith.constant 0 : i32
            %dma_wait3A_320 = arith.constant 0 : i32
            %dma_wait3A_321 = tpu.memref_slice %arg2[%dma_wait3A_319, %dma_wait3A_320] : memref<10000x256xf32, #tpu.memory_space<hbm>> -> memref<10000x256xf32, #tpu.memory_space<hbm>>
            tpu.wait_indirect_dma semaphore(%run_scoped3A_294 : memref<!tpu.dma_semaphore, #tpu.memory_space<semaphore_mem>>) src(%dma_wait3A_321 : memref<10000x256xf32, #tpu.memory_space<hbm>>) dst(%dma_wait3A_311 : memref<128x256xf32, #tpu.memory_space<vmem>>)
            tpu.yield
          }) : () -> ()
          "tpu.trace_stop"() : () -> ()
          %ne3A_230 = arith.cmpi ne, %add3A_155, %add3A_173 : i32
          %or3A_231 = arith.constant false
          %or3A_232 = arith.ori %or3A_231, %ne3A_230 : i1
          %or3A_233 = arith.ori %or3A_232, %eq3A_154 : i1
          %convert_element_type3A_234 = arith.extui %or3A_233 : i1 to i32
          %cond3A_235 = arith.constant 0 : i32
          %cond3A_236 = arith.cmpi ne, %convert_element_type3A_234, %cond3A_235 : i32
          scf.if %cond3A_236 {
          } else {
          }
          %and3A_237 = arith.constant false
          %and3A_238 = arith.andi %or3A_233, %and3A_237 : i1
          %ne3A_239 = arith.cmpi ne, %add3A_155, %add3A_173 : i32
          %or3A_240 = arith.constant false
          %or3A_241 = arith.ori %or3A_240, %ne3A_239 : i1
          %or3A_242 = arith.constant false
          %or3A_243 = arith.ori %or3A_241, %or3A_242 : i1
          %or3A_244 = arith.ori %or3A_243, %eq3A_154 : i1
          %convert_element_type3A_245 = arith.extui %or3A_244 : i1 to i32
          %cond3A_246 = arith.constant 0 : i32
          %cond3A_247 = arith.cmpi ne, %convert_element_type3A_245, %cond3A_246 : i32
          scf.if %cond3A_247 {
            "tpu.trace_start"() <{level = 10 : i32, message = "ep_copy_out"}> : () -> ()
            %rem3A_294 = arith.constant 2 : i32
            %rem3A_295 = arith.remui %while3A_145, %rem3A_294 : i32
            %mul3A_296 = arith.constant 128 : i32
            %mul3A_297 = arith.muli %mul3A_296, %add3A_155 : i32
            %dma_start3A_298 = arith.constant 0 : i32
            %dma_start3A_299 = arith.constant 0 : i32
            %dma_start3A_300 = tpu.memref_slice %run_scoped3A_18[%rem3A_295, %dma_start3A_298, %dma_start3A_299] : memref<2x128x256xf32, #tpu.memory_space<vmem>> -> memref<1x128x256xf32, #tpu.memory_space<vmem>>
            %dma_start3A_301 = tpu.memref_squeeze %dma_start3A_300 : memref<1x128x256xf32, #tpu.memory_space<vmem>> -> memref<128x256xf32, #tpu.memory_space<vmem>>
            %dma_start3A_302 = arith.constant 0 : i32
            %dma_start3A_303 = tpu.memref_slice %arg4[%mul3A_297, %dma_start3A_302] : memref<160000x256xf32, #tpu.memory_space<hbm>> -> memref<128x256xf32, #tpu.memory_space<hbm>>
            %dma_start3A_304 = tpu.memref_slice %run_scoped3A_19[%rem3A_295] : memref<2x!tpu.dma_semaphore, #tpu.memory_space<semaphore_mem>> -> memref<1x!tpu.dma_semaphore, #tpu.memory_space<semaphore_mem>>
            %dma_start3A_305 = tpu.memref_squeeze %dma_start3A_304 : memref<1x!tpu.dma_semaphore, #tpu.memory_space<semaphore_mem>> -> memref<!tpu.dma_semaphore, #tpu.memory_space<semaphore_mem>>
            %dma_start3A_306 = arith.constant 0 : i32
            %dma_start3A_307 = tpu.memref_slice %arg4[%mul3A_297, %dma_start3A_306] : memref<160000x256xf32, #tpu.memory_space<hbm>> -> memref<128x256xf32, #tpu.memory_space<hbm>>
            %dma_start3A_308 = arith.constant 0 : i32
            %dma_start3A_309 = arith.constant 0 : i32
            %dma_start3A_310 = tpu.memref_slice %run_scoped3A_18[%rem3A_295, %dma_start3A_308, %dma_start3A_309] : memref<2x128x256xf32, #tpu.memory_space<vmem>> -> memref<1x128x256xf32, #tpu.memory_space<vmem>>
            %dma_start3A_311 = tpu.memref_squeeze %dma_start3A_310 : memref<1x128x256xf32, #tpu.memory_space<vmem>> -> memref<128x256xf32, #tpu.memory_space<vmem>>
            tpu.enqueue_dma source(%dma_start3A_311 : memref<128x256xf32, #tpu.memory_space<vmem>>) target(%dma_start3A_307 : memref<128x256xf32, #tpu.memory_space<hbm>>) target_semaphore(%dma_start3A_305 : memref<!tpu.dma_semaphore, #tpu.memory_space<semaphore_mem>>)
            "tpu.trace_stop"() : () -> ()
          } else {
          }
          %and3A_248 = arith.constant true
          %and3A_249 = arith.andi %or3A_244, %and3A_248 : i1
          %add3A_250 = arith.constant 1 : i32
          %add3A_251 = arith.addi %while3A_145, %add3A_250 : i32
          %select_n3A_252 = arith.select %and3A_249, %add3A_251, %while3A_145 : i32
          %ne3A_253 = arith.cmpi ne, %add3A_155, %add3A_165 : i32
          %or3A_254 = arith.constant false
          %or3A_255 = arith.ori %or3A_254, %ne3A_253 : i1
          %not3A_256 = arith.constant true
          %not3A_257 = arith.xori %eq3A_151, %not3A_256 : i1
          %and3A_258 = arith.andi %or3A_255, %not3A_257 : i1
          %convert_element_type3A_259 = arith.extui %and3A_258 : i1 to i32
          %cond3A_260 = arith.constant 0 : i32
          %cond3A_261 = arith.cmpi ne, %convert_element_type3A_259, %cond3A_260 : i32
          scf.if %cond3A_261 {
          } else {
          }
          %and3A_262 = arith.constant false
          %and3A_263 = arith.andi %and3A_258, %and3A_262 : i1
          %ne3A_264 = arith.cmpi ne, %add3A_155, %add3A_165 : i32
          %or3A_265 = arith.constant false
          %or3A_266 = arith.ori %or3A_265, %ne3A_264 : i1
          %or3A_267 = arith.constant false
          %or3A_268 = arith.ori %or3A_266, %or3A_267 : i1
          %not3A_269 = arith.constant true
          %not3A_270 = arith.xori %eq3A_151, %not3A_269 : i1
          %and3A_271 = arith.andi %or3A_268, %not3A_270 : i1
          %convert_element_type3A_272 = arith.extui %and3A_271 : i1 to i32
          %cond3A_273 = arith.constant 0 : i32
          %cond3A_274 = arith.cmpi ne, %convert_element_type3A_272, %cond3A_273 : i32
          scf.if %cond3A_274 {
            "tpu.trace_start"() <{level = 10 : i32, message = "ep_wait_out"}> : () -> ()
            %rem3A_294 = arith.constant 2 : i32
            %rem3A_295 = arith.remui %while3A_146, %rem3A_294 : i32
            %mul3A_296 = arith.constant 128 : i32
            %mul3A_297 = arith.muli %mul3A_296, %add3A_165 : i32
            %dma_wait3A = arith.constant 0 : i32
            %dma_wait3A_298 = arith.constant 0 : i32
            %dma_wait3A_299 = tpu.memref_slice %run_scoped3A_18[%rem3A_295, %dma_wait3A, %dma_wait3A_298] : memref<2x128x256xf32, #tpu.memory_space<vmem>> -> memref<1x128x256xf32, #tpu.memory_space<vmem>>
            %dma_wait3A_300 = tpu.memref_squeeze %dma_wait3A_299 : memref<1x128x256xf32, #tpu.memory_space<vmem>> -> memref<128x256xf32, #tpu.memory_space<vmem>>
            %dma_wait3A_301 = arith.constant 0 : i32
            %dma_wait3A_302 = tpu.memref_slice %arg4[%mul3A_297, %dma_wait3A_301] : memref<160000x256xf32, #tpu.memory_space<hbm>> -> memref<128x256xf32, #tpu.memory_space<hbm>>
            %dma_wait3A_303 = tpu.memref_slice %run_scoped3A_19[%rem3A_295] : memref<2x!tpu.dma_semaphore, #tpu.memory_space<semaphore_mem>> -> memref<1x!tpu.dma_semaphore, #tpu.memory_space<semaphore_mem>>
            %dma_wait3A_304 = tpu.memref_squeeze %dma_wait3A_303 : memref<1x!tpu.dma_semaphore, #tpu.memory_space<semaphore_mem>> -> memref<!tpu.dma_semaphore, #tpu.memory_space<semaphore_mem>>
            %dma_wait3A_305 = arith.constant 0 : i32
            %dma_wait3A_306 = tpu.memref_slice %arg4[%mul3A_297, %dma_wait3A_305] : memref<160000x256xf32, #tpu.memory_space<hbm>> -> memref<128x256xf32, #tpu.memory_space<hbm>>
            %dma_wait3A_307 = arith.constant 0 : i32
            %dma_wait3A_308 = arith.constant 0 : i32
            %dma_wait3A_309 = tpu.memref_slice %run_scoped3A_18[%rem3A_295, %dma_wait3A_307, %dma_wait3A_308] : memref<2x128x256xf32, #tpu.memory_space<vmem>> -> memref<1x128x256xf32, #tpu.memory_space<vmem>>
            %dma_wait3A_310 = tpu.memref_squeeze %dma_wait3A_309 : memref<1x128x256xf32, #tpu.memory_space<vmem>> -> memref<128x256xf32, #tpu.memory_space<vmem>>
            tpu.wait_dma2 semaphore(%dma_wait3A_304 : memref<!tpu.dma_semaphore, #tpu.memory_space<semaphore_mem>>) src(%dma_wait3A_310 : memref<128x256xf32, #tpu.memory_space<vmem>>) dst(%dma_wait3A_306 : memref<128x256xf32, #tpu.memory_space<hbm>>)
            "tpu.trace_stop"() : () -> ()
          } else {
          }
          %and3A_275 = arith.constant true
          %and3A_276 = arith.andi %and3A_271, %and3A_275 : i1
          %add3A_277 = arith.constant 1 : i32
          %add3A_278 = arith.addi %while3A_146, %add3A_277 : i32
          %select_n3A_279 = arith.select %and3A_276, %add3A_278, %while3A_146 : i32
          %ne3A_280 = arith.cmpi ne, %add3A_155, %add3A_173 : i32
          %or3A_281 = arith.constant false
          %or3A_282 = arith.ori %or3A_281, %ne3A_280 : i1
          %or3A_283 = arith.ori %or3A_282, %eq3A_154 : i1
          %add3A_284 = arith.constant 1 : i32
          %add3A_285 = arith.addi %while3A_144, %add3A_284 : i32
          %select_n3A_286 = arith.select %or3A_283, %add3A_285, %while3A_144 : i32
          %add3A_287 = arith.constant 1 : i32
          %add3A_288 = arith.addi %while3A_147, %add3A_287 : i32
          %select_n3A_289 = arith.constant true
          %select_n3A_290 = arith.select %select_n3A_289, %add3A_288, %while3A_147 : i32
          %eq3A_291 = arith.cmpi eq, %select_n3A_290, %select_n3A : i32
          %select_n3A_292 = arith.constant 0 : i32
          %select_n3A_293 = arith.select %eq3A_291, %select_n3A_292, %select_n3A_290 : i32
          scf.yield %select_n3A_195, %select_n3A_286, %select_n3A_252, %select_n3A_279, %select_n3A_293 : i32, i32, i32, i32, i32
        }
        %sub3A_91 = arith.constant 1 : i32
        %sub3A_92 = arith.subi %while3A_90#4, %sub3A_91 : i32
        %select_n3A_93 = arith.constant true
        %select_n3A_94 = arith.select %select_n3A_93, %sub3A_92, %while3A_90#4 : i32
        %eq3A_95 = arith.constant -1 : i32
        %eq3A_96 = arith.cmpi eq, %select_n3A_94, %eq3A_95 : i32
        %sub3A_97 = arith.constant 1 : i32
        %sub3A_98 = arith.subi %select_n3A, %sub3A_97 : i32
        %select_n3A_99 = arith.select %eq3A_96, %sub3A_98, %select_n3A_94 : i32
        %sub3A_100 = arith.constant 1 : i32
        %sub3A_101 = arith.subi %mul3A_16, %sub3A_100 : i32
        %mul3A_102 = arith.constant 1 : i32
        %mul3A_103 = arith.muli %mul3A_102, %select_n3A : i32
        %eq3A_104 = arith.constant 0 : i32
        %eq3A_105 = arith.cmpi eq, %sub3A_101, %eq3A_104 : i32
        %sub3A_106 = arith.constant 1 : i32
        %sub3A_107 = arith.subi %mul3A_103, %sub3A_106 : i32
        %eq3A_108 = arith.cmpi eq, %sub3A_101, %sub3A_107 : i32
        %add3A_109 = arith.addi %select_n3A_99, %select_n3A_14 : i32
        %sub3A_110 = arith.constant 1 : i32
        %sub3A_111 = arith.subi %select_n3A_99, %sub3A_110 : i32
        %select_n3A_112 = arith.constant true
        %select_n3A_113 = arith.select %select_n3A_112, %sub3A_111, %select_n3A_99 : i32
        %eq3A_114 = arith.constant -1 : i32
        %eq3A_115 = arith.cmpi eq, %select_n3A_113, %eq3A_114 : i32
        %sub3A_116 = arith.constant 1 : i32
        %sub3A_117 = arith.subi %select_n3A, %sub3A_116 : i32
        %select_n3A_118 = arith.select %eq3A_115, %sub3A_117, %select_n3A_113 : i32
        %add3A_119 = arith.addi %select_n3A_118, %select_n3A_14 : i32
        %add3A_120 = arith.constant 1 : i32
        %add3A_121 = arith.addi %select_n3A_99, %add3A_120 : i32
        %select_n3A_122 = arith.constant true
        %select_n3A_123 = arith.select %select_n3A_122, %add3A_121, %select_n3A_99 : i32
        %eq3A_124 = arith.cmpi eq, %select_n3A_123, %select_n3A : i32
        %select_n3A_125 = arith.constant 0 : i32
        %select_n3A_126 = arith.select %eq3A_124, %select_n3A_125, %select_n3A_123 : i32
        %add3A_127 = arith.addi %select_n3A_126, %select_n3A_14 : i32
        %add3A_128 = arith.constant 1 : i32
        %add3A_129 = arith.addi %select_n3A_126, %add3A_128 : i32
        %select_n3A_130 = arith.constant true
        %select_n3A_131 = arith.select %select_n3A_130, %add3A_129, %select_n3A_126 : i32
        %eq3A_132 = arith.cmpi eq, %select_n3A_131, %select_n3A : i32
        %select_n3A_133 = arith.constant 0 : i32
        %select_n3A_134 = arith.select %eq3A_132, %select_n3A_133, %select_n3A_131 : i32
        %add3A_135 = arith.addi %select_n3A_134, %select_n3A_14 : i32
        %convert_element_type3A_136 = arith.extui %eq3A_108 : i1 to i32
        %cond3A_137 = arith.constant 0 : i32
        %cond3A_138 = arith.cmpi ne, %convert_element_type3A_136, %cond3A_137 : i32
        scf.if %cond3A_138 {
        } else {
        }
        %convert_element_type3A_139 = arith.extui %eq3A_108 : i1 to i32
        %cond3A_140 = arith.constant 0 : i32
        %cond3A_141 = arith.cmpi ne, %convert_element_type3A_139, %cond3A_140 : i32
        scf.if %cond3A_141 {
          "tpu.trace_start"() <{level = 10 : i32, message = "ep_finalize"}> : () -> ()
          %rem3A_142 = arith.constant 2 : i32
          %rem3A_143 = arith.remui %while3A_90#3, %rem3A_142 : i32
          %mul3A_144 = arith.constant 128 : i32
          %mul3A_145 = arith.muli %mul3A_144, %add3A_109 : i32
          %dma_wait3A = arith.constant 0 : i32
          %dma_wait3A_146 = arith.constant 0 : i32
          %dma_wait3A_147 = tpu.memref_slice %run_scoped3A_18[%rem3A_143, %dma_wait3A, %dma_wait3A_146] : memref<2x128x256xf32, #tpu.memory_space<vmem>> -> memref<1x128x256xf32, #tpu.memory_space<vmem>>
          %dma_wait3A_148 = tpu.memref_squeeze %dma_wait3A_147 : memref<1x128x256xf32, #tpu.memory_space<vmem>> -> memref<128x256xf32, #tpu.memory_space<vmem>>
          %dma_wait3A_149 = arith.constant 0 : i32
          %dma_wait3A_150 = tpu.memref_slice %arg4[%mul3A_145, %dma_wait3A_149] : memref<160000x256xf32, #tpu.memory_space<hbm>> -> memref<128x256xf32, #tpu.memory_space<hbm>>
          %dma_wait3A_151 = tpu.memref_slice %run_scoped3A_19[%rem3A_143] : memref<2x!tpu.dma_semaphore, #tpu.memory_space<semaphore_mem>> -> memref<1x!tpu.dma_semaphore, #tpu.memory_space<semaphore_mem>>
          %dma_wait3A_152 = tpu.memref_squeeze %dma_wait3A_151 : memref<1x!tpu.dma_semaphore, #tpu.memory_space<semaphore_mem>> -> memref<!tpu.dma_semaphore, #tpu.memory_space<semaphore_mem>>
          %dma_wait3A_153 = arith.constant 0 : i32
          %dma_wait3A_154 = tpu.memref_slice %arg4[%mul3A_145, %dma_wait3A_153] : memref<160000x256xf32, #tpu.memory_space<hbm>> -> memref<128x256xf32, #tpu.memory_space<hbm>>
          %dma_wait3A_155 = arith.constant 0 : i32
          %dma_wait3A_156 = arith.constant 0 : i32
          %dma_wait3A_157 = tpu.memref_slice %run_scoped3A_18[%rem3A_143, %dma_wait3A_155, %dma_wait3A_156] : memref<2x128x256xf32, #tpu.memory_space<vmem>> -> memref<1x128x256xf32, #tpu.memory_space<vmem>>
          %dma_wait3A_158 = tpu.memref_squeeze %dma_wait3A_157 : memref<1x128x256xf32, #tpu.memory_space<vmem>> -> memref<128x256xf32, #tpu.memory_space<vmem>>
          tpu.wait_dma2 semaphore(%dma_wait3A_152 : memref<!tpu.dma_semaphore, #tpu.memory_space<semaphore_mem>>) src(%dma_wait3A_158 : memref<128x256xf32, #tpu.memory_space<vmem>>) dst(%dma_wait3A_154 : memref<128x256xf32, #tpu.memory_space<hbm>>)
          "tpu.trace_stop"() : () -> ()
        } else {
        }
      } else {
      }
      tpu.yield
    }) : () -> ()
    return
  }
}

module attributes {stable_mosaic.version = 14 : i64} {
  func.func @_k1_body(%arg0: i32, %arg1: memref<1000x256xf32, #tpu.memory_space<vmem>>, %arg2: memref<256x256xf32, #tpu.memory_space<vmem>>, %arg3: memref<256x256xf32, #tpu.memory_space<vmem>>, %arg4: memref<1x256xf32, #tpu.memory_space<vmem>>, %arg5: memref<1000x256xf32, #tpu.memory_space<vmem>>, %arg6: memref<1000x256xf32, #tpu.memory_space<vmem>>) attributes {dimension_semantics = [#tpu.dimension_semantics<arbitrary>], iteration_bounds = array<i64: 10>, scalar_prefetch = 0 : i64, scratch_operands = 0 : i64, tpu.core_type = #tpu.core_type<tc>, window_params = [{transform_indices = @transform_0, window_bounds = array<i64: 1000, 256>}, {pipeline_mode = #tpu.pipeline_mode<synchronous>, transform_indices = @transform_1, window_bounds = array<i64: 256, 256>}, {pipeline_mode = #tpu.pipeline_mode<synchronous>, transform_indices = @transform_2, window_bounds = array<i64: 256, 256>}, {pipeline_mode = #tpu.pipeline_mode<synchronous>, transform_indices = @transform_3, window_bounds = array<i64: 1, 256>}, {transform_indices = @transform_4, window_bounds = array<i64: 1000, 256>}, {transform_indices = @transform_5, window_bounds = array<i64: 1000, 256>}]} {
    %get3A = arith.constant 0 : index
    %get3A_0 = arith.constant 0 : index
    %get3A_1 = vector.load %arg1[%get3A, %get3A_0] : memref<1000x256xf32, #tpu.memory_space<vmem>>, vector<1000x256xf32>
    %get3A_2 = arith.constant 0 : index
    %get3A_3 = arith.constant 0 : index
    %get3A_4 = vector.load %arg2[%get3A_2, %get3A_3] : memref<256x256xf32, #tpu.memory_space<vmem>>, vector<256x256xf32>
    %dot_general3A = arith.constant dense<0.000000e+00> : vector<1000x256xf32>
    %dot_general3A_5 = tpu.matmul %get3A_1, %get3A_4, %dot_general3A {dimension_numbers = #tpu.dot_dimension_numbers<[1], [0], [0], [1], [0, 0, 1, 1], [], []>, transpose_lhs_hint = false} : vector<1000x256xf32>, vector<256x256xf32>, vector<1000x256xf32> -> vector<1000x256xf32>
    %get3A_6 = arith.constant 0 : index
    %get3A_7 = arith.constant 0 : index
    %get3A_8 = vector.load %arg4[%get3A_6, %get3A_7] : memref<1x256xf32, #tpu.memory_space<vmem>>, vector<1x256xf32>
    %add3A = vector.broadcast %get3A_8 : vector<1x256xf32> to vector<1000x256xf32>
    %add3A_9 = arith.addf %dot_general3A_5, %add3A : vector<1000x256xf32>
    %swap3A = arith.constant 0 : index
    %swap3A_10 = arith.constant 0 : index
    %swap3A_11 = vector.load %arg5[%swap3A, %swap3A_10] : memref<1000x256xf32, #tpu.memory_space<vmem>>, vector<1000x256xf32>
    tpu.vector_store %arg5[%swap3A, %swap3A_10], %add3A_9 {strides = array<i32>} : memref<1000x256xf32, #tpu.memory_space<vmem>>, vector<1000x256xf32>,
    %get3A_12 = arith.constant 0 : index
    %get3A_13 = arith.constant 0 : index
    %get3A_14 = vector.load %arg3[%get3A_12, %get3A_13] : memref<256x256xf32, #tpu.memory_space<vmem>>, vector<256x256xf32>
    %dot_general3A_15 = arith.constant dense<0.000000e+00> : vector<1000x256xf32>
    %dot_general3A_16 = tpu.matmul %get3A_1, %get3A_14, %dot_general3A_15 {dimension_numbers = #tpu.dot_dimension_numbers<[1], [0], [0], [1], [0, 0, 1, 1], [], []>, transpose_lhs_hint = false} : vector<1000x256xf32>, vector<256x256xf32>, vector<1000x256xf32> -> vector<1000x256xf32>
    %swap3A_17 = arith.constant 0 : index
    %swap3A_18 = arith.constant 0 : index
    %swap3A_19 = vector.load %arg6[%swap3A_17, %swap3A_18] : memref<1000x256xf32, #tpu.memory_space<vmem>>, vector<1000x256xf32>
    tpu.vector_store %arg6[%swap3A_17, %swap3A_18], %dot_general3A_16 {strides = array<i32>} : memref<1000x256xf32, #tpu.memory_space<vmem>>, vector<1000x256xf32>,
    return
  }
  func.func @transform_0(%arg0: i32) -> (i32, i32) {
    %c0_i32 = arith.constant 0 : i32
    %c0_i32_0 = arith.constant 0 : i32
    return %arg0, %c0_i32 : i32, i32
  }
  func.func @transform_1(%arg0: i32) -> (i32, i32) {
    %c0_i32 = arith.constant 0 : i32
    %c0_i32_0 = arith.constant 0 : i32
    %c0_i32_1 = arith.constant 0 : i32
    return %c0_i32, %c0_i32_0 : i32, i32
  }
  func.func @transform_2(%arg0: i32) -> (i32, i32) {
    %c0_i32 = arith.constant 0 : i32
    %c0_i32_0 = arith.constant 0 : i32
    %c0_i32_1 = arith.constant 0 : i32
    return %c0_i32, %c0_i32_0 : i32, i32
  }
  func.func @transform_3(%arg0: i32) -> (i32, i32) {
    %c0_i32 = arith.constant 0 : i32
    %c0_i32_0 = arith.constant 0 : i32
    %c0_i32_1 = arith.constant 0 : i32
    return %c0_i32, %c0_i32_0 : i32, i32
  }
  func.func @transform_4(%arg0: i32) -> (i32, i32) {
    %c0_i32 = arith.constant 0 : i32
    %c0_i32_0 = arith.constant 0 : i32
    return %arg0, %c0_i32 : i32, i32
  }
  func.func @transform_5(%arg0: i32) -> (i32, i32) {
    %c0_i32 = arith.constant 0 : i32
    %c0_i32_0 = arith.constant 0 : i32
    return %arg0, %c0_i32 : i32, i32
  }
}

module attributes {stable_mosaic.version = 14 : i64} {
  func.func @_k3_body(%arg0: i32, %arg1: memref<640x256xf32, #tpu.memory_space<vmem>>, %arg2: memref<640x256xf32, #tpu.memory_space<vmem>>, %arg3: memref<640x16xf32, #tpu.memory_space<vmem>>, %arg4: memref<640x16xf32, #tpu.memory_space<vmem>>, %arg5: memref<16x256xf32, #tpu.memory_space<vmem>>, %arg6: memref<1x256xf32, #tpu.memory_space<vmem>>, %arg7: memref<256x256xf32, #tpu.memory_space<vmem>>, %arg8: memref<1x256xf32, #tpu.memory_space<vmem>>, %arg9: memref<256x256xf32, #tpu.memory_space<vmem>>, %arg10: memref<1x256xf32, #tpu.memory_space<vmem>>, %arg11: memref<1x256xf32, #tpu.memory_space<vmem>>, %arg12: memref<640x384xf32, #tpu.memory_space<vmem>>) attributes {dimension_semantics = [#tpu.dimension_semantics<arbitrary>], iteration_bounds = array<i64: 250>, scalar_prefetch = 0 : i64, scratch_operands = 0 : i64, tpu.core_type = #tpu.core_type<tc>, window_params = [{transform_indices = @transform_0, window_bounds = array<i64: 640, 256>}, {transform_indices = @transform_1, window_bounds = array<i64: 640, 256>}, {transform_indices = @transform_2, window_bounds = array<i64: 640, 16>}, {transform_indices = @transform_3, window_bounds = array<i64: 640, 16>}, {pipeline_mode = #tpu.pipeline_mode<synchronous>, transform_indices = @transform_4, window_bounds = array<i64: 16, 256>}, {pipeline_mode = #tpu.pipeline_mode<synchronous>, transform_indices = @transform_5, window_bounds = array<i64: 1, 256>}, {pipeline_mode = #tpu.pipeline_mode<synchronous>, transform_indices = @transform_6, window_bounds = array<i64: 256, 256>}, {pipeline_mode = #tpu.pipeline_mode<synchronous>, transform_indices = @transform_7, window_bounds = array<i64: 1, 256>}, {pipeline_mode = #tpu.pipeline_mode<synchronous>, transform_indices = @transform_8, window_bounds = array<i64: 256, 256>}, {pipeline_mode = #tpu.pipeline_mode<synchronous>, transform_indices = @transform_9, window_bounds = array<i64: 1, 256>}, {pipeline_mode = #tpu.pipeline_mode<synchronous>, transform_indices = @transform_10, window_bounds = array<i64: 1, 256>}, {transform_indices = @transform_11, window_bounds = array<i64: 640, 384>}]} {
    %get3A = arith.constant 0 : index
    %get3A_0 = arith.constant 0 : index
    %get3A_1 = vector.load %arg3[%get3A, %get3A_0] : memref<640x16xf32, #tpu.memory_space<vmem>>, vector<640x16xf32>
    %slice3A = vector.extract_strided_slice %get3A_1 {offsets = [0, 2], sizes = [640, 1], strides = [1, 1]} : vector<640x16xf32> to vector<640x1xf32>
    %get3A_2 = arith.constant 0 : index
    %get3A_3 = arith.constant 0 : index
    %get3A_4 = vector.load %arg1[%get3A_2, %get3A_3] : memref<640x256xf32, #tpu.memory_space<vmem>>, vector<640x256xf32>
    %get3A_5 = arith.constant 0 : index
    %get3A_6 = arith.constant 0 : index
    %get3A_7 = vector.load %arg2[%get3A_5, %get3A_6] : memref<640x256xf32, #tpu.memory_space<vmem>>, vector<640x256xf32>
    %add3A = arith.addf %get3A_4, %get3A_7 : vector<640x256xf32>
    %get3A_8 = arith.constant 0 : index
    %get3A_9 = arith.constant 0 : index
    %get3A_10 = vector.load %arg6[%get3A_8, %get3A_9] : memref<1x256xf32, #tpu.memory_space<vmem>>, vector<1x256xf32>
    %mul3A = vector.broadcast %slice3A : vector<640x1xf32> to vector<640x256xf32>
    %mul3A_11 = vector.broadcast %get3A_10 : vector<1x256xf32> to vector<640x256xf32>
    %mul3A_12 = arith.mulf %mul3A, %mul3A_11 : vector<640x256xf32>
    %add3A_13 = arith.addf %add3A, %mul3A_12 : vector<640x256xf32>
    %get3A_14 = arith.constant 0 : index
    %get3A_15 = arith.constant 0 : index
    %get3A_16 = vector.load %arg4[%get3A_14, %get3A_15] : memref<640x16xf32, #tpu.memory_space<vmem>>, vector<640x16xf32>
    %get3A_17 = arith.constant 0 : index
    %get3A_18 = arith.constant 0 : index
    %get3A_19 = vector.load %arg5[%get3A_17, %get3A_18] : memref<16x256xf32, #tpu.memory_space<vmem>>, vector<16x256xf32>
    %dot_general3A = arith.constant dense<0.000000e+00> : vector<640x256xf32>
    %dot_general3A_20 = tpu.matmul %get3A_16, %get3A_19, %dot_general3A {dimension_numbers = #tpu.dot_dimension_numbers<[1], [0], [0], [1], [0, 0, 1, 1], [], []>, transpose_lhs_hint = false} : vector<640x16xf32>, vector<16x256xf32>, vector<640x256xf32> -> vector<640x256xf32>
    %add3A_21 = arith.addf %add3A_13, %dot_general3A_20 : vector<640x256xf32>
    %gt3A = arith.constant 0.000000e+00 : f32
    %gt3A_22 = vector.broadcast %gt3A : f32 to vector<640x256xf32>
    %gt3A_23 = arith.cmpf ogt, %add3A_21, %gt3A_22 : vector<640x256xf32>
    %mul3A_24 = arith.constant 0.00999999977 : f32
    %mul3A_25 = vector.broadcast %mul3A_24 : f32 to vector<640x256xf32>
    %mul3A_26 = arith.mulf %mul3A_25, %add3A_21 : vector<640x256xf32>
    %select_n3A = arith.select %gt3A_23, %add3A_21, %mul3A_26 : vector<640x256xi1>, vector<640x256xf32>
    %get3A_27 = arith.constant 0 : index
    %get3A_28 = arith.constant 0 : index
    %get3A_29 = vector.load %arg7[%get3A_27, %get3A_28] : memref<256x256xf32, #tpu.memory_space<vmem>>, vector<256x256xf32>
    %dot_general3A_30 = arith.constant dense<0.000000e+00> : vector<640x256xf32>
    %dot_general3A_31 = tpu.matmul %select_n3A, %get3A_29, %dot_general3A_30 {dimension_numbers = #tpu.dot_dimension_numbers<[1], [0], [0], [1], [0, 0, 1, 1], [], []>, transpose_lhs_hint = false} : vector<640x256xf32>, vector<256x256xf32>, vector<640x256xf32> -> vector<640x256xf32>
    %get3A_32 = arith.constant 0 : index
    %get3A_33 = arith.constant 0 : index
    %get3A_34 = vector.load %arg8[%get3A_32, %get3A_33] : memref<1x256xf32, #tpu.memory_space<vmem>>, vector<1x256xf32>
    %add3A_35 = vector.broadcast %get3A_34 : vector<1x256xf32> to vector<640x256xf32>
    %add3A_36 = arith.addf %dot_general3A_31, %add3A_35 : vector<640x256xf32>
    %gt3A_37 = arith.constant 0.000000e+00 : f32
    %gt3A_38 = vector.broadcast %gt3A_37 : f32 to vector<640x256xf32>
    %gt3A_39 = arith.cmpf ogt, %add3A_36, %gt3A_38 : vector<640x256xf32>
    %mul3A_40 = arith.constant 0.00999999977 : f32
    %mul3A_41 = vector.broadcast %mul3A_40 : f32 to vector<640x256xf32>
    %mul3A_42 = arith.mulf %mul3A_41, %add3A_36 : vector<640x256xf32>
    %select_n3A_43 = arith.select %gt3A_39, %add3A_36, %mul3A_42 : vector<640x256xi1>, vector<640x256xf32>
    %get3A_44 = arith.constant 0 : index
    %get3A_45 = arith.constant 0 : index
    %get3A_46 = vector.load %arg9[%get3A_44, %get3A_45] : memref<256x256xf32, #tpu.memory_space<vmem>>, vector<256x256xf32>
    %dot_general3A_47 = arith.constant dense<0.000000e+00> : vector<640x256xf32>
    %dot_general3A_48 = tpu.matmul %select_n3A_43, %get3A_46, %dot_general3A_47 {dimension_numbers = #tpu.dot_dimension_numbers<[1], [0], [0], [1], [0, 0, 1, 1], [], []>, transpose_lhs_hint = false} : vector<640x256xf32>, vector<256x256xf32>, vector<640x256xf32> -> vector<640x256xf32>
    %get3A_49 = arith.constant 0 : index
    %get3A_50 = arith.constant 0 : index
    %get3A_51 = vector.load %arg10[%get3A_49, %get3A_50] : memref<1x256xf32, #tpu.memory_space<vmem>>, vector<1x256xf32>
    %add3A_52 = vector.broadcast %get3A_51 : vector<1x256xf32> to vector<640x256xf32>
    %add3A_53 = arith.addf %dot_general3A_48, %add3A_52 : vector<640x256xf32>
    %gt3A_54 = arith.constant 0.000000e+00 : f32
    %gt3A_55 = vector.broadcast %gt3A_54 : f32 to vector<640x256xf32>
    %gt3A_56 = arith.cmpf ogt, %add3A_53, %gt3A_55 : vector<640x256xf32>
    %mul3A_57 = arith.constant 0.00999999977 : f32
    %mul3A_58 = vector.broadcast %mul3A_57 : f32 to vector<640x256xf32>
    %mul3A_59 = arith.mulf %mul3A_58, %add3A_53 : vector<640x256xf32>
    %select_n3A_60 = arith.select %gt3A_56, %add3A_53, %mul3A_59 : vector<640x256xi1>, vector<640x256xf32>
    %get3A_61 = arith.constant 0 : index
    %get3A_62 = arith.constant 0 : index
    %get3A_63 = vector.load %arg11[%get3A_61, %get3A_62] : memref<1x256xf32, #tpu.memory_space<vmem>>, vector<1x256xf32>
    %mul3A_64 = vector.broadcast %get3A_63 : vector<1x256xf32> to vector<640x256xf32>
    %mul3A_65 = arith.mulf %select_n3A_60, %mul3A_64 : vector<640x256xf32>
    %reduce_sum3A = arith.constant dense<0.000000e+00> : vector<640xf32>
    %reduce_sum3A_66 = vector.multi_reduction <add>, %mul3A_65, %reduce_sum3A [1] : vector<640x256xf32> to vector<640xf32>
    %broadcast_in_dim3A = vector.shape_cast %reduce_sum3A_66 : vector<640xf32> to vector<640x1xf32>
    %sqrt3A = math.sqrt %slice3A : vector<640x1xf32>
    %add3A_67 = arith.constant 9.99999993E-9 : f32
    %add3A_68 = vector.broadcast %add3A_67 : f32 to vector<640x1xf32>
    %add3A_69 = arith.addf %sqrt3A, %add3A_68 : vector<640x1xf32>
    %div3A = arith.constant 1.000000e+00 : f32
    %div3A_70 = vector.broadcast %div3A : f32 to vector<640x1xf32>
    %div3A_71 = arith.divf %div3A_70, %add3A_69 : vector<640x1xf32>
    %swap3A = arith.constant 0 : index
    %swap3A_72 = arith.constant 0 : index
    %swap3A_73 = vector.load %arg12[%swap3A, %swap3A_72] : memref<640x384xf32, #tpu.memory_space<vmem>>, vector<640x256xf32>
    tpu.vector_store %arg12[%swap3A, %swap3A_72], %select_n3A_43 {strides = array<i32>} : memref<640x384xf32, #tpu.memory_space<vmem>>, vector<640x256xf32>,
    %mul3A_74 = arith.mulf %broadcast_in_dim3A, %div3A_71 : vector<640x1xf32>
    %mul3A_75 = vector.broadcast %mul3A_74 : vector<640x1xf32> to vector<640x16xf32>
    %mul3A_76 = arith.mulf %get3A_1, %mul3A_75 : vector<640x16xf32>
    %swap3A_77 = arith.constant 0 : index
    %swap3A_78 = arith.constant 256 : index
    %swap3A_79 = vector.load %arg12[%swap3A_77, %swap3A_78] : memref<640x384xf32, #tpu.memory_space<vmem>>, vector<640x16xf32>
    tpu.vector_store %arg12[%swap3A_77, %swap3A_78], %mul3A_76 {strides = array<i32>} : memref<640x384xf32, #tpu.memory_space<vmem>>, vector<640x16xf32>,
    return
  }
  func.func @transform_0(%arg0: i32) -> (i32, i32) {
    %c0_i32 = arith.constant 0 : i32
    %c0_i32_0 = arith.constant 0 : i32
    return %arg0, %c0_i32 : i32, i32
  }
  func.func @transform_1(%arg0: i32) -> (i32, i32) {
    %c0_i32 = arith.constant 0 : i32
    %c0_i32_0 = arith.constant 0 : i32
    return %arg0, %c0_i32 : i32, i32
  }
  func.func @transform_2(%arg0: i32) -> (i32, i32) {
    %c0_i32 = arith.constant 0 : i32
    %c0_i32_0 = arith.constant 0 : i32
    return %arg0, %c0_i32 : i32, i32
  }
  func.func @transform_3(%arg0: i32) -> (i32, i32) {
    %c0_i32 = arith.constant 0 : i32
    %c0_i32_0 = arith.constant 0 : i32
    return %arg0, %c0_i32 : i32, i32
  }
  func.func @transform_4(%arg0: i32) -> (i32, i32) {
    %c0_i32 = arith.constant 0 : i32
    %c0_i32_0 = arith.constant 0 : i32
    %c0_i32_1 = arith.constant 0 : i32
    return %c0_i32, %c0_i32_0 : i32, i32
  }
  func.func @transform_5(%arg0: i32) -> (i32, i32) {
    %c0_i32 = arith.constant 0 : i32
    %c0_i32_0 = arith.constant 0 : i32
    %c0_i32_1 = arith.constant 0 : i32
    return %c0_i32, %c0_i32_0 : i32, i32
  }
  func.func @transform_6(%arg0: i32) -> (i32, i32) {
    %c0_i32 = arith.constant 0 : i32
    %c0_i32_0 = arith.constant 0 : i32
    %c0_i32_1 = arith.constant 0 : i32
    return %c0_i32, %c0_i32_0 : i32, i32
  }
  func.func @transform_7(%arg0: i32) -> (i32, i32) {
    %c0_i32 = arith.constant 0 : i32
    %c0_i32_0 = arith.constant 0 : i32
    %c0_i32_1 = arith.constant 0 : i32
    return %c0_i32, %c0_i32_0 : i32, i32
  }
  func.func @transform_8(%arg0: i32) -> (i32, i32) {
    %c0_i32 = arith.constant 0 : i32
    %c0_i32_0 = arith.constant 0 : i32
    %c0_i32_1 = arith.constant 0 : i32
    return %c0_i32, %c0_i32_0 : i32, i32
  }
  func.func @transform_9(%arg0: i32) -> (i32, i32) {
    %c0_i32 = arith.constant 0 : i32
    %c0_i32_0 = arith.constant 0 : i32
    %c0_i32_1 = arith.constant 0 : i32
    return %c0_i32, %c0_i32_0 : i32, i32
  }
  func.func @transform_10(%arg0: i32) -> (i32, i32) {
    %c0_i32 = arith.constant 0 : i32
    %c0_i32_0 = arith.constant 0 : i32
    %c0_i32_1 = arith.constant 0 : i32
    return %c0_i32, %c0_i32_0 : i32, i32
  }
  func.func @transform_11(%arg0: i32) -> (i32, i32) {
    %c0_i32 = arith.constant 0 : i32
    %c0_i32_0 = arith.constant 0 : i32
    return %arg0, %c0_i32 : i32, i32
  }
}

module attributes {stable_mosaic.version = 14 : i64} {
  func.func @_k4_body(%arg0: i32, %arg1: memref<1x1x2000xi32, #tpu.memory_space<smem>>, %arg2: memref<2000x384xf32, #tpu.memory_space<vmem>>, %arg3: memref<10016x384xf32, #tpu.memory_space<vmem>>) attributes {dimension_semantics = [#tpu.dimension_semantics<arbitrary>], iteration_bounds = array<i64: 80>, scalar_prefetch = 0 : i64, scratch_operands = 0 : i64, tpu.core_type = #tpu.core_type<tc>, window_params = [{transform_indices = @transform_0, window_bounds = array<i64: 1, 1, 2000>}, {transform_indices = @transform_1, window_bounds = array<i64: 2000, 384>}, {pipeline_mode = #tpu.pipeline_mode<synchronous>, transform_indices = @transform_2, window_bounds = array<i64: 10016, 384>}]} {
    %eq3A = arith.constant 0 : i32
    %eq3A_0 = arith.cmpi eq, %arg0, %eq3A : i32
    %convert_element_type3A = arith.extui %eq3A_0 : i1 to i32
    %cond3A = arith.constant 0 : i32
    %cond3A_1 = arith.cmpi ne, %convert_element_type3A, %cond3A : i32
    scf.if %cond3A_1 {
      %broadcast_in_dim3A = arith.constant 0.000000e+00 : f32
      %broadcast_in_dim3A_6 = vector.broadcast %broadcast_in_dim3A : f32 to vector<10016x384xf32>
      %swap3A = arith.constant 0 : index
      %swap3A_7 = arith.constant 0 : index
      %swap3A_8 = vector.load %arg3[%swap3A, %swap3A_7] : memref<10016x384xf32, #tpu.memory_space<vmem>>, vector<10016x384xf32>
      tpu.vector_store %arg3[%swap3A, %swap3A_7], %broadcast_in_dim3A_6 {strides = array<i32>} : memref<10016x384xf32, #tpu.memory_space<vmem>>, vector<10016x384xf32>,
    } else {
    }
    %scan3A = arith.constant 0 : i32
    %scan3A_2 = arith.constant 2000 : i32
    %scan3A_3 = arith.addi %scan3A, %scan3A_2 : i32
    %scan3A_4 = arith.constant 1 : i32
    scf.for %scan3A_6 = %scan3A to %scan3A_3 step %scan3A_4  : i32 {
      %get3A = arith.constant 0 : index
      %get3A_7 = arith.constant 0 : index
      %get3A_8 = arith.index_cast %scan3A_6 : i32 to index
      %get3A_9 = memref.load %arg1[%get3A, %get3A_7, %get3A_8] : memref<1x1x2000xi32, #tpu.memory_space<smem>>
      %get3A_10 = arith.index_cast %get3A_9 : i32 to index
      %get3A_11 = arith.constant 0 : index
      %get3A_12 = vector.load %arg3[%get3A_10, %get3A_11] : memref<10016x384xf32, #tpu.memory_space<vmem>>, vector<1x384xf32>
      %get3A_13 = arith.index_cast %scan3A_6 : i32 to index
      %get3A_14 = arith.constant 0 : index
      %get3A_15 = vector.load %arg2[%get3A_13, %get3A_14] : memref<2000x384xf32, #tpu.memory_space<vmem>>, vector<1x384xf32>
      %add3A = arith.addf %get3A_12, %get3A_15 : vector<1x384xf32>
      %swap3A = arith.index_cast %get3A_9 : i32 to index
      %swap3A_16 = arith.constant 0 : index
      %swap3A_17 = vector.load %arg3[%swap3A, %swap3A_16] : memref<10016x384xf32, #tpu.memory_space<vmem>>, vector<1x384xf32>
      tpu.vector_store %arg3[%swap3A, %swap3A_16], %add3A {strides = array<i32>} : memref<10016x384xf32, #tpu.memory_space<vmem>>, vector<1x384xf32>,
    }
    %scan3A_5 = arith.constant 2000 : i32
    return
  }
  func.func @transform_0(%arg0: i32) -> (i32, i32, i32) {
    %c0_i32 = arith.constant 0 : i32
    %c0_i32_0 = arith.constant 0 : i32
    %c0_i32_1 = arith.constant 0 : i32
    return %arg0, %c0_i32, %c0_i32_0 : i32, i32, i32
  }
  func.func @transform_1(%arg0: i32) -> (i32, i32) {
    %c0_i32 = arith.constant 0 : i32
    %c0_i32_0 = arith.constant 0 : i32
    return %arg0, %c0_i32 : i32, i32
  }
  func.func @transform_2(%arg0: i32) -> (i32, i32) {
    %c0_i32 = arith.constant 0 : i32
    %c0_i32_0 = arith.constant 0 : i32
    %c0_i32_1 = arith.constant 0 : i32
    return %c0_i32, %c0_i32_0 : i32, i32
  }
}

module attributes {stable_mosaic.version = 14 : i64} {
  func.func @_k5_body(%arg0: i32, %arg1: memref<1000x256xf32, #tpu.memory_space<vmem>>, %arg2: memref<1000x256xf32, #tpu.memory_space<vmem>>, %arg3: memref<1000x16xf32, #tpu.memory_space<vmem>>, %arg4: memref<1000x16xf32, #tpu.memory_space<vmem>>, %arg5: memref<256x256xf32, #tpu.memory_space<vmem>>, %arg6: memref<256x256xf32, #tpu.memory_space<vmem>>, %arg7: memref<1x256xf32, #tpu.memory_space<vmem>>, %arg8: memref<256x256xf32, #tpu.memory_space<vmem>>, %arg9: memref<1x256xf32, #tpu.memory_space<vmem>>, %arg10: memref<1000x256xf32, #tpu.memory_space<vmem>>, %arg11: memref<1000x16xf32, #tpu.memory_space<vmem>>, %arg12: memref<8x256xf32, #tpu.memory_space<vmem>>) attributes {dimension_semantics = [#tpu.dimension_semantics<arbitrary>], iteration_bounds = array<i64: 10>, scalar_prefetch = 0 : i64, scratch_operands = 0 : i64, tpu.core_type = #tpu.core_type<tc>, window_params = [{transform_indices = @transform_0, window_bounds = array<i64: 1000, 256>}, {transform_indices = @transform_1, window_bounds = array<i64: 1000, 256>}, {transform_indices = @transform_2, window_bounds = array<i64: 1000, 16>}, {transform_indices = @transform_3, window_bounds = array<i64: 1000, 16>}, {pipeline_mode = #tpu.pipeline_mode<synchronous>, transform_indices = @transform_4, window_bounds = array<i64: 256, 256>}, {pipeline_mode = #tpu.pipeline_mode<synchronous>, transform_indices = @transform_5, window_bounds = array<i64: 256, 256>}, {pipeline_mode = #tpu.pipeline_mode<synchronous>, transform_indices = @transform_6, window_bounds = array<i64: 1, 256>}, {pipeline_mode = #tpu.pipeline_mode<synchronous>, transform_indices = @transform_7, window_bounds = array<i64: 256, 256>}, {pipeline_mode = #tpu.pipeline_mode<synchronous>, transform_indices = @transform_8, window_bounds = array<i64: 1, 256>}, {transform_indices = @transform_9, window_bounds = array<i64: 1000, 256>}, {transform_indices = @transform_10, window_bounds = array<i64: 1000, 16>}, {pipeline_mode = #tpu.pipeline_mode<synchronous>, transform_indices = @transform_11, window_bounds = array<i64: 8, 256>}]} {
    %get3A = arith.constant 0 : index
    %get3A_0 = arith.constant 0 : index
    %get3A_1 = vector.load %arg1[%get3A, %get3A_0] : memref<1000x256xf32, #tpu.memory_space<vmem>>, vector<1000x256xf32>
    %get3A_2 = arith.constant 0 : index
    %get3A_3 = arith.constant 0 : index
    %get3A_4 = vector.load %arg5[%get3A_2, %get3A_3] : memref<256x256xf32, #tpu.memory_space<vmem>>, vector<256x256xf32>
    %dot_general3A = arith.constant dense<0.000000e+00> : vector<1000x256xf32>
    %dot_general3A_5 = tpu.matmul %get3A_1, %get3A_4, %dot_general3A {dimension_numbers = #tpu.dot_dimension_numbers<[1], [0], [0], [1], [0, 0, 1, 1], [], []>, transpose_lhs_hint = false} : vector<1000x256xf32>, vector<256x256xf32>, vector<1000x256xf32> -> vector<1000x256xf32>
    %get3A_6 = arith.constant 0 : index
    %get3A_7 = arith.constant 0 : index
    %get3A_8 = vector.load %arg2[%get3A_6, %get3A_7] : memref<1000x256xf32, #tpu.memory_space<vmem>>, vector<1000x256xf32>
    %get3A_9 = arith.constant 0 : index
    %get3A_10 = arith.constant 0 : index
    %get3A_11 = vector.load %arg6[%get3A_9, %get3A_10] : memref<256x256xf32, #tpu.memory_space<vmem>>, vector<256x256xf32>
    %dot_general3A_12 = arith.constant dense<0.000000e+00> : vector<1000x256xf32>
    %dot_general3A_13 = tpu.matmul %get3A_8, %get3A_11, %dot_general3A_12 {dimension_numbers = #tpu.dot_dimension_numbers<[1], [0], [0], [1], [0, 0, 1, 1], [], []>, transpose_lhs_hint = false} : vector<1000x256xf32>, vector<256x256xf32>, vector<1000x256xf32> -> vector<1000x256xf32>
    %add3A = arith.addf %dot_general3A_5, %dot_general3A_13 : vector<1000x256xf32>
    %get3A_14 = arith.constant 0 : index
    %get3A_15 = arith.constant 0 : index
    %get3A_16 = vector.load %arg7[%get3A_14, %get3A_15] : memref<1x256xf32, #tpu.memory_space<vmem>>, vector<1x256xf32>
    %add3A_17 = vector.broadcast %get3A_16 : vector<1x256xf32> to vector<1000x256xf32>
    %add3A_18 = arith.addf %add3A, %add3A_17 : vector<1000x256xf32>
    %gt3A = arith.constant 0.000000e+00 : f32
    %gt3A_19 = vector.broadcast %gt3A : f32 to vector<1000x256xf32>
    %gt3A_20 = arith.cmpf ogt, %add3A_18, %gt3A_19 : vector<1000x256xf32>
    %mul3A = arith.constant 0.00999999977 : f32
    %mul3A_21 = vector.broadcast %mul3A : f32 to vector<1000x256xf32>
    %mul3A_22 = arith.mulf %mul3A_21, %add3A_18 : vector<1000x256xf32>
    %select_n3A = arith.select %gt3A_20, %add3A_18, %mul3A_22 : vector<1000x256xi1>, vector<1000x256xf32>
    %get3A_23 = arith.constant 0 : index
    %get3A_24 = arith.constant 0 : index
    %get3A_25 = vector.load %arg8[%get3A_23, %get3A_24] : memref<256x256xf32, #tpu.memory_space<vmem>>, vector<256x256xf32>
    %dot_general3A_26 = arith.constant dense<0.000000e+00> : vector<1000x256xf32>
    %dot_general3A_27 = tpu.matmul %select_n3A, %get3A_25, %dot_general3A_26 {dimension_numbers = #tpu.dot_dimension_numbers<[1], [0], [0], [1], [0, 0, 1, 1], [], []>, transpose_lhs_hint = false} : vector<1000x256xf32>, vector<256x256xf32>, vector<1000x256xf32> -> vector<1000x256xf32>
    %get3A_28 = arith.constant 0 : index
    %get3A_29 = arith.constant 0 : index
    %get3A_30 = vector.load %arg9[%get3A_28, %get3A_29] : memref<1x256xf32, #tpu.memory_space<vmem>>, vector<1x256xf32>
    %add3A_31 = vector.broadcast %get3A_30 : vector<1x256xf32> to vector<1000x256xf32>
    %add3A_32 = arith.addf %dot_general3A_27, %add3A_31 : vector<1000x256xf32>
    %get3A_33 = arith.constant 0 : index
    %get3A_34 = arith.constant 0 : index
    %get3A_35 = vector.load %arg3[%get3A_33, %get3A_34] : memref<1000x16xf32, #tpu.memory_space<vmem>>, vector<1000x16xf32>
    %get3A_36 = arith.constant 0 : index
    %get3A_37 = arith.constant 0 : index
    %get3A_38 = vector.load %arg4[%get3A_36, %get3A_37] : memref<1000x16xf32, #tpu.memory_space<vmem>>, vector<1000x16xf32>
    %add3A_39 = arith.addf %get3A_35, %get3A_38 : vector<1000x16xf32>
    %swap3A = arith.constant 0 : index
    %swap3A_40 = arith.constant 0 : index
    %swap3A_41 = vector.load %arg10[%swap3A, %swap3A_40] : memref<1000x256xf32, #tpu.memory_space<vmem>>, vector<1000x256xf32>
    tpu.vector_store %arg10[%swap3A, %swap3A_40], %add3A_32 {strides = array<i32>} : memref<1000x256xf32, #tpu.memory_space<vmem>>, vector<1000x256xf32>,
    %swap3A_42 = arith.constant 0 : index
    %swap3A_43 = arith.constant 0 : index
    %swap3A_44 = vector.load %arg11[%swap3A_42, %swap3A_43] : memref<1000x16xf32, #tpu.memory_space<vmem>>, vector<1000x16xf32>
    tpu.vector_store %arg11[%swap3A_42, %swap3A_43], %add3A_39 {strides = array<i32>} : memref<1000x16xf32, #tpu.memory_space<vmem>>, vector<1000x16xf32>,
    %eq3A = arith.constant 0 : i32
    %eq3A_45 = arith.cmpi eq, %arg0, %eq3A : i32
    %convert_element_type3A = arith.extui %eq3A_45 : i1 to i32
    %cond3A = arith.constant 0 : i32
    %cond3A_46 = arith.cmpi ne, %convert_element_type3A, %cond3A : i32
    scf.if %cond3A_46 {
      %broadcast_in_dim3A_93 = arith.constant 0.000000e+00 : f32
      %broadcast_in_dim3A_94 = vector.broadcast %broadcast_in_dim3A_93 : f32 to vector<8x256xf32>
      %swap3A_95 = arith.constant 0 : index
      %swap3A_96 = arith.constant 0 : index
      %swap3A_97 = vector.load %arg12[%swap3A_95, %swap3A_96] : memref<8x256xf32, #tpu.memory_space<vmem>>, vector<8x256xf32>
      tpu.vector_store %arg12[%swap3A_95, %swap3A_96], %broadcast_in_dim3A_94 {strides = array<i32>} : memref<8x256xf32, #tpu.memory_space<vmem>>, vector<8x256xf32>,
    } else {
    }
    %get3A_47 = arith.constant 0 : index
    %get3A_48 = arith.constant 0 : index
    %get3A_49 = vector.load %arg12[%get3A_47, %get3A_48] : memref<8x256xf32, #tpu.memory_space<vmem>>, vector<1x256xf32>
    %reduce_sum3A = arith.constant dense<0.000000e+00> : vector<256xf32>
    %reduce_sum3A_50 = vector.multi_reduction <add>, %add3A_32, %reduce_sum3A [0] : vector<1000x256xf32> to vector<256xf32>
    %broadcast_in_dim3A = vector.shape_cast %reduce_sum3A_50 : vector<256xf32> to vector<1x256xf32>
    %add3A_51 = arith.addf %get3A_49, %broadcast_in_dim3A : vector<1x256xf32>
    %swap3A_52 = arith.constant 0 : index
    %swap3A_53 = arith.constant 0 : index
    %swap3A_54 = vector.load %arg12[%swap3A_52, %swap3A_53] : memref<8x256xf32, #tpu.memory_space<vmem>>, vector<1x256xf32>
    tpu.vector_store %arg12[%swap3A_52, %swap3A_53], %add3A_51 {strides = array<i32>} : memref<8x256xf32, #tpu.memory_space<vmem>>, vector<1x256xf32>,
    %get3A_55 = arith.constant 1 : index
    %get3A_56 = arith.constant 0 : index
    %get3A_57 = vector.load %arg12[%get3A_55, %get3A_56] : memref<8x256xf32, #tpu.memory_space<vmem>>, vector<1x256xf32>
    %mul3A_58 = arith.mulf %add3A_32, %add3A_32 : vector<1000x256xf32>
    %reduce_sum3A_59 = arith.constant dense<0.000000e+00> : vector<256xf32>
    %reduce_sum3A_60 = vector.multi_reduction <add>, %mul3A_58, %reduce_sum3A_59 [0] : vector<1000x256xf32> to vector<256xf32>
    %broadcast_in_dim3A_61 = vector.shape_cast %reduce_sum3A_60 : vector<256xf32> to vector<1x256xf32>
    %add3A_62 = arith.addf %get3A_57, %broadcast_in_dim3A_61 : vector<1x256xf32>
    %swap3A_63 = arith.constant 1 : index
    %swap3A_64 = arith.constant 0 : index
    %swap3A_65 = vector.load %arg12[%swap3A_63, %swap3A_64] : memref<8x256xf32, #tpu.memory_space<vmem>>, vector<1x256xf32>
    tpu.vector_store %arg12[%swap3A_63, %swap3A_64], %add3A_62 {strides = array<i32>} : memref<8x256xf32, #tpu.memory_space<vmem>>, vector<1x256xf32>,
    %get3A_66 = arith.constant 2 : index
    %get3A_67 = arith.constant 0 : index
    %get3A_68 = vector.load %arg12[%get3A_66, %get3A_67] : memref<8x256xf32, #tpu.memory_space<vmem>>, vector<1x256xf32>
    %reduce_sum3A_69 = arith.constant dense<0.000000e+00> : vector<16xf32>
    %reduce_sum3A_70 = vector.multi_reduction <add>, %add3A_39, %reduce_sum3A_69 [0] : vector<1000x16xf32> to vector<16xf32>
    %broadcast_in_dim3A_71 = vector.shape_cast %reduce_sum3A_70 : vector<16xf32> to vector<1x16xf32>
    %jit3A = arith.constant 0 : i32
    %convert_element_type3A_72 = arith.sitofp %jit3A : i32 to f32
    %pad3A = vector.broadcast %convert_element_type3A_72 : f32 to vector<1x240xf32>
    %pad3A_73 = tpu.concatenate %broadcast_in_dim3A_71, %pad3A in 1 : vector<1x16xf32>, vector<1x240xf32> -> vector<1x256xf32>
    %add3A_74 = arith.addf %get3A_68, %pad3A_73 : vector<1x256xf32>
    %swap3A_75 = arith.constant 2 : index
    %swap3A_76 = arith.constant 0 : index
    %swap3A_77 = vector.load %arg12[%swap3A_75, %swap3A_76] : memref<8x256xf32, #tpu.memory_space<vmem>>, vector<1x256xf32>
    tpu.vector_store %arg12[%swap3A_75, %swap3A_76], %add3A_74 {strides = array<i32>} : memref<8x256xf32, #tpu.memory_space<vmem>>, vector<1x256xf32>,
    %get3A_78 = arith.constant 3 : index
    %get3A_79 = arith.constant 0 : index
    %get3A_80 = vector.load %arg12[%get3A_78, %get3A_79] : memref<8x256xf32, #tpu.memory_space<vmem>>, vector<1x256xf32>
    %mul3A_81 = arith.mulf %add3A_39, %add3A_39 : vector<1000x16xf32>
    %reduce_sum3A_82 = arith.constant dense<0.000000e+00> : vector<16xf32>
    %reduce_sum3A_83 = vector.multi_reduction <add>, %mul3A_81, %reduce_sum3A_82 [0] : vector<1000x16xf32> to vector<16xf32>
    %broadcast_in_dim3A_84 = vector.shape_cast %reduce_sum3A_83 : vector<16xf32> to vector<1x16xf32>
    %jit3A_85 = arith.constant 0 : i32
    %convert_element_type3A_86 = arith.sitofp %jit3A_85 : i32 to f32
    %pad3A_87 = vector.broadcast %convert_element_type3A_86 : f32 to vector<1x240xf32>
    %pad3A_88 = tpu.concatenate %broadcast_in_dim3A_84, %pad3A_87 in 1 : vector<1x16xf32>, vector<1x240xf32> -> vector<1x256xf32>
    %add3A_89 = arith.addf %get3A_80, %pad3A_88 : vector<1x256xf32>
    %swap3A_90 = arith.constant 3 : index
    %swap3A_91 = arith.constant 0 : index
    %swap3A_92 = vector.load %arg12[%swap3A_90, %swap3A_91] : memref<8x256xf32, #tpu.memory_space<vmem>>, vector<1x256xf32>
    tpu.vector_store %arg12[%swap3A_90, %swap3A_91], %add3A_89 {strides = array<i32>} : memref<8x256xf32, #tpu.memory_space<vmem>>, vector<1x256xf32>,
    return
  }
  func.func @transform_0(%arg0: i32) -> (i32, i32) {
    %c0_i32 = arith.constant 0 : i32
    %c0_i32_0 = arith.constant 0 : i32
    return %arg0, %c0_i32 : i32, i32
  }
  func.func @transform_1(%arg0: i32) -> (i32, i32) {
    %c0_i32 = arith.constant 0 : i32
    %c0_i32_0 = arith.constant 0 : i32
    return %arg0, %c0_i32 : i32, i32
  }
  func.func @transform_2(%arg0: i32) -> (i32, i32) {
    %c0_i32 = arith.constant 0 : i32
    %c0_i32_0 = arith.constant 0 : i32
    return %arg0, %c0_i32 : i32, i32
  }
  func.func @transform_3(%arg0: i32) -> (i32, i32) {
    %c0_i32 = arith.constant 0 : i32
    %c0_i32_0 = arith.constant 0 : i32
    return %arg0, %c0_i32 : i32, i32
  }
  func.func @transform_4(%arg0: i32) -> (i32, i32) {
    %c0_i32 = arith.constant 0 : i32
    %c0_i32_0 = arith.constant 0 : i32
    %c0_i32_1 = arith.constant 0 : i32
    return %c0_i32, %c0_i32_0 : i32, i32
  }
  func.func @transform_5(%arg0: i32) -> (i32, i32) {
    %c0_i32 = arith.constant 0 : i32
    %c0_i32_0 = arith.constant 0 : i32
    %c0_i32_1 = arith.constant 0 : i32
    return %c0_i32, %c0_i32_0 : i32, i32
  }
  func.func @transform_6(%arg0: i32) -> (i32, i32) {
    %c0_i32 = arith.constant 0 : i32
    %c0_i32_0 = arith.constant 0 : i32
    %c0_i32_1 = arith.constant 0 : i32
    return %c0_i32, %c0_i32_0 : i32, i32
  }
  func.func @transform_7(%arg0: i32) -> (i32, i32) {
    %c0_i32 = arith.constant 0 : i32
    %c0_i32_0 = arith.constant 0 : i32
    %c0_i32_1 = arith.constant 0 : i32
    return %c0_i32, %c0_i32_0 : i32, i32
  }
  func.func @transform_8(%arg0: i32) -> (i32, i32) {
    %c0_i32 = arith.constant 0 : i32
    %c0_i32_0 = arith.constant 0 : i32
    %c0_i32_1 = arith.constant 0 : i32
    return %c0_i32, %c0_i32_0 : i32, i32
  }
  func.func @transform_9(%arg0: i32) -> (i32, i32) {
    %c0_i32 = arith.constant 0 : i32
    %c0_i32_0 = arith.constant 0 : i32
    return %arg0, %c0_i32 : i32, i32
  }
  func.func @transform_10(%arg0: i32) -> (i32, i32) {
    %c0_i32 = arith.constant 0 : i32
    %c0_i32_0 = arith.constant 0 : i32
    return %arg0, %c0_i32 : i32, i32
  }
  func.func @transform_11(%arg0: i32) -> (i32, i32) {
    %c0_i32 = arith.constant 0 : i32
    %c0_i32_0 = arith.constant 0 : i32
    %c0_i32_1 = arith.constant 0 : i32
    return %c0_i32, %c0_i32_0 : i32, i32
  }
}

module attributes {stable_mosaic.version = 14 : i64} {
  func.func @_k6_body(%arg0: i32, %arg1: memref<1xf32, #tpu.memory_space<smem>>, %arg2: memref<1000x256xf32, #tpu.memory_space<vmem>>, %arg3: memref<1000x16xf32, #tpu.memory_space<vmem>>, %arg4: memref<8x256xf32, #tpu.memory_space<vmem>>, %arg5: memref<1x256xf32, #tpu.memory_space<vmem>>, %arg6: memref<1x256xf32, #tpu.memory_space<vmem>>, %arg7: memref<1x16xf32, #tpu.memory_space<vmem>>, %arg8: memref<1x16xf32, #tpu.memory_space<vmem>>, %arg9: memref<1000x256xf32, #tpu.memory_space<vmem>>, %arg10: memref<1000x16xf32, #tpu.memory_space<vmem>>) attributes {dimension_semantics = [#tpu.dimension_semantics<arbitrary>], iteration_bounds = array<i64: 10>, scalar_prefetch = 0 : i64, scratch_operands = 0 : i64, tpu.core_type = #tpu.core_type<tc>, window_params = [{transform_indices = @transform_0, window_bounds = array<i64: 1>}, {transform_indices = @transform_1, window_bounds = array<i64: 1000, 256>}, {transform_indices = @transform_2, window_bounds = array<i64: 1000, 16>}, {pipeline_mode = #tpu.pipeline_mode<synchronous>, transform_indices = @transform_3, window_bounds = array<i64: 8, 256>}, {pipeline_mode = #tpu.pipeline_mode<synchronous>, transform_indices = @transform_4, window_bounds = array<i64: 1, 256>}, {pipeline_mode = #tpu.pipeline_mode<synchronous>, transform_indices = @transform_5, window_bounds = array<i64: 1, 256>}, {pipeline_mode = #tpu.pipeline_mode<synchronous>, transform_indices = @transform_6, window_bounds = array<i64: 1, 16>}, {pipeline_mode = #tpu.pipeline_mode<synchronous>, transform_indices = @transform_7, window_bounds = array<i64: 1, 16>}, {transform_indices = @transform_8, window_bounds = array<i64: 1000, 256>}, {transform_indices = @transform_9, window_bounds = array<i64: 1000, 16>}]} {
    %get3A = arith.constant 0 : index
    %get3A_0 = memref.load %arg1[%get3A] : memref<1xf32, #tpu.memory_space<smem>>
    %get3A_1 = arith.constant 0 : index
    %get3A_2 = arith.constant 0 : index
    %get3A_3 = vector.load %arg4[%get3A_1, %get3A_2] : memref<8x256xf32, #tpu.memory_space<vmem>>, vector<8x256xf32>
    %slice3A = vector.extract_strided_slice %get3A_3 {offsets = [0, 0], sizes = [1, 256], strides = [1, 1]} : vector<8x256xf32> to vector<1x256xf32>
    %mul3A = vector.broadcast %get3A_0 : f32 to vector<1x256xf32>
    %mul3A_4 = arith.mulf %slice3A, %mul3A : vector<1x256xf32>
    %slice3A_5 = vector.extract_strided_slice %get3A_3 {offsets = [1, 0], sizes = [1, 256], strides = [1, 1]} : vector<8x256xf32> to vector<1x256xf32>
    %mul3A_6 = vector.broadcast %get3A_0 : f32 to vector<1x256xf32>
    %mul3A_7 = arith.mulf %slice3A_5, %mul3A_6 : vector<1x256xf32>
    %mul3A_8 = arith.mulf %mul3A_4, %mul3A_4 : vector<1x256xf32>
    %sub3A = arith.subf %mul3A_7, %mul3A_8 : vector<1x256xf32>
    %add3A = arith.constant 9.99999974E-6 : f32
    %add3A_9 = vector.broadcast %add3A : f32 to vector<1x256xf32>
    %add3A_10 = arith.addf %sub3A, %add3A_9 : vector<1x256xf32>
    %rsqrt3A = math.rsqrt %add3A_10 : vector<1x256xf32>
    %get3A_11 = arith.constant 0 : index
    %get3A_12 = arith.constant 0 : index
    %get3A_13 = vector.load %arg2[%get3A_11, %get3A_12] : memref<1000x256xf32, #tpu.memory_space<vmem>>, vector<1000x256xf32>
    %sub3A_14 = vector.broadcast %mul3A_4 : vector<1x256xf32> to vector<1000x256xf32>
    %sub3A_15 = arith.subf %get3A_13, %sub3A_14 : vector<1000x256xf32>
    %mul3A_16 = vector.broadcast %rsqrt3A : vector<1x256xf32> to vector<1000x256xf32>
    %mul3A_17 = arith.mulf %sub3A_15, %mul3A_16 : vector<1000x256xf32>
    %get3A_18 = arith.constant 0 : index
    %get3A_19 = arith.constant 0 : index
    %get3A_20 = vector.load %arg5[%get3A_18, %get3A_19] : memref<1x256xf32, #tpu.memory_space<vmem>>, vector<1x256xf32>
    %mul3A_21 = vector.broadcast %get3A_20 : vector<1x256xf32> to vector<1000x256xf32>
    %mul3A_22 = arith.mulf %mul3A_17, %mul3A_21 : vector<1000x256xf32>
    %get3A_23 = arith.constant 0 : index
    %get3A_24 = arith.constant 0 : index
    %get3A_25 = vector.load %arg6[%get3A_23, %get3A_24] : memref<1x256xf32, #tpu.memory_space<vmem>>, vector<1x256xf32>
    %add3A_26 = vector.broadcast %get3A_25 : vector<1x256xf32> to vector<1000x256xf32>
    %add3A_27 = arith.addf %mul3A_22, %add3A_26 : vector<1000x256xf32>
    %gt3A = arith.constant 0.000000e+00 : f32
    %gt3A_28 = vector.broadcast %gt3A : f32 to vector<1000x256xf32>
    %gt3A_29 = arith.cmpf ogt, %add3A_27, %gt3A_28 : vector<1000x256xf32>
    %mul3A_30 = arith.constant 0.00999999977 : f32
    %mul3A_31 = vector.broadcast %mul3A_30 : f32 to vector<1000x256xf32>
    %mul3A_32 = arith.mulf %mul3A_31, %add3A_27 : vector<1000x256xf32>
    %select_n3A = arith.select %gt3A_29, %add3A_27, %mul3A_32 : vector<1000x256xi1>, vector<1000x256xf32>
    %swap3A = arith.constant 0 : index
    %swap3A_33 = arith.constant 0 : index
    %swap3A_34 = vector.load %arg9[%swap3A, %swap3A_33] : memref<1000x256xf32, #tpu.memory_space<vmem>>, vector<1000x256xf32>
    tpu.vector_store %arg9[%swap3A, %swap3A_33], %select_n3A {strides = array<i32>} : memref<1000x256xf32, #tpu.memory_space<vmem>>, vector<1000x256xf32>,
    %slice3A_35 = vector.extract_strided_slice %get3A_3 {offsets = [2, 0], sizes = [1, 16], strides = [1, 1]} : vector<8x256xf32> to vector<1x16xf32>
    %mul3A_36 = vector.broadcast %get3A_0 : f32 to vector<1x16xf32>
    %mul3A_37 = arith.mulf %slice3A_35, %mul3A_36 : vector<1x16xf32>
    %slice3A_38 = vector.extract_strided_slice %get3A_3 {offsets = [3, 0], sizes = [1, 16], strides = [1, 1]} : vector<8x256xf32> to vector<1x16xf32>
    %mul3A_39 = vector.broadcast %get3A_0 : f32 to vector<1x16xf32>
    %mul3A_40 = arith.mulf %slice3A_38, %mul3A_39 : vector<1x16xf32>
    %mul3A_41 = arith.mulf %mul3A_37, %mul3A_37 : vector<1x16xf32>
    %sub3A_42 = arith.subf %mul3A_40, %mul3A_41 : vector<1x16xf32>
    %add3A_43 = arith.constant 9.99999974E-6 : f32
    %add3A_44 = vector.broadcast %add3A_43 : f32 to vector<1x16xf32>
    %add3A_45 = arith.addf %sub3A_42, %add3A_44 : vector<1x16xf32>
    %rsqrt3A_46 = math.rsqrt %add3A_45 : vector<1x16xf32>
    %get3A_47 = arith.constant 0 : index
    %get3A_48 = arith.constant 0 : index
    %get3A_49 = vector.load %arg3[%get3A_47, %get3A_48] : memref<1000x16xf32, #tpu.memory_space<vmem>>, vector<1000x16xf32>
    %sub3A_50 = vector.broadcast %mul3A_37 : vector<1x16xf32> to vector<1000x16xf32>
    %sub3A_51 = arith.subf %get3A_49, %sub3A_50 : vector<1000x16xf32>
    %mul3A_52 = vector.broadcast %rsqrt3A_46 : vector<1x16xf32> to vector<1000x16xf32>
    %mul3A_53 = arith.mulf %sub3A_51, %mul3A_52 : vector<1000x16xf32>
    %get3A_54 = arith.constant 0 : index
    %get3A_55 = arith.constant 0 : index
    %get3A_56 = vector.load %arg7[%get3A_54, %get3A_55] : memref<1x16xf32, #tpu.memory_space<vmem>>, vector<1x16xf32>
    %mul3A_57 = vector.broadcast %get3A_56 : vector<1x16xf32> to vector<1000x16xf32>
    %mul3A_58 = arith.mulf %mul3A_53, %mul3A_57 : vector<1000x16xf32>
    %get3A_59 = arith.constant 0 : index
    %get3A_60 = arith.constant 0 : index
    %get3A_61 = vector.load %arg8[%get3A_59, %get3A_60] : memref<1x16xf32, #tpu.memory_space<vmem>>, vector<1x16xf32>
    %add3A_62 = vector.broadcast %get3A_61 : vector<1x16xf32> to vector<1000x16xf32>
    %add3A_63 = arith.addf %mul3A_58, %add3A_62 : vector<1000x16xf32>
    %swap3A_64 = arith.constant 0 : index
    %swap3A_65 = arith.constant 0 : index
    %swap3A_66 = vector.load %arg10[%swap3A_64, %swap3A_65] : memref<1000x16xf32, #tpu.memory_space<vmem>>, vector<1000x16xf32>
    tpu.vector_store %arg10[%swap3A_64, %swap3A_65], %add3A_63 {strides = array<i32>} : memref<1000x16xf32, #tpu.memory_space<vmem>>, vector<1000x16xf32>,
    return
  }
  func.func @transform_0(%arg0: i32) -> i32 {
    %c0_i32 = arith.constant 0 : i32
    %c0_i32_0 = arith.constant 0 : i32
    return %c0_i32 : i32
  }
  func.func @transform_1(%arg0: i32) -> (i32, i32) {
    %c0_i32 = arith.constant 0 : i32
    %c0_i32_0 = arith.constant 0 : i32
    return %arg0, %c0_i32 : i32, i32
  }
  func.func @transform_2(%arg0: i32) -> (i32, i32) {
    %c0_i32 = arith.constant 0 : i32
    %c0_i32_0 = arith.constant 0 : i32
    return %arg0, %c0_i32 : i32, i32
  }
  func.func @transform_3(%arg0: i32) -> (i32, i32) {
    %c0_i32 = arith.constant 0 : i32
    %c0_i32_0 = arith.constant 0 : i32
    %c0_i32_1 = arith.constant 0 : i32
    return %c0_i32, %c0_i32_0 : i32, i32
  }
  func.func @transform_4(%arg0: i32) -> (i32, i32) {
    %c0_i32 = arith.constant 0 : i32
    %c0_i32_0 = arith.constant 0 : i32
    %c0_i32_1 = arith.constant 0 : i32
    return %c0_i32, %c0_i32_0 : i32, i32
  }
  func.func @transform_5(%arg0: i32) -> (i32, i32) {
    %c0_i32 = arith.constant 0 : i32
    %c0_i32_0 = arith.constant 0 : i32
    %c0_i32_1 = arith.constant 0 : i32
    return %c0_i32, %c0_i32_0 : i32, i32
  }
  func.func @transform_6(%arg0: i32) -> (i32, i32) {
    %c0_i32 = arith.constant 0 : i32
    %c0_i32_0 = arith.constant 0 : i32
    %c0_i32_1 = arith.constant 0 : i32
    return %c0_i32, %c0_i32_0 : i32, i32
  }
  func.func @transform_7(%arg0: i32) -> (i32, i32) {
    %c0_i32 = arith.constant 0 : i32
    %c0_i32_0 = arith.constant 0 : i32
    %c0_i32_1 = arith.constant 0 : i32
    return %c0_i32, %c0_i32_0 : i32, i32
  }
  func.func @transform_8(%arg0: i32) -> (i32, i32) {
    %c0_i32 = arith.constant 0 : i32
    %c0_i32_0 = arith.constant 0 : i32
    return %arg0, %c0_i32 : i32, i32
  }
  func.func @transform_9(%arg0: i32) -> (i32, i32) {
    %c0_i32 = arith.constant 0 : i32
    %c0_i32_0 = arith.constant 0 : i32
    return %arg0, %c0_i32 : i32, i32
  }
}

</mosaic_0001>

<sc_bundles>
// kernel: kernel.12.cloned.1.call-start
scs
__scs_entry_jumppad:
0x0: {  	(pc) =	sbr.rel $0x88, $3  }
0x1: {  	(tag) =	ssettag $0x0;
	lr =	simm.s32 $0x1  }
0x2: {  	[smem:$0x3F8E] =	sst lr;
	_ =	strace $0xD0000000  }
0x3: {  	_ = 	snop  }
0x4: {  	_ = 	snop  }
0x5: {  	_ = 	snop  }
0x6: {  	_ = 	snop  }
0x7: {  	_ = 	snop  }
__scs_overlays_trampoline_lowered:
0x8: {  	[smem:$0x3F9D] =	sst s0  }
0x9: {  	[smem:$0x3F9E] =	sst s1  }
0xa: {  	[smem:$0x3F9F] =	sst s2  }
0xb: {  	[smem:$0x3FA0] =	sst s3  }
0xc: {  	[smem:$0x3FA1] =	sst s4  }
0xd: {  	[smem:$0x3FA2] =	sst s5  }
0xe: {  	[smem:$0x3FA3] =	sst s6  }
0xf: {  	[smem:$0x3FA4] =	sst s7  }
0x10: {  	[smem:$0x3FA5] =	sst s8  }
0x11: {  	[smem:$0x3FA6] =	sst s9;
	s0 =	simm.s32 @!p0 $0x0  }
0x12: {  	s1 =	sld [smem:$0x3F8C];
	s0 =	simm.s32 @p0 $0x1  }
0x13: {  	[smem:$0x3FA7] =	sst s0;
	s0 =	simm.s32 @!p1 $0x0  }
0x14: {  	s2 =	sld [smem:$0x3F8B];
	s0 =	simm.s32 @p1 $0x1  }
0x15: {  	[smem:$0x3FA8] =	sst s0;
	s0 =	simm.s32 @!p2 $0x0  }
0x16: {  	s3 =	sld [smem:$0x3FDB];
	s0 =	simm.s32 @p2 $0x1  }
0x17: {  	s4 =	simm.s32 $0x1BF5;
	[smem:$0x3FAA] =	sst s0  }
0x18: {  	s0 =	sld [smem:$0x3F8D];
	_ =	swait.ge [sflag:s4], $0x0  }
0x19: {  	s7 =	sld [smem:$0x3F8E]  }
0x1a: {  	s8 =	sadd.s32 $0xFFFFE003, lr  }
0x1b: {  	s9 =	sadd.s32 $0xFFFFFEF7, lr;
	s5 =	simm.s32 $0xFFFFFFFF;
	p2 =	slt.u32 s8, $0xFFFFF086  }
0x1c: {  	p1 =	slt.u32 s9, $0xF7A;
	s5 =	simm.s32 @!p2 $0x0  }
0x1d: {  	s5 =	simm.s32 @p1 $0x1;
	p0 =	seq.s32 s7, s2  }
0x1e: {  	s7 =	smul.u32 @!p0 $0xF7A, s2;
	p2 =	seq.s32 @!p0 s5, $0x0  }
0x1f: {  	s9 =	smul.u32 $0xF7A, s1;
	s8 =	simm.s32 @!p0 $0x1BF5;
	p2 =	por !p2, p0  }
0x20: {  	[sflag:s8] =	ssyncset.s32 @!p0 $0xFFFFF086;
	s6 =	sadd.s32 @!p0 s3, s7;
	s7 =	simm.s32 @!p0 $0x108  }
0x21: {  	s3 =	sadd.s32 s3, s9;
	s6 =	sadd.s32 @!p0 $0x88, s6;
	s7 =	simm.s32 @p2 $0x1082  }
0x22: {  	[simem:s7], [sflag:s8] =	dma.local @!p0 [hbm:s6], $0xF7A  }
0x23: {  	s9 =	sor.u32 $0xD0000000, s2;
	s6 =	simm.s32 $0x108;
	_ =	swait.ge @!p0 [sflag:s8], $0x0  }
0x24: {  	s3 =	sadd.s32 $0x88, s3;
	s6 =	simm.s32 @!p1 $0x1082;
	[sflag:s4] =	ssyncset.s32 $0xFFFFF086  }
0x25: {  	[simem:s6], [sflag:s4] =	dma.local [hbm:s3], $0xF7A  }
0x26: {  	[smem:$0x3F8E] =	sst s1;
	(tag) =	ssettag s2;
	_ =	strace s9  }
0x27: {  	s1 =	sld [smem:$0x3F9E]  }
0x28: {  	s2 =	sld [smem:$0x3F9F]  }
0x29: {  	s4 =	sld [smem:$0x3FA1]  }
0x2a: {  	p0 =	seq.s32 s5, $0x0;
	s5 =	sld [smem:$0x3FA2]  }
0x2b: {  	s6 =	sld [smem:$0x3FA3]  }
0x2c: {  	s7 =	sld [smem:$0x3FA4]  }
0x2d: {  	s3 =	simm.s32 $0x108;
	s8 =	sld [smem:$0x3FA5]  }
0x2e: {  	s3 =	simm.s32 @!p0 $0x1082;
	s9 =	sld [smem:$0x3FA6]  }
0x2f: {  	lr =	sadd.s32 s0, s3;
	s0 =	sld [smem:$0x3F9D]  }
0x30: {  	s3 =	sld [smem:$0x3FA0]  }
0x31: {  	[smem:$0x3FA9] =	sst s10  }
0x32: {  	s10 =	sld [smem:$0x3FA7];
	_ =	sdelay $0x3  }
0x33: {  	p0 =	seq.s32 s10, $0x1;
	s10 =	sld [smem:$0x3FA9];
	_ =	sdelay $0x3  }
0x34: {  	[smem:$0x3FA9] =	sst s10  }
0x35: {  	s10 =	sld [smem:$0x3FA8];
	_ =	sdelay $0x3  }
0x36: {  	p1 =	seq.s32 s10, $0x1;
	s10 =	sld [smem:$0x3FA9];
	_ =	sdelay $0x3  }
0x37: {  	[smem:$0x3FA9] =	sst s10  }
0x38: {  	s10 =	sld [smem:$0x3FAA]  }
0x39: {  	_ = 	snop;
	(pc) =	sbr.ind lr, $3  }
0x3a: {  	_ = 	snop  }
0x3b: {  	_ = 	snop  }
0x3c: {  	p2 =	seq.s32 s10, $0x1;
	s10 =	sld [smem:$0x3FA9]  }
0x3d: {  	_ =	shalt  }
0x3e: {  	_ =	shalt  }
0x3f: {  	_ =	shalt  }
0x40: {  	_ =	shalt  }
0x41: {  	_ =	shalt  }
0x42: {  	_ =	shalt  }
0x43: {  	_ =	shalt  }
0x44: {  	_ =	shalt  }
0x45: {  	_ =	shalt  }
0x46: {  	_ =	shalt  }
0x47: {  	_ =	shalt  }
0x48: {  	_ =	shalt  }
0x49: {  	_ =	shalt  }
0x4a: {  	_ =	shalt  }
0x4b: {  	_ =	shalt  }
0x4c: {  	_ =	shalt  }
0x4d: {  	_ =	shalt  }
0x4e: {  	_ =	shalt  }
0x4f: {  	_ =	shalt  }
0x50: {  	_ =	shalt  }
0x51: {  	_ =	shalt  }
0x52: {  	_ =	shalt  }
0x53: {  	_ =	shalt  }
0x54: {  	_ =	shalt  }
0x55: {  	_ =	shalt  }
0x56: {  	_ =	shalt  }
0x57: {  	_ =	shalt  }
0x58: {  	_ =	shalt  }
0x59: {  	_ =	shalt  }
0x5a: {  	_ =	shalt  }
0x5b: {  	_ =	shalt  }
0x5c: {  	_ =	shalt  }
0x5d: {  	_ =	shalt  }
0x5e: {  	_ =	shalt  }
0x5f: {  	_ =	shalt  }
0x60: {  	_ =	shalt  }
0x61: {  	_ =	shalt  }
0x62: {  	_ =	shalt  }
0x63: {  	_ =	shalt  }
0x64: {  	_ =	shalt  }
0x65: {  	_ =	shalt  }
0x66: {  	_ =	shalt  }
0x67: {  	_ =	shalt  }
0x68: {  	_ =	shalt  }
0x69: {  	_ =	shalt  }
0x6a: {  	_ =	shalt  }
0x6b: {  	_ =	shalt  }
0x6c: {  	_ =	shalt  }
0x6d: {  	_ =	shalt  }
0x6e: {  	_ =	shalt  }
0x6f: {  	_ =	shalt  }
0x70: {  	_ =	shalt  }
0x71: {  	_ =	shalt  }
0x72: {  	_ =	shalt  }
0x73: {  	_ =	shalt  }
0x74: {  	_ =	shalt  }
0x75: {  	_ =	shalt  }
0x76: {  	_ =	shalt  }
0x77: {  	_ =	shalt  }
0x78: {  	_ =	shalt  }
0x79: {  	_ =	shalt  }
0x7a: {  	_ =	shalt  }
0x7b: {  	_ =	shalt  }
0x7c: {  	_ =	shalt  }
0x7d: {  	_ =	shalt  }
0x7e: {  	_ =	shalt  }
0x7f: {  	_ =	shalt  }
0x80: {  	_ =	shalt  }
0x81: {  	_ =	shalt  }
0x82: {  	_ =	shalt  }
0x83: {  	_ =	shalt  }
0x84: {  	_ =	shalt  }
0x85: {  	_ =	shalt  }
0x86: {  	_ =	shalt  }
0x87: {  	_ =	shalt  }
.Lfunc_end0:
.L_simem_size_0:
called_computation.1_lowered:
.L_overlay_start_0:
0x88: {  	s2 =	sld [smem:$0x3FD9]  }
0x89: {  	s3 =	sld [smem:$0x3FFE];
	_ =	sdelay $0x1  }
0x8a: {  	s1 =	srdreg.scid  }
0x8b: {  	s0 =	sand.u32 $0x1, s1  }
0x8c: {  	s15 =	sshll.u32 s0, $0xA;
	s2 =	sadd.s32 s3, s2  }
0x8d: {  	s2 =	sadd.s32 s2, s15  }
0x8e: {  	[smem:$0x3FB5] =	sst s2  }
0x8f: {  	_ = 	snop  }
0x90: {  	s2 =	sld [smem:$0x3FD0];
	_ =	sdelay $0x2  }
0x91: {  	s16 =	simm.s32 $0xB;
	s4 =	simm.s32 $0x10  }
0x92: {  	[smem:s4], [sflag:s16] =	dma.local [hbm:s2], $0x1  }
0x93: {  	_ =	swait.eq [sflag:s16], $0x1  }
0x94: {  	[sflag:s16] =	ssyncset.done $0x0  }
0x95: {  	[sflag:s16] =	ssyncadd.s32 $0xFFFFFFFF  }
0x96: {  	s17 =	sld [smem:$0x10];
	(tm) =	ssettm $0x1  }
0x97: {  	s18 =	sld [smem:$0x3FFB];
	_ =	sdelay $0x3  }
0x98: {  	_ =	strace s18  }
0x99: {  	s2 =	sld [smem:$0x3FFC];
	_ =	sdelay $0x3  }
0x9a: {  	_ =	strace s2  }
0x9b: {  	s2 =	sld [smem:$0x3FFD];
	_ =	sdelay $0x3  }
0x9c: {  	_ =	strace s2  }
0x9d: {  	_ =	strace $0x8FFFFFFF  }
0x9e: {  	s19 =	sld [smem:$0x3FDB];
	_ =	sdelay $0x1  }
0x9f: {  	s20 =	simm.s32 $_scs_section_size  }
0xa0: {  	s5 =	simm.s32 $_size__tile_overlayer_lowered;
	s6 =	simm.s32 $_tile_overlayer_lowered  }
0xa1: {  	s7 =	simm.s32 $0x1BFF;
	s21 =	sshll.u32 s6, $0x1;
	s4 =	sadd.s32 s20, s19  }
0xa2: {  	s22 =	simm.s32 $0x0;
	s5 =	sshll.u32 s5, $0x1;
	s6 =	sadd.s32 s21, s4  }
0xa3: {  	[timem:s22], [sflag:s7] =	dma.local [hbm:s6], s5  }
0xa4: {  	_ =	swait.ge [sflag:s7], s5  }
0xa5: {  	s5 =	ssub.s32 $0x0, s5;
	[sflag:s7] =	ssyncset.done $0x0  }
0xa6: {  	[sflag:s7] =	ssyncadd.s32 s5;
	_ =	sdelay $0x1  }
0xa7: {  	s23 =	simm.s32 $0x1B8B  }
0xa8: {  	_ =	swait.ge [sflag:s23], $0x1  }
0xa9: {  	[sflag:s23] =	ssyncset.done $0x0  }
0xaa: {  	[sflag:s23] =	ssyncadd.s32 $0xFFFFFFFF  }
0xab: {  	s5 =	sld [smem:$0x0]  }
0xac: {  	s6 =	sand.u32 $0xFFFFFFFE, s1  }
0xad: {  	p0 =	sne.s32 s1, s6  }
0xae: {  	s6 =	sshll.u32 @p0 s6, $0xE  }
0xaf: {  	s6 =	sadd.s32 @p0 $0x11B8D, s6;
	s7 =	sshll.u32 @p0 s5, $0x11  }
0xb0: {  	s6 =	sor.u32 @p0 s7, s6  }
0xb1: {  	[sflag:s6] =	ssyncadd.remote.s32 @p0 $0x1;
	_ =	sdelay $0x1  }
0xb2: {  	s6 =	simm.s32 @p0 $0x1B8D  }
0xb3: {  	_ =	swait.eq @p0 [sflag:s6], $0x1  }
0xb4: {  	[sflag:s6] =	ssyncadd.s32 @p0 $0xFFFFFFFF  }
0xb5: {  	s7 =	sshll.u32 @!p0 s1, $0xE  }
0xb6: {  	s7 =	sor.u32 @!p0 $0x4000, s7;
	s6 =	simm.s32 @!p0 $0x1B8D  }
0xb7: {  	s5 =	sshll.u32 @!p0 s5, $0x11;
	s7 =	sadd.s32 @!p0 $0x11B8D, s7;
	_ =	swait.eq @!p0 [sflag:s6], $0x1  }
0xb8: {  	s5 =	sor.u32 @!p0 s5, s7;
	[sflag:s6] =	ssyncadd.s32 @!p0 $0xFFFFFFFF  }
0xb9: {  	s25 =	simm.s32 $0x1B8E;
	s24 =	sld [smem:$0x3FFE];
	[sflag:s5] =	ssyncadd.remote.s32 @!p0 $0x1  }
0xba: {  	s26 =	simm.s32 $execute0_lowered;
	[smem:$0x3FD2] =	sst s25  }
0xbb: {  	s6 =	sshll.u32 s26, $0x1;
	_ =	strace $0x80000055;
	[dreg:$0x1] =	wrdreg $0xFFFFFFFF  }
0xbc: {  	s28 =	simm.s32 $_size_execute0_lowered;
	s4 =	sadd.s32 s4, s6;
	[dreg:$0x0] =	wrdreg $0x0  }
0xbd: {  	s6 =	sshll.u32 s28, $0x1;
	[dreg:$0x2] =	wrdreg s4  }
0xbe: {  	[dreg:$0x3] =	wrdreg s6  }
0xbf: {  	[dreg:$0x4] =	wrdreg $0xC0  }
0xc0: {  	_ =	task [dreg:s22], $0x5FFFF  }
0xc1: {  	[dreg:$0x1] =	wrdreg $0xFFFFFFFF  }
0xc2: {  	[dreg:$0x0] =	wrdreg $0x60  }
0xc3: {  	[dreg:$0x2] =	wrdreg s17  }
0xc4: {  	[dreg:$0x3] =	wrdreg s24  }
0xc5: {  	[dreg:$0x4] =	wrdreg $0xA  }
0xc6: {  	_ =	task.clear_ibuf [dreg:s22], $0x5FFFF;
	_ =	strace $0x90000055  }
0xc7: {  	s29 =	simm.s32 $0xA;
	_ =	strace $0x8000005E  }
0xc8: {  	_ =	swait.ge [sflag:s29], $0x1  }
0xc9: {  	[sflag:s29] =	ssyncadd.s32 $0xFFFFFFFF  }
0xca: {  	_ =	strace $0x9000005E  }
0xcb: {  	_ =	sfence  }
0xcc: {  	s30 =	sld [smem:$0x0];
	_ =	sdelay $0x2  }
0xcd: {  	s31 =	sshll.u32 s1, $0xD;
	s1 =	sshrl.u32 s1, $0x2  }
0xce: {  	s4 =	sand.u32 $0x4000, s31;
	s1 =	sadd.s32 s1, s30  }
0xcf: {  	s0 =	sor.u32 s4, s0;
	s1 =	sshll.u32 s1, $0x11  }
0xd0: {  	s0 =	sor.u32 s1, s0  }
0xd1: {  	s0 =	sadd.s32 $0x8F2B, s0  }
0xd2: {  	[sflag:s0] =	ssyncadd.remote.s32 $0x1  }
0xd3: {  	_ =	sfence.sel $0xFFFF  }
0xd4: {  	[dreg:$0x0] =	wrdreg $0xFFFFFFFF;
	(pc) =	sbr.abs _section_cstart, $3  }
0xd5: {  	[dreg:$0x1] =	wrdreg $0xFFFFFFFF  }
0xd6: {  	_ =	task.clear_ibuf [dreg:s22], $0x2FFFF;
	_ =	strace $0x9FFFFFFF  }
0xd7: {  	(tm) =	ssettm $0x7FFFFFFF  }
tec
execute0_lowered:
.L_overlay_start_1:
0x0: {  	(tag) =	ssettag $0x1  }
0x1: {  	s0 =	srdreg.scid;
	s2 =	rddreg [dreg:$0x0]  }
0x2: {  	s5 =	rddreg [dreg:$0x1];
	s6 =	sand.u32 $0x1, s0  }
0x3: {  	s1 =	stileid.u32;
	s3 =	simm.s32 $0x0;
	s4 =	sshll.u32 s6, $0x4  }
0x4: {  	s10 =	simm.s32 $0x5;
	s0 =	rddreg [dreg:$0x2];
	s4 =	sor.u32 s1, s4  }
0x5: {  	s11 =	simm.s32 $0x0;
	[smem:$0x7FF] =	sst s3;
	s7 =	smul.u32 $0x27, s4  }
0x6: {  	s9 =	sadd.s32 $0x78EA00, s5;
	s5 =	sadd.s32 $0xF800, s5;
	s8 =	smul.u32 $0x28, s4  }
0x7: {  	_ =	strace $0x80000056;
	p0 =	slt.u32 s4, $0x2;
	s4 =	sadd.s32 $0x2, s7  }
0x8: {  	[dreg:$0x3] =	wrdreg s9;
	s30 =	ssub.s32 $0x2, s6;
	s4 =	smov.u32 @p0 s8  }
0x9: {  	v2 =	vlaneseq.u32;
	s6 =	simm.s32 $0x28;
	s31 =	sshrl.u32 s30, $0x1;
	s8 =	sshll.u32 s4, $0x4  }
0xa: {  	vm0 =	vmmov $0xffff;
	v1 =	vshrl.u32 v2, $0x3;
	s9 =	ssub.s32 s30, s31;
	s6 =	simm.s32 @!p0 $0x27;
	s8 =	sand.u32 $0x1FFFFFF0, s8  }
0xb: {  	v0 =	vand.u32 $0x7, v2;
	v2 =	vor.u32 $0x8, v2;
	v1 =	vmul.u32 $0x8, v1;
	s9 =	smax.u32 s9, $0x1;
	s7 =	sadd.s32 s5, s8;
	s8 =	sadd.s32 $0xFFFFFFFF, s6  }
.LBB2_1:
0xc: {  	_ =	strace $0x80000057;
	s13 =	simm.s32 $0x0  }
0xd: {  	s12 =	simm.s32 $0x0;
	s14 =	simm.s32 $0x0;
	s15 =	simm.s32 $0x0  }
0xe: {  	[tilespmem:s3], [sflag:$0x1] =	stream.linear.gather [hbm4b:s7+s3], $0x80, $0x200038;
	[tilespmem:$0x10100] =	vst v63  }
0xf: {  	s16 =	simm.s32 $0x1;
	s17 =	simm.s32 $0x0;
	_ =	strace $0x90000057  }
.LBB2_2:
0x10: {  	s18 =	smov.u32 s13;
	s13 =	sadd.s32 $0x1, s13  }
0x11: {  	p0 =	seq.s32 s13, s6  }
0x12: {  	s13 =	simm.s32 @p0 $0x0  }
0x13: {  	p6 =	slt.u32 s17, s8;
	p1 =	sne.s32 s18, s13  }
0x14: {  	p0 =	por !p6, !p1  }
0x15: {  	p0 =	por !p0, !p0  }
0x16: {  	s19 =	sadd.s32 @p0 s4, s13  }
0x17: {  	s20 =	sand.u32 @p0 $0x1, s16;
	s19 =	sshll.u32 @p0 s19, $0x4  }
0x18: {  	_ =	strace @p0 $0x80000058;
	s22 =	simm.s32 @p0 $0x0;
	s19 =	sand.u32 @p0 $0x1FFFFFF0, s19  }
0x19: {  	s21 =	sshll.u32 @p0 s20, $0x7;
	s20 =	sadd.s32 @p0 $0x1, s20;
	s19 =	sadd.s32 @p0 s5, s19  }
0x1a: {  	[tilespmem:s21], [sflag:s20] =	stream.linear.gather @p0 [hbm4b:s19+s22], $0x80, $0x200038;
	[tilespmem:$0x10100] =	vst v63  }
0x1b: {  	s23 =	sand.u32 $0x1, s15;
	_ =	strace @p0 $0x90000058  }
0x1c: {  	s19 =	sadd.s32 $0x1, s23;
	_ =	strace $0x80000059  }
0x1d: {  	_ =	swait.ge [sflag:s19], $0x80  }
0x1e: {  	[sflag:s19] =	ssyncset.done $0x0  }
0x1f: {  	[sflag:s19] =	ssyncadd.s32 $0xFFFFFF80  }
0x20: {  	s24 =	sshll.u32 s15, $0x7;
	_ =	strace $0x90000059  }
0x21: {  	s22 =	sand.u32 $0x80, s24;
	_ =	strace $0x8000005A  }
0x22: {  	v3 =	vld [tilespmem:s22+$0x0];
	_ =	sdelay $0x4  }
0x23: {  	v4 =	vshll.u32 v3, $0x1  }
0x24: {  	v3 =	vand.u32 $0x7, v3;
	v4 =	vand.u32 $0xFFFFFFF0, v4  }
0x25: {  	v3 =	vor.u32 v3, v4  }
0x26: {  	v4 =	vperm.xlane v3, v0;
	_ =	sdelay $0x1  }
0x27: {  	v3 =	vperm.xlane v3, v2;
	v4 =	vadd.s32 v1, v4;
	_ =	sdelay $0x1  }
0x28: {  	s19 =	sand.u32 $0x1, s14;
	v3 =	vadd.s32 v1, v3  }
0x29: {  	s21 =	sshll.u32 s19, $0xF  }
0x2a: {  	s20 =	sor.u32 $0x100, s21  }
0x2b: {  	[tilespmem:s20], [sflag:$0x5] =	stream.indirect_vreg.gather [hbm4b:s2+s3], $0x80, v4, vm0, $0x2000b8;
	[tilespmem:$0x10100] =	vst v63  }
0x2c: {  	s23 =	sor.u32 $0x900, s21  }
0x2d: {  	[tilespmem:s23], [sflag:$0x5] =	stream.indirect_vreg.gather [hbm4b:s2+s3], $0x80, v3, vm0, $0x2000b8;
	[tilespmem:$0x10100] =	vst v63  }
0x2e: {  	v3 =	vld [tilespmem:s22+$0x10];
	_ =	sdelay $0x4  }
0x2f: {  	v57 =	vshll.u32 v3, $0x1  }
0x30: {  	v3 =	vand.u32 $0x7, v3;
	v4 =	vand.u32 $0xFFFFFFF0, v57  }
0x31: {  	v3 =	vor.u32 v3, v4  }
0x32: {  	v4 =	vperm.xlane v3, v0;
	_ =	sdelay $0x1  }
0x33: {  	v3 =	vperm.xlane v3, v2;
	v4 =	vadd.s32 v1, v4;
	_ =	sdelay $0x1  }
0x34: {  	v3 =	vadd.s32 v1, v3;
	_ =	sdelay $0x1  }
0x35: {  	s25 =	sor.u32 $0x1100, s21  }
0x36: {  	[tilespmem:s25], [sflag:$0x5] =	stream.indirect_vreg.gather [hbm4b:s2+s3], $0x80, v4, vm0, $0x2000b8;
	[tilespmem:$0x10100] =	vst v63  }
0x37: {  	s26 =	sor.u32 $0x1900, s21  }
0x38: {  	[tilespmem:s26], [sflag:$0x5] =	stream.indirect_vreg.gather [hbm4b:s2+s3], $0x80, v3, vm0, $0x2000b8;
	[tilespmem:$0x10100] =	vst v63  }
0x39: {  	v3 =	vld [tilespmem:s22+$0x20];
	_ =	sdelay $0x4  }
0x3a: {  	v58 =	vshll.u32 v3, $0x1  }
0x3b: {  	v3 =	vand.u32 $0x7, v3;
	v4 =	vand.u32 $0xFFFFFFF0, v58  }
0x3c: {  	v3 =	vor.u32 v3, v4  }
0x3d: {  	v4 =	vperm.xlane v3, v0;
	_ =	sdelay $0x1  }
0x3e: {  	v3 =	vperm.xlane v3, v2;
	v4 =	vadd.s32 v1, v4;
	_ =	sdelay $0x1  }
0x3f: {  	v3 =	vadd.s32 v1, v3;
	_ =	sdelay $0x1  }
0x40: {  	s28 =	sor.u32 $0x2100, s21  }
0x41: {  	[tilespmem:s28], [sflag:$0x5] =	stream.indirect_vreg.gather [hbm4b:s2+s3], $0x80, v4, vm0, $0x2000b8;
	[tilespmem:$0x10100] =	vst v63  }
0x42: {  	s29 =	sor.u32 $0x2900, s21  }
0x43: {  	[tilespmem:s29], [sflag:$0x5] =	stream.indirect_vreg.gather [hbm4b:s2+s3], $0x80, v3, vm0, $0x2000b8;
	[tilespmem:$0x10100] =	vst v63  }
0x44: {  	v3 =	vld [tilespmem:s22+$0x30];
	_ =	sdelay $0x4  }
0x45: {  	v59 =	vshll.u32 v3, $0x1  }
0x46: {  	v3 =	vand.u32 $0x7, v3;
	v4 =	vand.u32 $0xFFFFFFF0, v59  }
0x47: {  	v3 =	vor.u32 v3, v4  }
0x48: {  	v4 =	vperm.xlane v3, v0;
	_ =	sdelay $0x1  }
0x49: {  	v3 =	vperm.xlane v3, v2;
	v4 =	vadd.s32 v1, v4;
	_ =	sdelay $0x1  }
0x4a: {  	v3 =	vadd.s32 v1, v3;
	_ =	sdelay $0x1  }
0x4b: {  	s30 =	sor.u32 $0x3100, s21  }
0x4c: {  	[tilespmem:s30], [sflag:$0x5] =	stream.indirect_vreg.gather [hbm4b:s2+s3], $0x80, v4, vm0, $0x2000b8;
	[tilespmem:$0x10100] =	vst v63  }
0x4d: {  	s31 =	sor.u32 $0x3900, s21  }
0x4e: {  	[tilespmem:s31], [sflag:$0x5] =	stream.indirect_vreg.gather [hbm4b:s2+s3], $0x80, v3, vm0, $0x2000b8;
	[tilespmem:$0x10100] =	vst v63  }
0x4f: {  	v3 =	vld [tilespmem:s22+$0x40];
	_ =	sdelay $0x4  }
0x50: {  	v60 =	vshll.u32 v3, $0x1  }
0x51: {  	v3 =	vand.u32 $0x7, v3;
	v4 =	vand.u32 $0xFFFFFFF0, v60  }
0x52: {  	v3 =	vor.u32 v3, v4  }
0x53: {  	v4 =	vperm.xlane v3, v0;
	_ =	sdelay $0x1  }
0x54: {  	v3 =	vperm.xlane v3, v2;
	v4 =	vadd.s32 v1, v4;
	_ =	sdelay $0x1  }
0x55: {  	v3 =	vadd.s32 v1, v3;
	_ =	sdelay $0x1  }
0x56: {  	s24 =	sor.u32 $0x4100, s21  }
0x57: {  	[tilespmem:s24], [sflag:$0x5] =	stream.indirect_vreg.gather [hbm4b:s2+s3], $0x80, v4, vm0, $0x2000b8;
	[tilespmem:$0x10100] =	vst v63  }
0x58: {  	s25 =	sor.u32 $0x4900, s21  }
0x59: {  	[tilespmem:s25], [sflag:$0x5] =	stream.indirect_vreg.gather [hbm4b:s2+s3], $0x80, v3, vm0, $0x2000b8;
	[tilespmem:$0x10100] =	vst v63  }
0x5a: {  	v3 =	vld [tilespmem:s22+$0x50];
	_ =	sdelay $0x4  }
0x5b: {  	v61 =	vshll.u32 v3, $0x1  }
0x5c: {  	v3 =	vand.u32 $0x7, v3;
	v4 =	vand.u32 $0xFFFFFFF0, v61  }
0x5d: {  	v3 =	vor.u32 v3, v4  }
0x5e: {  	v4 =	vperm.xlane v3, v0;
	_ =	sdelay $0x1  }
0x5f: {  	v3 =	vperm.xlane v3, v2;
	v4 =	vadd.s32 v1, v4;
	_ =	sdelay $0x1  }
0x60: {  	v3 =	vadd.s32 v1, v3;
	_ =	sdelay $0x1  }
0x61: {  	s26 =	sor.u32 $0x5100, s21  }
0x62: {  	[tilespmem:s26], [sflag:$0x5] =	stream.indirect_vreg.gather [hbm4b:s2+s3], $0x80, v4, vm0, $0x2000b8;
	[tilespmem:$0x10100] =	vst v63  }
0x63: {  	s28 =	sor.u32 $0x5900, s21  }
0x64: {  	[tilespmem:s28], [sflag:$0x5] =	stream.indirect_vreg.gather [hbm4b:s2+s3], $0x80, v3, vm0, $0x2000b8;
	[tilespmem:$0x10100] =	vst v63  }
0x65: {  	v3 =	vld [tilespmem:s22+$0x60];
	_ =	sdelay $0x4  }
0x66: {  	v62 =	vshll.u32 v3, $0x1  }
0x67: {  	v3 =	vand.u32 $0x7, v3;
	v4 =	vand.u32 $0xFFFFFFF0, v62  }
0x68: {  	v3 =	vor.u32 v3, v4  }
0x69: {  	v4 =	vperm.xlane v3, v0;
	_ =	sdelay $0x1  }
0x6a: {  	v3 =	vperm.xlane v3, v2;
	v4 =	vadd.s32 v1, v4;
	_ =	sdelay $0x1  }
0x6b: {  	v3 =	vadd.s32 v1, v3;
	_ =	sdelay $0x1  }
0x6c: {  	s29 =	sor.u32 $0x6100, s21  }
0x6d: {  	[tilespmem:s29], [sflag:$0x5] =	stream.indirect_vreg.gather [hbm4b:s2+s3], $0x80, v4, vm0, $0x2000b8;
	[tilespmem:$0x10100] =	vst v63  }
0x6e: {  	s30 =	sor.u32 $0x6900, s21  }
0x6f: {  	[tilespmem:s30], [sflag:$0x5] =	stream.indirect_vreg.gather [hbm4b:s2+s3], $0x80, v3, vm0, $0x2000b8;
	[tilespmem:$0x10100] =	vst v63  }
0x70: {  	v3 =	vld [tilespmem:s22+$0x70];
	_ =	sdelay $0x4  }
0x71: {  	v63 =	vshll.u32 v3, $0x1  }
0x72: {  	v3 =	vand.u32 $0x7, v3;
	v4 =	vand.u32 $0xFFFFFFF0, v63  }
0x73: {  	v3 =	vor.u32 v3, v4  }
0x74: {  	v4 =	vperm.xlane v3, v0;
	_ =	sdelay $0x1  }
0x75: {  	v3 =	vperm.xlane v3, v2;
	v4 =	vadd.s32 v1, v4;
	_ =	sdelay $0x1  }
0x76: {  	v3 =	vadd.s32 v1, v3;
	_ =	sdelay $0x1  }
0x77: {  	s31 =	sor.u32 $0x7100, s21  }
0x78: {  	[tilespmem:s31], [sflag:$0x5] =	stream.indirect_vreg.gather [hbm4b:s2+s3], $0x80, v4, vm0, $0x2000b8;
	[tilespmem:$0x10100] =	vst v63  }
0x79: {  	s21 =	sor.u32 $0x7900, s21  }
0x7a: {  	[tilespmem:s21], [sflag:$0x5] =	stream.indirect_vreg.gather [hbm4b:s2+s3], $0x80, v3, vm0, $0x2000b8;
	[tilespmem:$0x10100] =	vst v63  }
0x7b: {  	_ =	swait.ge [sflag:s10], $0x8000  }
0x7c: {  	p2 =	seq.s32 s8, s17;
	[sflag:s10] =	ssyncset.done $0x0  }
0x7d: {  	s18 =	sadd.s32 s4, s18;
	p1 =	por p2, p1;
	[sflag:s10] =	ssyncadd.s32 $0xFFFF8000  }
0x7e: {  	s18 =	sshll.u32 @p1 s18, $0xC;
	_ =	strace $0x9000005A  }
0x7f: {  	s18 =	sand.u32 @p1 $0x1FFFF000, s18;
	s22 =	simm.s32 $0x1;
	_ =	strace @p1 $0x8000005B  }
0x80: {  	s19 =	sadd.s32 @p1 $0x3, s19;
	s22 =	simm.s32 @!p0 $0x0;
	s21 =	rddreg [dreg:$0x3]  }
0x81: {  	p0 =	seq.s32 s17, $0x0;
	s18 =	sadd.s32 @p1 s21, s18;
	s21 =	simm.s32 @p1 $0x0  }
0x82: {  	[hbm4b:s18+s21] =	stream.linear.scatter @p1 [tilespmem:s20], [sflag:s19], $0x8000, $0x200038;
	[tilespmem:$0x10100] =	vst v63  }
0x83: {  	s18 =	simm.s32 $0x1;
	s20 =	simm.s32 $0x1;
	_ =	strace @p1 $0x9000005B  }
0x84: {  	s18 =	simm.s32 @!p1 $0x0;
	p1 =	sne.s32 s17, $0x0;
	s17 =	sadd.s32 $0x1, s17  }
0x85: {  	s19 =	sand.u32 @!p0 $0x1, s12;
	s20 =	simm.s32 @!p1 $0x0;
	p1 =	sne.s32 s6, s17  }
.Ltmp0:
0x86: {  	s19 =	sadd.s32 @!p0 $0x3, s19;
	_ =	strace @!p0 $0x8000005C;
	(pc) =	sbr.rel @p1 .LBB2_2-.Ltmp0, $4  }
0x87: {  	_ =	swait.ge @!p0 [sflag:s19], $0x8000  }
0x88: {  	[sflag:s19] =	ssyncset.done @!p0 $0x0  }
0x89: {  	s16 =	sadd.s32 s22, s16;
	s14 =	sadd.s32 s18, s14;
	[sflag:s19] =	ssyncadd.s32 @!p0 $0xFFFF8000  }
0x8a: {  	s15 =	sadd.s32 s18, s15;
	s12 =	sadd.s32 s20, s12;
	_ =	strace @!p0 $0x9000005C  }
0x8b: {  	s11 =	sadd.s32 $0x1, s11  }
0x8c: {  	s12 =	sand.u32 $0x1, s12;
	p0 =	sne.s32 s11, s9  }
.Ltmp1:
0x8d: {  	_ =	strace $0x8000005D;
	s12 =	sadd.s32 $0x3, s12;
	(pc) =	sbr.rel @p0 .LBB2_1-.Ltmp1, $4  }
0x8e: {  	_ =	swait.ge [sflag:s12], $0x8000  }
0x8f: {  	[sflag:s12] =	ssyncset.done $0x0  }
0x90: {  	[sflag:s12] =	ssyncadd.s32 $0xFFFF8000  }
0x91: {  	_ =	strace $0x9000005D  }
0x92: {  	_ =	sfence.sel $0x180000  }
0x93: {  	[bflag:$0x0] =	sbarrier.arrive $0xFFFF  }
0x94: {  	p0 =	sne.s32 s1, $0x0;
	_ =	strace $0x90000056  }
0x95: {  	s0 =	sadd.s32 @!p0 $0x100000, s0;
	[bflag:$0x2] =	sbarrier.arrive $0xFFFF  }
0x96: {  	[sflag:s0] =	ssyncadd.tile.s32 @!p0 $0x1;
	_ =	shalt  }
.Lfunc_end2:
_tile_overlayer_lowered:
.L_overlay_start_2:
0x97: {  	(tag) =	ssettag $0x2  }
0x98: {  	s0 =	rddreg [dreg:$0x0];
	s2 =	stileid.u32  }
0x99: {  	s1 =	rddreg [dreg:$0x1];
	p0 =	sne.s32 s2, $0x0  }
0x9a: {  	s3 =	rddreg [dreg:$0x2];
	[bflag:$0x3] =	sbarrier.arrive $0xFFFF;
	s2 =	simm.s32 @!p0 $0x1C01  }
0x9b: {  	[timem:s3], [sflag:s2] =	dma.local @!p0 [hbm:s0], s1  }
0x9c: {  	s0 =	simm.s32 @!p0 $0x1  }
0x9d: {  	_ =	swait.ge @!p0 [sflag:s0], s1  }
0x9e: {  	s1 =	ssub.s32 @!p0 $0x0, s1;
	[sflag:s0] =	ssyncset.done @!p0 $0x0  }
0x9f: {  	[sflag:s0] =	ssyncadd.s32 @!p0 s1  }
0xa0: {  	[bflag:$0x3] =	sbarrier.arrive $0xFFFF  }
0xa1: {  	_ =	shalt  }

// kernel: kernel.9.cloned.1.call-start
scs
__scs_entry_jumppad:
0x0: {  	(pc) =	sbr.rel $0x88, $3  }
0x1: {  	(tag) =	ssettag $0x0;
	lr =	simm.s32 $0x1  }
0x2: {  	[smem:$0x3F8E] =	sst lr;
	_ =	strace $0xD0000000  }
0x3: {  	_ = 	snop  }
0x4: {  	_ = 	snop  }
0x5: {  	_ = 	snop  }
0x6: {  	_ = 	snop  }
0x7: {  	_ = 	snop  }
__scs_overlays_trampoline_lowered:
0x8: {  	[smem:$0x3F9D] =	sst s0  }
0x9: {  	[smem:$0x3F9E] =	sst s1  }
0xa: {  	[smem:$0x3F9F] =	sst s2  }
0xb: {  	[smem:$0x3FA0] =	sst s3  }
0xc: {  	[smem:$0x3FA1] =	sst s4  }
0xd: {  	[smem:$0x3FA2] =	sst s5  }
0xe: {  	[smem:$0x3FA3] =	sst s6  }
0xf: {  	[smem:$0x3FA4] =	sst s7  }
0x10: {  	[smem:$0x3FA5] =	sst s8  }
0x11: {  	[smem:$0x3FA6] =	sst s9;
	s0 =	simm.s32 @!p0 $0x0  }
0x12: {  	s1 =	sld [smem:$0x3F8C];
	s0 =	simm.s32 @p0 $0x1  }
0x13: {  	[smem:$0x3FA7] =	sst s0;
	s0 =	simm.s32 @!p1 $0x0  }
0x14: {  	s2 =	sld [smem:$0x3F8B];
	s0 =	simm.s32 @p1 $0x1  }
0x15: {  	[smem:$0x3FA8] =	sst s0;
	s0 =	simm.s32 @!p2 $0x0  }
0x16: {  	s3 =	sld [smem:$0x3FDB];
	s0 =	simm.s32 @p2 $0x1  }
0x17: {  	s4 =	simm.s32 $0x1BF5;
	[smem:$0x3FAA] =	sst s0  }
0x18: {  	s0 =	sld [smem:$0x3F8D];
	_ =	swait.ge [sflag:s4], $0x0  }
0x19: {  	s7 =	sld [smem:$0x3F8E]  }
0x1a: {  	s8 =	sadd.s32 $0xFFFFE003, lr  }
0x1b: {  	s9 =	sadd.s32 $0xFFFFFEF7, lr;
	s5 =	simm.s32 $0xFFFFFFFF;
	p2 =	slt.u32 s8, $0xFFFFF086  }
0x1c: {  	p1 =	slt.u32 s9, $0xF7A;
	s5 =	simm.s32 @!p2 $0x0  }
0x1d: {  	s5 =	simm.s32 @p1 $0x1;
	p0 =	seq.s32 s7, s2  }
0x1e: {  	s7 =	smul.u32 @!p0 $0xF7A, s2;
	p2 =	seq.s32 @!p0 s5, $0x0  }
0x1f: {  	s9 =	smul.u32 $0xF7A, s1;
	s8 =	simm.s32 @!p0 $0x1BF5;
	p2 =	por !p2, p0  }
0x20: {  	[sflag:s8] =	ssyncset.s32 @!p0 $0xFFFFF086;
	s6 =	sadd.s32 @!p0 s3, s7;
	s7 =	simm.s32 @!p0 $0x108  }
0x21: {  	s3 =	sadd.s32 s3, s9;
	s6 =	sadd.s32 @!p0 $0x88, s6;
	s7 =	simm.s32 @p2 $0x1082  }
0x22: {  	[simem:s7], [sflag:s8] =	dma.local @!p0 [hbm:s6], $0xF7A  }
0x23: {  	s9 =	sor.u32 $0xD0000000, s2;
	s6 =	simm.s32 $0x108;
	_ =	swait.ge @!p0 [sflag:s8], $0x0  }
0x24: {  	s3 =	sadd.s32 $0x88, s3;
	s6 =	simm.s32 @!p1 $0x1082;
	[sflag:s4] =	ssyncset.s32 $0xFFFFF086  }
0x25: {  	[simem:s6], [sflag:s4] =	dma.local [hbm:s3], $0xF7A  }
0x26: {  	[smem:$0x3F8E] =	sst s1;
	(tag) =	ssettag s2;
	_ =	strace s9  }
0x27: {  	s1 =	sld [smem:$0x3F9E]  }
0x28: {  	s2 =	sld [smem:$0x3F9F]  }
0x29: {  	s4 =	sld [smem:$0x3FA1]  }
0x2a: {  	p0 =	seq.s32 s5, $0x0;
	s5 =	sld [smem:$0x3FA2]  }
0x2b: {  	s6 =	sld [smem:$0x3FA3]  }
0x2c: {  	s7 =	sld [smem:$0x3FA4]  }
0x2d: {  	s3 =	simm.s32 $0x108;
	s8 =	sld [smem:$0x3FA5]  }
0x2e: {  	s3 =	simm.s32 @!p0 $0x1082;
	s9 =	sld [smem:$0x3FA6]  }
0x2f: {  	lr =	sadd.s32 s0, s3;
	s0 =	sld [smem:$0x3F9D]  }
0x30: {  	s3 =	sld [smem:$0x3FA0]  }
0x31: {  	[smem:$0x3FA9] =	sst s10  }
0x32: {  	s10 =	sld [smem:$0x3FA7];
	_ =	sdelay $0x3  }
0x33: {  	p0 =	seq.s32 s10, $0x1;
	s10 =	sld [smem:$0x3FA9];
	_ =	sdelay $0x3  }
0x34: {  	[smem:$0x3FA9] =	sst s10  }
0x35: {  	s10 =	sld [smem:$0x3FA8];
	_ =	sdelay $0x3  }
0x36: {  	p1 =	seq.s32 s10, $0x1;
	s10 =	sld [smem:$0x3FA9];
	_ =	sdelay $0x3  }
0x37: {  	[smem:$0x3FA9] =	sst s10  }
0x38: {  	s10 =	sld [smem:$0x3FAA]  }
0x39: {  	_ = 	snop;
	(pc) =	sbr.ind lr, $3  }
0x3a: {  	_ = 	snop  }
0x3b: {  	_ = 	snop  }
0x3c: {  	p2 =	seq.s32 s10, $0x1;
	s10 =	sld [smem:$0x3FA9]  }
0x3d: {  	_ =	shalt  }
0x3e: {  	_ =	shalt  }
0x3f: {  	_ =	shalt  }
0x40: {  	_ =	shalt  }
0x41: {  	_ =	shalt  }
0x42: {  	_ =	shalt  }
0x43: {  	_ =	shalt  }
0x44: {  	_ =	shalt  }
0x45: {  	_ =	shalt  }
0x46: {  	_ =	shalt  }
0x47: {  	_ =	shalt  }
0x48: {  	_ =	shalt  }
0x49: {  	_ =	shalt  }
0x4a: {  	_ =	shalt  }
0x4b: {  	_ =	shalt  }
0x4c: {  	_ =	shalt  }
0x4d: {  	_ =	shalt  }
0x4e: {  	_ =	shalt  }
0x4f: {  	_ =	shalt  }
0x50: {  	_ =	shalt  }
0x51: {  	_ =	shalt  }
0x52: {  	_ =	shalt  }
0x53: {  	_ =	shalt  }
0x54: {  	_ =	shalt  }
0x55: {  	_ =	shalt  }
0x56: {  	_ =	shalt  }
0x57: {  	_ =	shalt  }
0x58: {  	_ =	shalt  }
0x59: {  	_ =	shalt  }
0x5a: {  	_ =	shalt  }
0x5b: {  	_ =	shalt  }
0x5c: {  	_ =	shalt  }
0x5d: {  	_ =	shalt  }
0x5e: {  	_ =	shalt  }
0x5f: {  	_ =	shalt  }
0x60: {  	_ =	shalt  }
0x61: {  	_ =	shalt  }
0x62: {  	_ =	shalt  }
0x63: {  	_ =	shalt  }
0x64: {  	_ =	shalt  }
0x65: {  	_ =	shalt  }
0x66: {  	_ =	shalt  }
0x67: {  	_ =	shalt  }
0x68: {  	_ =	shalt  }
0x69: {  	_ =	shalt  }
0x6a: {  	_ =	shalt  }
0x6b: {  	_ =	shalt  }
0x6c: {  	_ =	shalt  }
0x6d: {  	_ =	shalt  }
0x6e: {  	_ =	shalt  }
0x6f: {  	_ =	shalt  }
0x70: {  	_ =	shalt  }
0x71: {  	_ =	shalt  }
0x72: {  	_ =	shalt  }
0x73: {  	_ =	shalt  }
0x74: {  	_ =	shalt  }
0x75: {  	_ =	shalt  }
0x76: {  	_ =	shalt  }
0x77: {  	_ =	shalt  }
0x78: {  	_ =	shalt  }
0x79: {  	_ =	shalt  }
0x7a: {  	_ =	shalt  }
0x7b: {  	_ =	shalt  }
0x7c: {  	_ =	shalt  }
0x7d: {  	_ =	shalt  }
0x7e: {  	_ =	shalt  }
0x7f: {  	_ =	shalt  }
0x80: {  	_ =	shalt  }
0x81: {  	_ =	shalt  }
0x82: {  	_ =	shalt  }
0x83: {  	_ =	shalt  }
0x84: {  	_ =	shalt  }
0x85: {  	_ =	shalt  }
0x86: {  	_ =	shalt  }
0x87: {  	_ =	shalt  }
.Lfunc_end0:
.L_simem_size_0:
called_computation_lowered:
.L_overlay_start_0:
0x88: {  	s2 =	sld [smem:$0x3FD9]  }
0x89: {  	s3 =	sld [smem:$0x3FFE];
	_ =	sdelay $0x1  }
0x8a: {  	s1 =	srdreg.scid  }
0x8b: {  	s0 =	sand.u32 $0x1, s1  }
0x8c: {  	s14 =	sshll.u32 s0, $0xA;
	s2 =	sadd.s32 s3, s2  }
0x8d: {  	s2 =	sadd.s32 s2, s14  }
0x8e: {  	[smem:$0x3FB5] =	sst s2  }
0x8f: {  	_ = 	snop  }
0x90: {  	s2 =	sld [smem:$0x3FD0];
	_ =	sdelay $0x2  }
0x91: {  	s15 =	simm.s32 $0xB;
	s4 =	simm.s32 $0x10  }
0x92: {  	[smem:s4], [sflag:s15] =	dma.local [hbm:s2], $0x1  }
0x93: {  	_ =	swait.eq [sflag:s15], $0x1  }
0x94: {  	[sflag:s15] =	ssyncset.done $0x0  }
0x95: {  	s16 =	sld [smem:$0x11];
	[sflag:s15] =	ssyncadd.s32 $0xFFFFFFFF  }
0x96: {  	s17 =	sld [smem:$0x12];
	(tm) =	ssettm $0x1  }
0x97: {  	s18 =	sld [smem:$0x3FFB];
	_ =	sdelay $0x3  }
0x98: {  	_ =	strace s18  }
0x99: {  	s4 =	sld [smem:$0x3FFC];
	_ =	sdelay $0x3  }
0x9a: {  	_ =	strace s4  }
0x9b: {  	s4 =	sld [smem:$0x3FFD];
	_ =	sdelay $0x3  }
0x9c: {  	_ =	strace s4  }
0x9d: {  	_ =	strace $0x8FFFFFFF  }
0x9e: {  	s19 =	sld [smem:$0x3FDB];
	_ =	sdelay $0x1  }
0x9f: {  	s5 =	simm.s32 $_scs_section_size  }
0xa0: {  	s6 =	simm.s32 $_size__tile_overlayer_lowered;
	s7 =	simm.s32 $_tile_overlayer_lowered  }
0xa1: {  	s22 =	simm.s32 $0x1BFF;
	s21 =	sshll.u32 s7, $0x1;
	s4 =	sadd.s32 s5, s19  }
0xa2: {  	s8 =	simm.s32 $0x0;
	s20 =	sshll.u32 s6, $0x1;
	s6 =	sadd.s32 s21, s4  }
0xa3: {  	[timem:s8], [sflag:s22] =	dma.local [hbm:s6], s20  }
0xa4: {  	_ =	swait.ge [sflag:s22], s20  }
0xa5: {  	s5 =	ssub.s32 $0x0, s20;
	[sflag:s22] =	ssyncset.done $0x0  }
0xa6: {  	[sflag:s22] =	ssyncadd.s32 s5;
	_ =	sdelay $0x1  }
0xa7: {  	s23 =	simm.s32 $0x1B8B  }
0xa8: {  	_ =	swait.ge [sflag:s23], $0x1  }
0xa9: {  	[sflag:s23] =	ssyncset.done $0x0  }
0xaa: {  	s25 =	simm.s32 $0x1B8E;
	s24 =	sld [smem:$0x3FFE];
	[sflag:s23] =	ssyncadd.s32 $0xFFFFFFFF  }
0xab: {  	s26 =	simm.s32 $execute0_lowered;
	[smem:$0x3FD2] =	sst s25  }
0xac: {  	s6 =	sshll.u32 s26, $0x1;
	_ =	strace $0x80000046;
	[dreg:$0x1] =	wrdreg $0xFFFFFFFF  }
0xad: {  	s28 =	simm.s32 $_size_execute0_lowered;
	s4 =	sadd.s32 s4, s6;
	[dreg:$0x0] =	wrdreg $0x0  }
0xae: {  	s6 =	sshll.u32 s28, $0x1;
	[dreg:$0x2] =	wrdreg s4  }
0xaf: {  	[dreg:$0x3] =	wrdreg s6  }
0xb0: {  	[dreg:$0x4] =	wrdreg $0xC0  }
0xb1: {  	_ =	task [dreg:s8], $0x5FFFF  }
0xb2: {  	[dreg:$0x1] =	wrdreg $0xFFFFFFFF  }
0xb3: {  	[dreg:$0x0] =	wrdreg $0x60  }
0xb4: {  	[dreg:$0x2] =	wrdreg s17  }
0xb5: {  	[dreg:$0x3] =	wrdreg s16  }
0xb6: {  	[dreg:$0x4] =	wrdreg s24  }
0xb7: {  	[dreg:$0x5] =	wrdreg $0x9  }
0xb8: {  	_ =	task.clear_ibuf [dreg:s8], $0x6FFFF;
	_ =	strace $0x90000046  }
0xb9: {  	s29 =	simm.s32 $0x9;
	_ =	strace $0x80000054  }
0xba: {  	_ =	swait.ge [sflag:s29], $0x1  }
0xbb: {  	[sflag:s29] =	ssyncadd.s32 $0xFFFFFFFF  }
0xbc: {  	_ =	strace $0x90000054  }
0xbd: {  	_ =	sfence  }
0xbe: {  	s30 =	sld [smem:$0x0];
	_ =	sdelay $0x2  }
0xbf: {  	s31 =	sshll.u32 s1, $0xD;
	s1 =	sshrl.u32 s1, $0x2  }
0xc0: {  	s3 =	sand.u32 $0x4000, s31;
	s1 =	sadd.s32 s1, s30  }
0xc1: {  	s0 =	sor.u32 s3, s0;
	s1 =	sshll.u32 s1, $0x11  }
0xc2: {  	s0 =	sor.u32 s1, s0  }
0xc3: {  	s0 =	sadd.s32 $0x8F2B, s0  }
0xc4: {  	[sflag:s0] =	ssyncadd.remote.s32 $0x1  }
0xc5: {  	_ =	sfence.sel $0xFFFF  }
0xc6: {  	[dreg:$0x0] =	wrdreg $0xFFFFFFFF;
	(pc) =	sbr.abs _section_cstart, $3  }
0xc7: {  	[dreg:$0x1] =	wrdreg $0xFFFFFFFF  }
0xc8: {  	_ =	task.clear_ibuf [dreg:s8], $0x2FFFF;
	_ =	strace $0x9FFFFFFF  }
0xc9: {  	(tm) =	ssettm $0x7FFFFFFF  }
tec
execute0_lowered:
.L_overlay_start_1:
0x0: {  	(tag) =	ssettag $0x1  }
0x1: {  	s1 =	srdreg.scid  }
0x2: {  	s1 =	sand.u32 $0x1, s1  }
0x3: {  	s0 =	rddreg [dreg:$0x0];
	s5 =	stileid.u32;
	s3 =	sshll.u32 s1, $0x4  }
0x4: {  	s2 =	rddreg [dreg:$0x2];
	s4 =	simm.s32 $0x0;
	s3 =	sor.u32 s5, s3  }
0x5: {  	s10 =	simm.s32 $0x28;
	s17 =	simm.s32 $0x9;
	s7 =	smul.u32 $0x27, s3  }
0x6: {  	[smem:$0x7FF] =	sst s4;
	s6 =	sadd.s32 $0xF800, s2;
	s9 =	smul.u32 $0x28, s3  }
0x7: {  	s1 =	ssub.s32 $0x2, s1;
	p0 =	slt.u32 s3, $0x2;
	s7 =	sadd.s32 $0x2, s7  }
0x8: {  	s8 =	sadd.s32 $0x3BA00, s2;
	s29 =	sshrl.u32 s1, $0x1;
	s7 =	smov.u32 @p0 s9  }
0x9: {  	_ =	strace $0x80000047;
	s1 =	ssub.s32 s1, s29;
	s30 =	sshll.u32 s7, $0x4  }
0xa: {  	s5 =	sadd.s32 $0xA800, s2;
	s1 =	smax.u32 s1, $0x1;
	s31 =	sand.u32 $0x1FFFFFF0, s30  }
0xb: {  	v3 =	vlaneseq.u32;
	s10 =	simm.s32 @!p0 $0x27;
	[dreg:$0x6] =	wrdreg s1;
	s3 =	sadd.s32 s5, s31  }
0xc: {  	vm0 =	vmmov $0xffff;
	v1 =	vshrl.u32 v3, $0x3;
	v0 =	vand.u32 $0x7, v3;
	s9 =	sadd.s32 $0x51DA00, s2;
	s2 =	sadd.s32 s6, s31;
	[dreg:$0x4] =	wrdreg s3  }
0xd: {  	v2 =	vor.u32 $0x8, v3;
	v3 =	vmul.u32 $0x80, v3;
	v1 =	vmul.u32 $0x8, v1;
	s13 =	sadd.s32 $0xFFFFFFFF, s10;
	[dreg:$0x5] =	wrdreg s2;
	s2 =	simm.s32 $0x0  }
.LBB2_1:
0xe: {  	[dreg:$0x7] =	wrdreg s2  }
0xf: {  	s1 =	rddreg [dreg:$0x1];
	s2 =	simm.s32 $0x1  }
0x10: {  	[tilespmem:s4], [sflag:$0x1] =	stream.linear.gather [hbm4b:s1+s4], $0x4E80, $0x38;
	[tilespmem:$0x1D080] =	vst v63  }
0x11: {  	_ =	swait.ge [sflag:s2], $0x4E80  }
0x12: {  	s3 =	simm.s32 $0x4E80;
	[sflag:s2] =	ssyncset.done $0x0  }
0x13: {  	s31 =	simm.s32 $0x4F80;
	s21 =	simm.s32 $0x0;
	[sflag:s2] =	ssyncadd.s32 $0xFFFFB180  }
0x14: {  	s20 =	simm.s32 $0x0;
	s22 =	simm.s32 $0x0;
	_ =	strace $0x80000048  }
0x15: {  	s23 =	simm.s32 $0x0;
	s24 =	simm.s32 $0x0;
	s29 =	rddreg [dreg:$0x4]  }
0x16: {  	[tilespmem:s3], [sflag:$0x1] =	stream.linear.gather [hbm4b:s29+s4], $0x80, $0x200038;
	[tilespmem:$0x1D080] =	vst v63  }
0x17: {  	s25 =	simm.s32 $0x1;
	s26 =	simm.s32 $0x0;
	s30 =	rddreg [dreg:$0x5]  }
0x18: {  	[tilespmem:s31], [sflag:$0x3] =	stream.linear.gather [hbm4b:s30+s4], $0x80, $0x200038;
	[tilespmem:$0x1D080] =	vst v63  }
0x19: {  	s28 =	simm.s32 $0x0;
	s1 =	simm.s32 $0x0;
	_ =	strace $0x90000048  }
.LBB2_2:
0x1a: {  	s29 =	smov.u32 s21;
	s21 =	sadd.s32 $0x1, s21  }
0x1b: {  	p0 =	seq.s32 s21, s10  }
0x1c: {  	s21 =	simm.s32 @p0 $0x0;
	p0 =	sge.u32 s28, s13  }
0x1d: {  	p1 =	seq.s32 @!p0 s29, s21  }
0x1e: {  	p2 =	por p1, p0  }
0x1f: {  	s3 =	sadd.s32 @!p2 s7, s21  }
0x20: {  	s11 =	sand.u32 @!p2 $0x1, s2;
	_ =	strace @!p2 $0x80000049;
	s3 =	sshll.u32 @!p2 s3, $0x4  }
0x21: {  	s15 =	simm.s32 @!p2 $0x0;
	s12 =	sshll.u32 @!p2 s11, $0x7;
	s3 =	sand.u32 @!p2 $0x1FFFFFF0, s3  }
0x22: {  	s11 =	sadd.s32 @!p2 $0x1, s11;
	s12 =	sadd.s32 @!p2 $0x4E80, s12;
	s14 =	sadd.s32 @!p2 s5, s3  }
0x23: {  	[tilespmem:s12], [sflag:s11] =	stream.linear.gather @!p2 [hbm4b:s14+s15], $0x80, $0x200038;
	[tilespmem:$0x1D080] =	vst v63  }
0x24: {  	s11 =	sand.u32 @!p2 $0x1, s25  }
0x25: {  	s3 =	sadd.s32 @!p2 s6, s3;
	_ =	strace @!p2 $0x90000049;
	s12 =	sshll.u32 @!p2 s11, $0x7  }
0x26: {  	s11 =	sadd.s32 @!p2 $0x3, s11;
	_ =	strace @!p2 $0x8000004A;
	s12 =	sadd.s32 @!p2 $0x4F80, s12  }
0x27: {  	[tilespmem:s12], [sflag:s11] =	stream.linear.gather @!p2 [hbm4b:s3+s15], $0x80, $0x200038;
	[tilespmem:$0x1D080] =	vst v63  }
0x28: {  	s14 =	sand.u32 $0x1, s26;
	_ =	strace @!p2 $0x9000004A  }
0x29: {  	s3 =	sadd.s32 $0x1, s14;
	_ =	strace $0x8000004B  }
0x2a: {  	_ =	swait.ge [sflag:s3], $0x80  }
0x2b: {  	[sflag:s3] =	ssyncset.done $0x0  }
0x2c: {  	[sflag:s3] =	ssyncadd.s32 $0xFFFFFF80  }
0x2d: {  	s15 =	sand.u32 $0x1, s24;
	_ =	strace $0x9000004B  }
0x2e: {  	s3 =	sadd.s32 $0x3, s15;
	_ =	strace $0x8000004C  }
0x2f: {  	_ =	swait.ge [sflag:s3], $0x80  }
0x30: {  	[sflag:s3] =	ssyncset.done $0x0  }
0x31: {  	[sflag:s3] =	ssyncadd.s32 $0xFFFFFF80  }
0x32: {  	s16 =	sshll.u32 s26, $0x7;
	_ =	strace $0x9000004C  }
0x33: {  	s15 =	sand.u32 $0x80, s16;
	_ =	strace $0x8000004D  }
0x34: {  	v4 =	vld [tilespmem:s15+$0x4E80];
	_ =	sdelay $0x4  }
0x35: {  	v5 =	vshll.u32 v4, $0x1  }
0x36: {  	v4 =	vand.u32 $0x7, v4;
	v5 =	vand.u32 $0xFFFFFFF0, v5  }
0x37: {  	v4 =	vor.u32 v4, v5  }
0x38: {  	v5 =	vperm.xlane v4, v0;
	_ =	sdelay $0x1  }
0x39: {  	v4 =	vperm.xlane v4, v2;
	v5 =	vadd.s32 v1, v5;
	_ =	sdelay $0x1  }
0x3a: {  	s30 =	sand.u32 $0x1, s23;
	v4 =	vadd.s32 v1, v4  }
0x3b: {  	s11 =	sshll.u32 s30, $0xF  }
0x3c: {  	s31 =	sor.u32 $0x5080, s11;
	s3 =	simm.s32 $0x0  }
0x3d: {  	[tilespmem:s31], [sflag:$0x9] =	stream.indirect_vreg.gather [hbm4b:s0+s3], $0x80, v5, vm0, $0x2000b8;
	[tilespmem:$0x1D080] =	vst v63  }
0x3e: {  	s18 =	sor.u32 $0x5880, s11  }
0x3f: {  	[tilespmem:s18], [sflag:$0x9] =	stream.indirect_vreg.gather [hbm4b:s0+s3], $0x80, v4, vm0, $0x2000b8;
	[tilespmem:$0x1D080] =	vst v63  }
0x40: {  	v4 =	vld [tilespmem:s15+$0x4E90];
	_ =	sdelay $0x4  }
0x41: {  	v5 =	vshll.u32 v4, $0x1  }
0x42: {  	v4 =	vand.u32 $0x7, v4;
	v5 =	vand.u32 $0xFFFFFFF0, v5  }
0x43: {  	v4 =	vor.u32 v4, v5  }
0x44: {  	v5 =	vperm.xlane v4, v0;
	_ =	sdelay $0x1  }
0x45: {  	v4 =	vperm.xlane v4, v2;
	v5 =	vadd.s32 v1, v5;
	_ =	sdelay $0x1  }
0x46: {  	v4 =	vadd.s32 v1, v4;
	_ =	sdelay $0x1  }
0x47: {  	s14 =	sor.u32 $0x6080, s11  }
0x48: {  	[tilespmem:s14], [sflag:$0x9] =	stream.indirect_vreg.gather [hbm4b:s0+s3], $0x80, v5, vm0, $0x2000b8;
	[tilespmem:$0x1D080] =	vst v63  }
0x49: {  	s16 =	sor.u32 $0x6880, s11  }
0x4a: {  	[tilespmem:s16], [sflag:$0x9] =	stream.indirect_vreg.gather [hbm4b:s0+s3], $0x80, v4, vm0, $0x2000b8;
	[tilespmem:$0x1D080] =	vst v63  }
0x4b: {  	v4 =	vld [tilespmem:s15+$0x4EA0];
	_ =	sdelay $0x4  }
0x4c: {  	v5 =	vshll.u32 v4, $0x1  }
0x4d: {  	v4 =	vand.u32 $0x7, v4;
	v5 =	vand.u32 $0xFFFFFFF0, v5  }
0x4e: {  	v4 =	vor.u32 v4, v5  }
0x4f: {  	v5 =	vperm.xlane v4, v0;
	_ =	sdelay $0x1  }
0x50: {  	v4 =	vperm.xlane v4, v2;
	v5 =	vadd.s32 v1, v5;
	_ =	sdelay $0x1  }
0x51: {  	v4 =	vadd.s32 v1, v4;
	_ =	sdelay $0x1  }
0x52: {  	s18 =	sor.u32 $0x7080, s11  }
0x53: {  	[tilespmem:s18], [sflag:$0x9] =	stream.indirect_vreg.gather [hbm4b:s0+s3], $0x80, v5, vm0, $0x2000b8;
	[tilespmem:$0x1D080] =	vst v63  }
0x54: {  	s14 =	sor.u32 $0x7880, s11  }
0x55: {  	[tilespmem:s14], [sflag:$0x9] =	stream.indirect_vreg.gather [hbm4b:s0+s3], $0x80, v4, vm0, $0x2000b8;
	[tilespmem:$0x1D080] =	vst v63  }
0x56: {  	v4 =	vld [tilespmem:s15+$0x4EB0];
	_ =	sdelay $0x4  }
0x57: {  	v5 =	vshll.u32 v4, $0x1  }
0x58: {  	v4 =	vand.u32 $0x7, v4;
	v5 =	vand.u32 $0xFFFFFFF0, v5  }
0x59: {  	v4 =	vor.u32 v4, v5  }
0x5a: {  	v5 =	vperm.xlane v4, v0;
	_ =	sdelay $0x1  }
0x5b: {  	v4 =	vperm.xlane v4, v2;
	v5 =	vadd.s32 v1, v5;
	_ =	sdelay $0x1  }
0x5c: {  	v4 =	vadd.s32 v1, v4;
	_ =	sdelay $0x1  }
0x5d: {  	s16 =	sadd.s32 $0x8080, s11  }
0x5e: {  	[tilespmem:s16], [sflag:$0x9] =	stream.indirect_vreg.gather [hbm4b:s0+s3], $0x80, v5, vm0, $0x2000b8;
	[tilespmem:$0x1D080] =	vst v63  }
0x5f: {  	s18 =	sadd.s32 $0x8880, s11  }
0x60: {  	[tilespmem:s18], [sflag:$0x9] =	stream.indirect_vreg.gather [hbm4b:s0+s3], $0x80, v4, vm0, $0x2000b8;
	[tilespmem:$0x1D080] =	vst v63  }
0x61: {  	v4 =	vld [tilespmem:s15+$0x4EC0];
	_ =	sdelay $0x4  }
0x62: {  	v5 =	vshll.u32 v4, $0x1  }
0x63: {  	v4 =	vand.u32 $0x7, v4;
	v5 =	vand.u32 $0xFFFFFFF0, v5  }
0x64: {  	v4 =	vor.u32 v4, v5  }
0x65: {  	v5 =	vperm.xlane v4, v0;
	_ =	sdelay $0x1  }
0x66: {  	v4 =	vperm.xlane v4, v2;
	v5 =	vadd.s32 v1, v5;
	_ =	sdelay $0x1  }
0x67: {  	v4 =	vadd.s32 v1, v4;
	_ =	sdelay $0x1  }
0x68: {  	s14 =	sadd.s32 $0x9080, s11  }
0x69: {  	[tilespmem:s14], [sflag:$0x9] =	stream.indirect_vreg.gather [hbm4b:s0+s3], $0x80, v5, vm0, $0x2000b8;
	[tilespmem:$0x1D080] =	vst v63  }
0x6a: {  	s16 =	sadd.s32 $0x9880, s11  }
0x6b: {  	[tilespmem:s16], [sflag:$0x9] =	stream.indirect_vreg.gather [hbm4b:s0+s3], $0x80, v4, vm0, $0x2000b8;
	[tilespmem:$0x1D080] =	vst v63  }
0x6c: {  	v4 =	vld [tilespmem:s15+$0x4ED0];
	_ =	sdelay $0x4  }
0x6d: {  	v5 =	vshll.u32 v4, $0x1  }
0x6e: {  	v4 =	vand.u32 $0x7, v4;
	v5 =	vand.u32 $0xFFFFFFF0, v5  }
0x6f: {  	v4 =	vor.u32 v4, v5  }
0x70: {  	v5 =	vperm.xlane v4, v0;
	_ =	sdelay $0x1  }
0x71: {  	v4 =	vperm.xlane v4, v2;
	v5 =	vadd.s32 v1, v5;
	_ =	sdelay $0x1  }
0x72: {  	v4 =	vadd.s32 v1, v4;
	_ =	sdelay $0x1  }
0x73: {  	s18 =	sadd.s32 $0xA080, s11  }
0x74: {  	[tilespmem:s18], [sflag:$0x9] =	stream.indirect_vreg.gather [hbm4b:s0+s3], $0x80, v5, vm0, $0x2000b8;
	[tilespmem:$0x1D080] =	vst v63  }
0x75: {  	s14 =	sadd.s32 $0xA880, s11  }
0x76: {  	[tilespmem:s14], [sflag:$0x9] =	stream.indirect_vreg.gather [hbm4b:s0+s3], $0x80, v4, vm0, $0x2000b8;
	[tilespmem:$0x1D080] =	vst v63  }
0x77: {  	v4 =	vld [tilespmem:s15+$0x4EE0];
	_ =	sdelay $0x4  }
0x78: {  	v5 =	vshll.u32 v4, $0x1  }
0x79: {  	v4 =	vand.u32 $0x7, v4;
	v5 =	vand.u32 $0xFFFFFFF0, v5  }
0x7a: {  	v4 =	vor.u32 v4, v5  }
0x7b: {  	v5 =	vperm.xlane v4, v0;
	_ =	sdelay $0x1  }
0x7c: {  	v4 =	vperm.xlane v4, v2;
	v5 =	vadd.s32 v1, v5;
	_ =	sdelay $0x1  }
0x7d: {  	v4 =	vadd.s32 v1, v4;
	_ =	sdelay $0x1  }
0x7e: {  	s16 =	sadd.s32 $0xB080, s11  }
0x7f: {  	[tilespmem:s16], [sflag:$0x9] =	stream.indirect_vreg.gather [hbm4b:s0+s3], $0x80, v5, vm0, $0x2000b8;
	[tilespmem:$0x1D080] =	vst v63  }
0x80: {  	s18 =	sadd.s32 $0xB880, s11  }
0x81: {  	[tilespmem:s18], [sflag:$0x9] =	stream.indirect_vreg.gather [hbm4b:s0+s3], $0x80, v4, vm0, $0x2000b8;
	[tilespmem:$0x1D080] =	vst v63  }
0x82: {  	v4 =	vld [tilespmem:s15+$0x4EF0];
	_ =	sdelay $0x4  }
0x83: {  	v5 =	vshll.u32 v4, $0x1  }
0x84: {  	v4 =	vand.u32 $0x7, v4;
	v5 =	vand.u32 $0xFFFFFFF0, v5  }
0x85: {  	v4 =	vor.u32 v4, v5  }
0x86: {  	v5 =	vperm.xlane v4, v0;
	_ =	sdelay $0x1  }
0x87: {  	v4 =	vperm.xlane v4, v2;
	v5 =	vadd.s32 v1, v5;
	_ =	sdelay $0x1  }
0x88: {  	v4 =	vadd.s32 v1, v4;
	_ =	sdelay $0x1  }
0x89: {  	s14 =	sadd.s32 $0xC080, s11  }
0x8a: {  	[tilespmem:s14], [sflag:$0x9] =	stream.indirect_vreg.gather [hbm4b:s0+s3], $0x80, v5, vm0, $0x2000b8;
	[tilespmem:$0x1D080] =	vst v63  }
0x8b: {  	s11 =	sadd.s32 $0xC880, s11  }
0x8c: {  	[tilespmem:s11], [sflag:$0x9] =	stream.indirect_vreg.gather [hbm4b:s0+s3], $0x80, v4, vm0, $0x2000b8;
	[tilespmem:$0x1D080] =	vst v63  }
0x8d: {  	_ =	swait.ge [sflag:s17], $0x8000  }
0x8e: {  	s16 =	sshll.u32 s24, $0x7;
	[sflag:s17] =	ssyncset.done $0x0  }
0x8f: {  	s12 =	sand.u32 $0x80, s16;
	s11 =	sadd.s32 $0x4E80, s15;
	[sflag:s17] =	ssyncadd.s32 $0xFFFF8000  }
0x90: {  	s14 =	sadd.s32 $0x4F80, s12;
	v4 =	vld [tilespmem:s11+$0x0]  }
0x91: {  	v5 =	vld [tilespmem:s14+$0x0];
	_ =	sdelay $0x3  }
0x92: {  	v4 =	vshll.u32 v4, $0x1  }
0x93: {  	v5 =	vshll.u32 v5, $0x1  }
0x94: {  	v6 =	vor.u32 $0x1, v4  }
0x95: {  	v7 =	vor.u32 $0x1, v5;
	_ =	sdelay $0x1  }
0x96: {  	v4 =	vld.idx.msk [tilespmem:v4+s4+$0x0], $0xffff  }
0x97: {  	v5 =	vld.idx.msk [tilespmem:v5+s4+$0x0], $0xffff  }
0x98: {  	v8 =	vmov s3;
	v6 =	vld.idx.msk [tilespmem:v6+s4+$0x0], $0xffff  }
0x99: {  	v8 =	vshll.u32 v8, $0x7;
	v7 =	vld.idx.msk [tilespmem:v7+s4+$0x0], $0xffff  }
0x9a: {  	v8 =	vor.u32 v3, v8;
	_ =	sdelay $0x1  }
0x9b: {  	s16 =	sand.u32 $0x1, s22  }
0x9c: {  	v9 =	vor.u32 $0x1, v8;
	s18 =	sshll.u32 s16, $0xE;
	v4 =	vsub.f32 v4, v5  }
0x9d: {  	s12 =	sadd.s32 $0x15080, s18;
	v5 =	vsub.f32 v6, v7  }
0x9e: {  	s19 =	smov.u32 s2;
	p1 =	por !p1, p0;
	v6 =	vmul.f32 v4, v4;
	[tilespmem:v8+s12+$0x0] =	vst.idx.msk $0xffff, v4;
	v4 =	vor.u32 $0x2, v8  }
0x9f: {  	s18 =	sadd.s32 s7, s29;
	s3 =	sadd.s32 @!p2 $0x1, s2;
	s15 =	simm.s32 $0x0;
	v7 =	vmul.f32 v5, v5  }
0xa0: {  	s2 =	smov.u32 @p1 s3;
	s15 =	simm.s32 @p1 $0x1;
	s3 =	smov.u32 s1  }
0xa1: {  	s1 =	simm.s32 $0x10;
	s2 =	smov.u32 @p0 s19;
	s15 =	simm.s32 @p0 $0x0;
	[tilespmem:v9+s12+$0x0] =	vst.idx.msk $0xffff, v5;
	v5 =	vadd.f32 v7, v6  }
.LBB2_3:
0xa2: {  	_ = 	snop  }
0xa3: {  	p0 =	sne.s32 s1, $0x70;
	s11 =	sadd.s32 $0x10, s11;
	s14 =	sadd.s32 $0x10, s14;
	[tilespmem:v4+s12+$0x0] =	vst.idx.msk $0xffff, v5  }
0xa4: {  	s19 =	smov.u32 s1;
	s1 =	sadd.s32 $0x10, s1;
	v4 =	vld [tilespmem:s11+$0x0];
	_ =	sdelay $0x1  }
0xa5: {  	v5 =	vld [tilespmem:s14+$0x0];
	_ =	sdelay $0x2  }
0xa6: {  	v4 =	vshll.u32 v4, $0x1  }
0xa7: {  	v6 =	vor.u32 $0x1, v4  }
0xa8: {  	v5 =	vshll.u32 v5, $0x1  }
0xa9: {  	v7 =	vor.u32 $0x1, v5;
	_ =	sdelay $0x1  }
0xaa: {  	v4 =	vld.idx.msk [tilespmem:v4+s4+$0x0], $0xffff  }
0xab: {  	v6 =	vld.idx.msk [tilespmem:v6+s4+$0x0], $0xffff  }
0xac: {  	v5 =	vld.idx.msk [tilespmem:v5+s4+$0x0], $0xffff  }
0xad: {  	v8 =	vmov s19;
	v7 =	vld.idx.msk [tilespmem:v7+s4+$0x0], $0xffff  }
0xae: {  	v8 =	vshll.u32 v8, $0x7  }
0xaf: {  	v8 =	vor.u32 v3, v8  }
0xb0: {  	v9 =	vor.u32 $0x1, v8;
	_ =	sdelay $0x1  }
0xb1: {  	v5 =	vsub.f32 v4, v5  }
.Ltmp0:
0xb2: {  	v6 =	vsub.f32 v6, v7;
	(pc) =	sbr.rel @p0 .LBB2_3-.Ltmp0, $3  }
0xb3: {  	v4 =	vor.u32 $0x2, v8;
	[tilespmem:v8+s12+$0x0] =	vst.idx.msk $0xffff, v5  }
0xb4: {  	v5 =	vmul.f32 v5, v5;
	v7 =	vmul.f32 v6, v6;
	[tilespmem:v9+s12+$0x0] =	vst.idx.msk $0xffff, v6;
	_ =	sdelay $0x1  }
0xb5: {  	v5 =	vadd.f32 v7, v5  }
0xb6: {  	_ = 	snop  }
0xb7: {  	p0 =	seq.s32 s28, s13  }
0xb8: {  	p1 =	seq.s32 @!p0 s29, s21  }
0xb9: {  	p0 =	por p0, !p1  }
0xba: {  	[tilespmem:v4+s12+$0x0] =	vst.idx.msk $0xffff, v5;
	s1 =	sshll.u32 @p0 s18, $0xC  }
0xbb: {  	s11 =	simm.s32 $0x0;
	_ =	strace $0x9000004D;
	s1 =	sand.u32 @p0 $0x1FFFF000, s1  }
0xbc: {  	_ =	strace @p0 $0x8000004E;
	s11 =	sadd.s32 @p0 $0x5, s30;
	s1 =	sadd.s32 @p0 s8, s1  }
0xbd: {  	[hbm4b:s1+s4] =	stream.linear.scatter @p0 [tilespmem:s31], [sflag:s11], $0x8000, $0x200038;
	[tilespmem:$0x1D080] =	vst v63  }
0xbe: {  	s1 =	sshll.u32 @p0 s18, $0xB  }
0xbf: {  	s23 =	sadd.s32 @p0 $0x1, s23;
	_ =	strace @p0 $0x9000004E;
	s1 =	sand.u32 @p0 $0x1FFFF800, s1  }
0xc0: {  	s11 =	sadd.s32 @p0 $0x7, s16;
	_ =	strace @p0 $0x8000004F;
	s1 =	sadd.s32 @p0 s9, s1  }
0xc1: {  	[hbm4b:s1+s4] =	stream.linear.scatter @p0 [tilespmem:s12], [sflag:s11], $0x4000, $0x200038;
	[tilespmem:$0x1D080] =	vst v63  }
0xc2: {  	s11 =	simm.s32 @p0 $0x1;
	_ =	strace @p0 $0x9000004F;
	p0 =	seq.s32 s28, $0x0  }
0xc3: {  	s1 =	sand.u32 @!p0 $0x1, s3  }
0xc4: {  	_ =	strace @!p0 $0x80000050;
	s1 =	sadd.s32 @!p0 $0x5, s1  }
0xc5: {  	_ =	swait.ge @!p0 [sflag:s1], $0x8000  }
0xc6: {  	[sflag:s1] =	ssyncset.done @!p0 $0x0  }
0xc7: {  	[sflag:s1] =	ssyncadd.s32 @!p0 $0xFFFF8000  }
0xc8: {  	s1 =	sand.u32 @!p0 $0x1, s20;
	_ =	strace @!p0 $0x90000050  }
0xc9: {  	s12 =	sadd.s32 @!p0 $0x7, s1;
	_ =	strace @!p0 $0x80000051  }
0xca: {  	_ =	swait.ge @!p0 [sflag:s12], $0x4000  }
0xcb: {  	s28 =	sadd.s32 $0x1, s28;
	s1 =	sadd.s32 @!p0 $0x1, s3;
	[sflag:s12] =	ssyncset.done @!p0 $0x0  }
0xcc: {  	s1 =	smov.u32 @p0 s3;
	[sflag:s12] =	ssyncadd.s32 @!p0 $0xFFFFC000;
	s12 =	simm.s32 @!p0 $0x1  }
0xcd: {  	_ =	strace @!p0 $0x90000051;
	s12 =	simm.s32 @p0 $0x0;
	p0 =	sne.s32 s28, s10  }
.Ltmp1:
0xce: {  	_ = 	snop;
	(pc) =	sbr.rel @p0 .LBB2_2-.Ltmp1, $3  }
0xcf: {  	_ =	sdelay $0x1  }
0xd0: {  	s25 =	sadd.s32 s25, s15;
	s22 =	sadd.s32 s22, s11  }
0xd1: {  	s26 =	sadd.s32 s26, s11;
	s24 =	sadd.s32 s24, s11;
	s20 =	sadd.s32 s20, s12  }
0xd2: {  	s1 =	sand.u32 $0x1, s1  }
0xd3: {  	_ =	strace $0x80000052;
	s1 =	sadd.s32 $0x5, s1  }
0xd4: {  	_ =	swait.ge [sflag:s1], $0x8000  }
0xd5: {  	[sflag:s1] =	ssyncset.done $0x0  }
0xd6: {  	[sflag:s1] =	ssyncadd.s32 $0xFFFF8000  }
0xd7: {  	s30 =	sand.u32 $0x1, s20;
	_ =	strace $0x90000052  }
0xd8: {  	s1 =	sadd.s32 $0x7, s30;
	_ =	strace $0x80000053  }
0xd9: {  	_ =	swait.ge [sflag:s1], $0x4000  }
0xda: {  	s2 =	rddreg [dreg:$0x7]  }
0xdb: {  	s31 =	rddreg [dreg:$0x6];
	s2 =	sadd.s32 $0x1, s2  }
0xdc: {  	p0 =	sne.s32 s2, s31  }
.Ltmp2:
0xdd: {  	_ = 	snop;
	(pc) =	sbr.rel @p0 .LBB2_1-.Ltmp2, $4  }
0xde: {  	_ = 	snop  }
0xdf: {  	[sflag:s1] =	ssyncset.done $0x0  }
0xe0: {  	[sflag:s1] =	ssyncadd.s32 $0xFFFFC000  }
0xe1: {  	_ =	strace $0x90000053  }
0xe2: {  	_ =	sfence.sel $0x180000  }
0xe3: {  	[bflag:$0x0] =	sbarrier.arrive $0xFFFF  }
0xe4: {  	_ =	strace $0x90000047  }
0xe5: {  	s0 =	stileid.u32;
	[bflag:$0x2] =	sbarrier.arrive $0xFFFF  }
0xe6: {  	p0 =	sne.s32 s0, $0x0;
	s0 =	rddreg [dreg:$0x3]  }
0xe7: {  	s0 =	sadd.s32 @!p0 $0x100000, s0  }
0xe8: {  	[sflag:s0] =	ssyncadd.tile.s32 @!p0 $0x1;
	_ =	shalt  }
.Lfunc_end2:
_tile_overlayer_lowered:
.L_overlay_start_2:
0xe9: {  	(tag) =	ssettag $0x2  }
0xea: {  	s0 =	rddreg [dreg:$0x0];
	s2 =	stileid.u32  }
0xeb: {  	s1 =	rddreg [dreg:$0x1];
	p0 =	sne.s32 s2, $0x0  }
0xec: {  	s3 =	rddreg [dreg:$0x2];
	[bflag:$0x3] =	sbarrier.arrive $0xFFFF;
	s2 =	simm.s32 @!p0 $0x1C01  }
0xed: {  	[timem:s3], [sflag:s2] =	dma.local @!p0 [hbm:s0], s1  }
0xee: {  	s0 =	simm.s32 @!p0 $0x1  }
0xef: {  	_ =	swait.ge @!p0 [sflag:s0], s1  }
0xf0: {  	s1 =	ssub.s32 @!p0 $0x0, s1;
	[sflag:s0] =	ssyncset.done @!p0 $0x0  }
0xf1: {  	[sflag:s0] =	ssyncadd.s32 @!p0 s1  }
0xf2: {  	[bflag:$0x3] =	sbarrier.arrive $0xFFFF  }
0xf3: {  	_ =	shalt  }

</sc_bundles>
